<compile_context>
chip_gen: v7x
topology: tpu7x:2x2x1
jax: 0.10.2.dev20260603
libtpu: 0.0.44.dev20260713+nightly
codegen_flags: <defaults>
</compile_context>

<pallas_src>
import functools

import jax
import jax.numpy as jnp
from jax import lax
from jax.experimental import pallas as pl
from jax.experimental.pallas import tpu as pltpu
from jax.experimental.pallas import tpu_sc as plsc

_TEMPERATURE = 0.8
_TOP_P = 0.95
_B = 64
_V = 100000
_L = 16
_NCHUNK = _V // _L
_NB1 = 4096
_NB23 = 512
_NC = 2
_NS = 16
_ROWS_PER_W = _B // (_NC * _NS)
_UNROLL = 4


def _iota16():
    return lax.broadcasted_iota(jnp.int32, (_L,), 0)


def _hist_walk(hist_ref, num_chunks, base_above, target):

    def cond(carry):
        j, _, done = carry
        return jnp.logical_not(done) & (j < num_chunks)

    def body(carry):
        j, acc, _ = carry
        c = num_chunks - 1 - j
        s = jnp.sum(hist_ref[pl.ds(c * _L, _L)])
        cross = (acc + s) > target
        return (jnp.where(cross, j, j + 1),
                jnp.where(cross, acc, acc + s),
                cross)

    j, acc, found = lax.while_loop(
        cond, body, (jnp.int32(0), base_above, jnp.bool_(False)))

    c = num_chunks - 1 - jnp.where(found, j, num_chunks - 1)
    hv = hist_ref[pl.ds(c * _L, _L)]
    rv = lax.rev(hv, (0,))
    cum = plsc.cumsum(rv) + acc
    crossed = cum > target
    lane = jnp.where(jnp.any(crossed),
                     jnp.min(plsc.all_reduce_ffs(crossed)), 0)
    sel = _iota16() == lane
    cum_l = jnp.sum(jnp.where(sel, cum, 0.0))
    hv_l = jnp.sum(jnp.where(sel, rv, 0.0))
    bstar = c * _L + (_L - 1) - lane
    h0 = jnp.sum(jnp.where(_iota16() == 0, hist_ref[pl.ds(0, _L)], 0.0))
    bstar = jnp.where(found, bstar, 0)
    above = jnp.where(found, cum_l - hv_l, acc - h0)
    incl = jnp.where(found, cum_l, acc)
    return bstar, above, incl


def _zero(ref, n):
    @plsc.parallel_loop(0, n // _L, unroll=_UNROLL)
    def _(i):
        ref[pl.ds(i * _L, _L)] = jnp.zeros((_L,), jnp.float32)


def _sc_body(x_hbm, o_hbm, row_v, h1_v, h2_v, h3_v):
    wid = lax.axis_index("s") * _NC + lax.axis_index("c")
    for k in range(_ROWS_PER_W):
        r = wid * _ROWS_PER_W + k
        pltpu.sync_copy(x_hbm.at[r], row_v)

        minf = jnp.full((_L,), -jnp.inf, jnp.float32)

        @plsc.parallel_loop(0, _NCHUNK - 2, 4, unroll=_UNROLL,
                            carry=(minf, minf, minf, minf))
        def macc(i, acc):
            return tuple(
                jnp.maximum(acc[t], row_v[pl.ds((i + t) * _L, _L)])
                for t in range(4))
        tail = jnp.maximum(row_v[pl.ds((_NCHUNK - 2) * _L, _L)],
                           row_v[pl.ds((_NCHUNK - 1) * _L, _L)])
        mx = jnp.max(jnp.maximum(jnp.maximum(macc[0], macc[1]),
                                 jnp.maximum(jnp.maximum(macc[2], macc[3]),
                                             tail)))

        _zero(h1_v, _NB1)

        @plsc.parallel_loop(0, _NCHUNK, 2, unroll=_UNROLL)
        def _(i):
            for t in range(2):
                sl = pl.ds((i + t) * _L, _L)
                w = jnp.exp((row_v[sl] - mx) * (1.0 / _TEMPERATURE))
                row_v[sl] = w
                idx = lax.shift_right_logical(
                    lax.bitcast_convert_type(w, jnp.int32), 18)
                plsc.addupdate_scatter(h1_v, [idx], w)

        zinit = jnp.zeros((_L,), jnp.float32)

        @plsc.parallel_loop(0, _NB1 // _L, 2, unroll=_UNROLL,
                            carry=(zinit, zinit))
        def zacc(i, z):
            return (z[0] + h1_v[pl.ds(i * _L, _L)],
                    z[1] + h1_v[pl.ds((i + 1) * _L, _L)])
        target = _TOP_P * jnp.sum(zacc[0] + zacc[1])

        b1, above1, _ = _hist_walk(h1_v, _NB1 // _L, jnp.float32(0.0), target)

        _zero(h2_v, _NB23)

        @plsc.parallel_loop(0, _NCHUNK, 2, unroll=_UNROLL)
        def _(i):
            for t in range(2):
                sl = pl.ds((i + t) * _L, _L)
                w = row_v[sl]
                b = lax.bitcast_convert_type(w, jnp.int32)
                m = lax.shift_right_logical(b, 18) == b1
                idx = lax.shift_right_logical(b, 9) & 0x1FF
                plsc.addupdate_scatter(h2_v, [idx], w, mask=m)
        b2, above2, _ = _hist_walk(h2_v, _NB23 // _L, above1, target)

        _zero(h3_v, _NB23)
        top23 = (b1 << 9) | b2

        @plsc.parallel_loop(0, _NCHUNK, 2, unroll=_UNROLL)
        def _(i):
            for t in range(2):
                sl = pl.ds((i + t) * _L, _L)
                w = row_v[sl]
                b = lax.bitcast_convert_type(w, jnp.int32)
                m = lax.shift_right_logical(b, 9) == top23
                idx = b & 0x1FF
                plsc.addupdate_scatter(h3_v, [idx], w, mask=m)
        b3, _, incl3 = _hist_walk(h3_v, _NB23 // _L, above2, target)

        tau = lax.bitcast_convert_type((top23 << 9) | b3, jnp.float32)
        inv_w = 1.0 / (incl3 + jnp.zeros((_L,), jnp.float32))

        @plsc.parallel_loop(0, _NCHUNK, 2, unroll=_UNROLL)
        def _(i):
            for t in range(2):
                sl = pl.ds((i + t) * _L, _L)
                w = row_v[sl]
                row_v[sl] = jnp.where(w >= tau, w * inv_w, 0.0)
        pltpu.sync_copy(row_v, o_hbm.at[r])


@jax.jit
def kernel(logits):
    mesh = plsc.VectorSubcoreMesh(core_axis_name="c", subcore_axis_name="s",
                                  num_cores=_NC, num_subcores=_NS)
    f = pl.kernel(
        _sc_body,
        out_type=jax.ShapeDtypeStruct((_B, _V), jnp.float32),
        mesh=mesh,
        compiler_params=pltpu.CompilerParams(needs_layout_passes=False),
        scratch_types=[
            pltpu.VMEM((_V,), jnp.float32),
            pltpu.VMEM((_NB1,), jnp.float32),
            pltpu.VMEM((_NB23,), jnp.float32),
            pltpu.VMEM((_NB23,), jnp.float32),
        ],
    )
    return f(logits)

# --- scband reference (transcript-rebuilt; emitter-appended) ---
"""Pipeline reference for scband-improved-discrete-observation-29652454211648 (READ-ONLY COPY).

The authoritative reference and input builder live on the scoring server;
editing this copy changes nothing except your own understanding.
"""

import jax, jax.numpy as jnp
import numpy as np

TEMPERATURE = 0.8
TOP_P = 0.95

def setup_inputs(seed: int = 0) -> dict:
    key = jax.random.key(seed)
    logits = jax.random.normal(key, (64, 100000), dtype=jnp.float32) * 3.0
    return {"logits": logits}

def _nucleus_filter(logits):
    # AdvancedSampler.apply_temperature
    x = logits / TEMPERATURE
    # sort descending (torch.sort(..., descending=True))
    order = jnp.argsort(x, axis=-1)[:, ::-1]
    sorted_logits = jnp.take_along_axis(x, order, axis=-1)
    # cumulative probs of softmax over sorted logits
    cumulative_probs = jnp.cumsum(jax.nn.softmax(sorted_logits, axis=-1), axis=-1)
    cutoff_mask = cumulative_probs > TOP_P
    # shift right by one so the first token exceeding p is kept
    cutoff_mask = jnp.concatenate(
        [jnp.zeros_like(cutoff_mask[:, :1]), cutoff_mask[:, :-1]], axis=-1)
    sorted_logits = jnp.where(cutoff_mask, -jnp.inf, sorted_logits)
    # scatter back to original vocab positions
    b = jnp.arange(logits.shape[0])[:, None]
    original_logits = jnp.zeros_like(logits).at[b, order].set(sorted_logits)
    return original_logits

def reference(logits):
    # sample_with_strategies with top_p=0.95, temperature=0.8,
    # repetition_penalty=1.0 (skipped), deterministic output: filtered probs
    filtered = _nucleus_filter(logits)
    probs = jax.nn.softmax(filtered, axis=-1)
    return probs

if __name__ == "__main__":
    import jax
    _d = setup_inputs()
    print(jax.jit(kernel)(*tuple(_d.values())))

</pallas_src>

<mosaic_0001>
#map = affine_map<(d0, d1) -> (0, 0)>
module attributes {stable_mosaic.version = 14 : i64} {
  func.func @_sc_body(%arg0: i32, %arg1: i32, %arg2: memref<64x100000xf32, #tpu.memory_space<hbm>>, %arg3: memref<64x100000xf32, #tpu.memory_space<hbm>>, %arg4: memref<100000xf32, #tpu.memory_space<vmem>>, %arg5: memref<4096xf32, #tpu.memory_space<vmem>>, %arg6: memref<512xf32, #tpu.memory_space<vmem>>, %arg7: memref<512xf32, #tpu.memory_space<vmem>>) attributes {dimension_semantics = [#tpu.dimension_semantics<core_parallel>, #tpu.dimension_semantics<subcore_parallel>], iteration_bounds = array<i64: 2, 16>, scalar_prefetch = 0 : i64, scratch_operands = 4 : i64, tpu.core_type = #tpu.core_type<sc_vector_subcore>, window_params = [{transform_indices = #map}, {transform_indices = #map}]} {
    %mul3A = arith.constant 2 : i32
    %mul3A_0 = arith.muli %arg1, %mul3A : i32
    %add3A = arith.addi %mul3A_0, %arg0 : i32
    %mul3A_1 = arith.constant 2 : i32
    %mul3A_2 = arith.muli %add3A, %mul3A_1 : i32
    %add3A_3 = arith.constant 0 : i32
    %add3A_4 = arith.addi %mul3A_2, %add3A_3 : i32
    "tpu.region"() ({
      %run_scoped3A = tpu.sem_alloc : memref<!tpu.dma_semaphore, #tpu.memory_space<semaphore_mem>>
      %dma_start3A = arith.constant 0 : i32
      %dma_start3A_639 = tpu.memref_slice %arg2[%add3A_4, %dma_start3A] : memref<64x100000xf32, #tpu.memory_space<hbm>> -> memref<1x100000xf32, #tpu.memory_space<hbm>>
      %dma_start3A_640 = tpu.memref_squeeze %dma_start3A_639 : memref<1x100000xf32, #tpu.memory_space<hbm>> -> memref<100000xf32, #tpu.memory_space<hbm>>
      %dma_start3A_641 = arith.constant 0 : i32
      %dma_start3A_642 = tpu.memref_slice %arg2[%add3A_4, %dma_start3A_641] : memref<64x100000xf32, #tpu.memory_space<hbm>> -> memref<1x100000xf32, #tpu.memory_space<hbm>>
      %dma_start3A_643 = tpu.memref_squeeze %dma_start3A_642 : memref<1x100000xf32, #tpu.memory_space<hbm>> -> memref<100000xf32, #tpu.memory_space<hbm>>
      tpu.enqueue_dma source(%dma_start3A_643 : memref<100000xf32, #tpu.memory_space<hbm>>) target(%arg4 : memref<100000xf32, #tpu.memory_space<vmem>>) target_semaphore(%run_scoped3A : memref<!tpu.dma_semaphore, #tpu.memory_space<semaphore_mem>>)
      %dma_wait3A = arith.constant 0 : i32
      %dma_wait3A_644 = tpu.memref_slice %arg2[%add3A_4, %dma_wait3A] : memref<64x100000xf32, #tpu.memory_space<hbm>> -> memref<1x100000xf32, #tpu.memory_space<hbm>>
      %dma_wait3A_645 = tpu.memref_squeeze %dma_wait3A_644 : memref<1x100000xf32, #tpu.memory_space<hbm>> -> memref<100000xf32, #tpu.memory_space<hbm>>
      %dma_wait3A_646 = arith.constant 0 : i32
      %dma_wait3A_647 = tpu.memref_slice %arg2[%add3A_4, %dma_wait3A_646] : memref<64x100000xf32, #tpu.memory_space<hbm>> -> memref<1x100000xf32, #tpu.memory_space<hbm>>
      %dma_wait3A_648 = tpu.memref_squeeze %dma_wait3A_647 : memref<1x100000xf32, #tpu.memory_space<hbm>> -> memref<100000xf32, #tpu.memory_space<hbm>>
      tpu.wait_dma2 semaphore(%run_scoped3A : memref<!tpu.dma_semaphore, #tpu.memory_space<semaphore_mem>>) src(%dma_wait3A_648 : memref<100000xf32, #tpu.memory_space<hbm>>) dst(%arg4 : memref<100000xf32, #tpu.memory_space<vmem>>)
      tpu.yield
    }) : () -> ()
    %broadcast_in_dim3A = arith.constant 0xFF800000 : f32
    %broadcast_in_dim3A_5 = vector.broadcast %broadcast_in_dim3A : f32 to vector<16xf32>
    %parallel_loop3A = arith.constant 0 : i32
    %parallel_loop3A_6 = arith.constant 6248 : i32
    %parallel_loop3A_7 = arith.constant 4 : i32
    %parallel_loop3A_8:4 = scf.for %parallel_loop3A_639 = %parallel_loop3A to %parallel_loop3A_6 step %parallel_loop3A_7 iter_args(%parallel_loop3A_640 = %broadcast_in_dim3A_5, %parallel_loop3A_641 = %broadcast_in_dim3A_5, %parallel_loop3A_642 = %broadcast_in_dim3A_5, %parallel_loop3A_643 = %broadcast_in_dim3A_5) -> (vector<16xf32>, vector<16xf32>, vector<16xf32>, vector<16xf32>)  : i32 {
      %parallel_loop3A_644 = arith.constant 0 : i32
      %parallel_loop3A_645 = arith.addi %parallel_loop3A_639, %parallel_loop3A_644 : i32
      %parallel_loop3A_646 = arith.constant 16 : i32
      %parallel_loop3A_647 = arith.muli %parallel_loop3A_645, %parallel_loop3A_646 : i32
      %parallel_loop3A_648 = arith.index_cast %parallel_loop3A_647 : i32 to index
      %parallel_loop3A_649 = tpu.vector_load %arg4[%parallel_loop3A_648] {strides = array<i32>} : memref<100000xf32, #tpu.memory_space<vmem>>, vector<16xf32>,
      %parallel_loop3A_650 = arith.maximumf %parallel_loop3A_640, %parallel_loop3A_649 : vector<16xf32>
      %parallel_loop3A_651 = arith.constant 1 : i32
      %parallel_loop3A_652 = arith.addi %parallel_loop3A_639, %parallel_loop3A_651 : i32
      %parallel_loop3A_653 = arith.constant 16 : i32
      %parallel_loop3A_654 = arith.muli %parallel_loop3A_652, %parallel_loop3A_653 : i32
      %parallel_loop3A_655 = arith.index_cast %parallel_loop3A_654 : i32 to index
      %parallel_loop3A_656 = tpu.vector_load %arg4[%parallel_loop3A_655] {strides = array<i32>} : memref<100000xf32, #tpu.memory_space<vmem>>, vector<16xf32>,
      %parallel_loop3A_657 = arith.maximumf %parallel_loop3A_641, %parallel_loop3A_656 : vector<16xf32>
      %parallel_loop3A_658 = arith.constant 2 : i32
      %parallel_loop3A_659 = arith.addi %parallel_loop3A_639, %parallel_loop3A_658 : i32
      %parallel_loop3A_660 = arith.constant 16 : i32
      %parallel_loop3A_661 = arith.muli %parallel_loop3A_659, %parallel_loop3A_660 : i32
      %parallel_loop3A_662 = arith.index_cast %parallel_loop3A_661 : i32 to index
      %parallel_loop3A_663 = tpu.vector_load %arg4[%parallel_loop3A_662] {strides = array<i32>} : memref<100000xf32, #tpu.memory_space<vmem>>, vector<16xf32>,
      %parallel_loop3A_664 = arith.maximumf %parallel_loop3A_642, %parallel_loop3A_663 : vector<16xf32>
      %parallel_loop3A_665 = arith.constant 3 : i32
      %parallel_loop3A_666 = arith.addi %parallel_loop3A_639, %parallel_loop3A_665 : i32
      %parallel_loop3A_667 = arith.constant 16 : i32
      %parallel_loop3A_668 = arith.muli %parallel_loop3A_666, %parallel_loop3A_667 : i32
      %parallel_loop3A_669 = arith.index_cast %parallel_loop3A_668 : i32 to index
      %parallel_loop3A_670 = tpu.vector_load %arg4[%parallel_loop3A_669] {strides = array<i32>} : memref<100000xf32, #tpu.memory_space<vmem>>, vector<16xf32>,
      %parallel_loop3A_671 = arith.maximumf %parallel_loop3A_643, %parallel_loop3A_670 : vector<16xf32>
      scf.yield %parallel_loop3A_650, %parallel_loop3A_657, %parallel_loop3A_664, %parallel_loop3A_671 : vector<16xf32>, vector<16xf32>, vector<16xf32>, vector<16xf32>
    } {sc.loop_unroll_factor = 4 : i64, sc.parallel_access}
    %get3A = arith.constant 99968 : index
    %get3A_9 = tpu.vector_load %arg4[%get3A] {strides = array<i32>} : memref<100000xf32, #tpu.memory_space<vmem>>, vector<16xf32>,
    %get3A_10 = arith.constant 99984 : index
    %get3A_11 = tpu.vector_load %arg4[%get3A_10] {strides = array<i32>} : memref<100000xf32, #tpu.memory_space<vmem>>, vector<16xf32>,
    %max3A = arith.maximumf %get3A_9, %get3A_11 : vector<16xf32>
    %max3A_12 = arith.maximumf %parallel_loop3A_8#0, %parallel_loop3A_8#1 : vector<16xf32>
    %max3A_13 = arith.maximumf %parallel_loop3A_8#2, %parallel_loop3A_8#3 : vector<16xf32>
    %max3A_14 = arith.maximumf %max3A_13, %max3A : vector<16xf32>
    %max3A_15 = arith.maximumf %max3A_12, %max3A_14 : vector<16xf32>
    %reduce_max3A = arith.constant true
    %reduce_max3A_16 = vector.broadcast %reduce_max3A : i1 to vector<16xi1>
    %reduce_max3A_17 = tpu.scan <max>, %max3A_15 masked %reduce_max3A_16 : vector<16xf32>, vector<16xi1> -> vector<16xf32>
    %reduce_max3A_18 = vector.extract %reduce_max3A_17[15] : f32 from vector<16xf32>
    %parallel_loop3A_19 = arith.constant 0 : i32
    %parallel_loop3A_20 = arith.constant 256 : i32
    %parallel_loop3A_21 = arith.constant 1 : i32
    scf.for %parallel_loop3A_639 = %parallel_loop3A_19 to %parallel_loop3A_20 step %parallel_loop3A_21  : i32 {
      %parallel_loop3A_640 = arith.constant 0.000000e+00 : f32
      %parallel_loop3A_641 = vector.broadcast %parallel_loop3A_640 : f32 to vector<16xf32>
      %parallel_loop3A_642 = arith.constant 16 : i32
      %parallel_loop3A_643 = arith.muli %parallel_loop3A_639, %parallel_loop3A_642 : i32
      %parallel_loop3A_644 = arith.index_cast %parallel_loop3A_643 : i32 to index
      %parallel_loop3A_645 = tpu.vector_load %arg5[%parallel_loop3A_644] {strides = array<i32>} : memref<4096xf32, #tpu.memory_space<vmem>>, vector<16xf32>,
      tpu.vector_store %arg5[%parallel_loop3A_644], %parallel_loop3A_641 {strides = array<i32>} : memref<4096xf32, #tpu.memory_space<vmem>>, vector<16xf32>,
    } {sc.loop_unroll_factor = 4 : i64, sc.parallel_access}
    %parallel_loop3A_22 = arith.constant 0 : i32
    %parallel_loop3A_23 = arith.constant 6250 : i32
    %parallel_loop3A_24 = arith.constant 2 : i32
    scf.for %parallel_loop3A_639 = %parallel_loop3A_22 to %parallel_loop3A_23 step %parallel_loop3A_24  : i32 {
      %parallel_loop3A_640 = arith.constant 0 : i32
      %parallel_loop3A_641 = arith.addi %parallel_loop3A_639, %parallel_loop3A_640 : i32
      %parallel_loop3A_642 = arith.constant 16 : i32
      %parallel_loop3A_643 = arith.muli %parallel_loop3A_641, %parallel_loop3A_642 : i32
      %parallel_loop3A_644 = arith.index_cast %parallel_loop3A_643 : i32 to index
      %parallel_loop3A_645 = tpu.vector_load %arg4[%parallel_loop3A_644] {strides = array<i32>} : memref<100000xf32, #tpu.memory_space<vmem>>, vector<16xf32>,
      %parallel_loop3A_646 = vector.broadcast %reduce_max3A_18 : f32 to vector<16xf32>
      %parallel_loop3A_647 = arith.subf %parallel_loop3A_645, %parallel_loop3A_646 : vector<16xf32>
      %parallel_loop3A_648 = arith.constant 1.250000e+00 : f32
      %parallel_loop3A_649 = vector.broadcast %parallel_loop3A_648 : f32 to vector<16xf32>
      %parallel_loop3A_650 = arith.mulf %parallel_loop3A_647, %parallel_loop3A_649 : vector<16xf32>
      %parallel_loop3A_651 = math.exp %parallel_loop3A_650 : vector<16xf32>
      %parallel_loop3A_652 = arith.index_cast %parallel_loop3A_643 : i32 to index
      %parallel_loop3A_653 = tpu.vector_load %arg4[%parallel_loop3A_652] {strides = array<i32>} : memref<100000xf32, #tpu.memory_space<vmem>>, vector<16xf32>,
      tpu.vector_store %arg4[%parallel_loop3A_652], %parallel_loop3A_651 {strides = array<i32>} : memref<100000xf32, #tpu.memory_space<vmem>>, vector<16xf32>,
      %parallel_loop3A_654 = tpu.bitcast %parallel_loop3A_651 : vector<16xf32> -> vector<16xi32>
      %parallel_loop3A_655 = arith.constant 18 : i32
      %parallel_loop3A_656 = vector.broadcast %parallel_loop3A_655 : i32 to vector<16xi32>
      %parallel_loop3A_657 = arith.shrui %parallel_loop3A_654, %parallel_loop3A_656 : vector<16xi32>
      tpu.vector_store_idx %arg5[%parallel_loop3A_657], %parallel_loop3A_651 {add = true} : memref<4096xf32, #tpu.memory_space<vmem>>[vector<16xi32>], vector<16xf32>,
      %parallel_loop3A_658 = arith.constant 1 : i32
      %parallel_loop3A_659 = arith.addi %parallel_loop3A_639, %parallel_loop3A_658 : i32
      %parallel_loop3A_660 = arith.constant 16 : i32
      %parallel_loop3A_661 = arith.muli %parallel_loop3A_659, %parallel_loop3A_660 : i32
      %parallel_loop3A_662 = arith.index_cast %parallel_loop3A_661 : i32 to index
      %parallel_loop3A_663 = tpu.vector_load %arg4[%parallel_loop3A_662] {strides = array<i32>} : memref<100000xf32, #tpu.memory_space<vmem>>, vector<16xf32>,
      %parallel_loop3A_664 = vector.broadcast %reduce_max3A_18 : f32 to vector<16xf32>
      %parallel_loop3A_665 = arith.subf %parallel_loop3A_663, %parallel_loop3A_664 : vector<16xf32>
      %parallel_loop3A_666 = arith.constant 1.250000e+00 : f32
      %parallel_loop3A_667 = vector.broadcast %parallel_loop3A_666 : f32 to vector<16xf32>
      %parallel_loop3A_668 = arith.mulf %parallel_loop3A_665, %parallel_loop3A_667 : vector<16xf32>
      %parallel_loop3A_669 = math.exp %parallel_loop3A_668 : vector<16xf32>
      %parallel_loop3A_670 = arith.index_cast %parallel_loop3A_661 : i32 to index
      %parallel_loop3A_671 = tpu.vector_load %arg4[%parallel_loop3A_670] {strides = array<i32>} : memref<100000xf32, #tpu.memory_space<vmem>>, vector<16xf32>,
      tpu.vector_store %arg4[%parallel_loop3A_670], %parallel_loop3A_669 {strides = array<i32>} : memref<100000xf32, #tpu.memory_space<vmem>>, vector<16xf32>,
      %parallel_loop3A_672 = tpu.bitcast %parallel_loop3A_669 : vector<16xf32> -> vector<16xi32>
      %parallel_loop3A_673 = arith.constant 18 : i32
      %parallel_loop3A_674 = vector.broadcast %parallel_loop3A_673 : i32 to vector<16xi32>
      %parallel_loop3A_675 = arith.shrui %parallel_loop3A_672, %parallel_loop3A_674 : vector<16xi32>
      tpu.vector_store_idx %arg5[%parallel_loop3A_675], %parallel_loop3A_669 {add = true} : memref<4096xf32, #tpu.memory_space<vmem>>[vector<16xi32>], vector<16xf32>,
    } {sc.loop_unroll_factor = 4 : i64, sc.parallel_access}
    %broadcast_in_dim3A_25 = arith.constant 0.000000e+00 : f32
    %broadcast_in_dim3A_26 = vector.broadcast %broadcast_in_dim3A_25 : f32 to vector<16xf32>
    %parallel_loop3A_27 = arith.constant 0 : i32
    %parallel_loop3A_28 = arith.constant 256 : i32
    %parallel_loop3A_29 = arith.constant 2 : i32
    %parallel_loop3A_30:2 = scf.for %parallel_loop3A_639 = %parallel_loop3A_27 to %parallel_loop3A_28 step %parallel_loop3A_29 iter_args(%parallel_loop3A_640 = %broadcast_in_dim3A_26, %parallel_loop3A_641 = %broadcast_in_dim3A_26) -> (vector<16xf32>, vector<16xf32>)  : i32 {
      %parallel_loop3A_642 = arith.constant 16 : i32
      %parallel_loop3A_643 = arith.muli %parallel_loop3A_639, %parallel_loop3A_642 : i32
      %parallel_loop3A_644 = arith.index_cast %parallel_loop3A_643 : i32 to index
      %parallel_loop3A_645 = tpu.vector_load %arg5[%parallel_loop3A_644] {strides = array<i32>} : memref<4096xf32, #tpu.memory_space<vmem>>, vector<16xf32>,
      %parallel_loop3A_646 = arith.addf %parallel_loop3A_640, %parallel_loop3A_645 : vector<16xf32>
      %parallel_loop3A_647 = arith.constant 1 : i32
      %parallel_loop3A_648 = arith.addi %parallel_loop3A_639, %parallel_loop3A_647 : i32
      %parallel_loop3A_649 = arith.constant 16 : i32
      %parallel_loop3A_650 = arith.muli %parallel_loop3A_648, %parallel_loop3A_649 : i32
      %parallel_loop3A_651 = arith.index_cast %parallel_loop3A_650 : i32 to index
      %parallel_loop3A_652 = tpu.vector_load %arg5[%parallel_loop3A_651] {strides = array<i32>} : memref<4096xf32, #tpu.memory_space<vmem>>, vector<16xf32>,
      %parallel_loop3A_653 = arith.addf %parallel_loop3A_641, %parallel_loop3A_652 : vector<16xf32>
      scf.yield %parallel_loop3A_646, %parallel_loop3A_653 : vector<16xf32>, vector<16xf32>
    } {sc.loop_unroll_factor = 4 : i64, sc.parallel_access}
    %add3A_31 = arith.addf %parallel_loop3A_30#0, %parallel_loop3A_30#1 : vector<16xf32>
    %reduce_sum3A = arith.constant true
    %reduce_sum3A_32 = vector.broadcast %reduce_sum3A : i1 to vector<16xi1>
    %reduce_sum3A_33 = tpu.scan <sum>, %add3A_31 masked %reduce_sum3A_32 : vector<16xf32>, vector<16xi1> -> vector<16xf32>
    %reduce_sum3A_34 = vector.extract %reduce_sum3A_33[15] : f32 from vector<16xf32>
    %mul3A_35 = arith.constant 0.949999988 : f32
    %mul3A_36 = arith.mulf %mul3A_35, %reduce_sum3A_34 : f32
    %while3A = arith.constant 0 : i32
    %while3A_37 = arith.constant 0.000000e+00 : f32
    %while3A_38 = arith.constant false
    %while3A_39:3 = scf.while (%while3A_639 = %while3A, %while3A_640 = %while3A_37, %while3A_641 = %while3A_38) : (i32, f32, i1) -> (i32, f32, i1) {
      %not3A = arith.constant true
      %not3A_642 = arith.xori %while3A_641, %not3A : i1
      %lt3A = arith.constant 256 : i32
      %lt3A_643 = arith.cmpi slt, %while3A_639, %lt3A : i32
      %and3A = arith.andi %not3A_642, %lt3A_643 : i1
      scf.condition(%and3A) %while3A_639, %while3A_640, %while3A_641 : i32, f32, i1
    } do {
    ^bb0(%while3A_639: i32, %while3A_640: f32, %while3A_641: i1):
      %sub3A_642 = arith.constant 255 : i32
      %sub3A_643 = arith.subi %sub3A_642, %while3A_639 : i32
      %mul3A_644 = arith.constant 16 : i32
      %mul3A_645 = arith.muli %sub3A_643, %mul3A_644 : i32
      %get3A_646 = arith.index_cast %mul3A_645 : i32 to index
      %get3A_647 = tpu.vector_load %arg5[%get3A_646] {strides = array<i32>} : memref<4096xf32, #tpu.memory_space<vmem>>, vector<16xf32>,
      %reduce_sum3A_648 = arith.constant true
      %reduce_sum3A_649 = vector.broadcast %reduce_sum3A_648 : i1 to vector<16xi1>
      %reduce_sum3A_650 = tpu.scan <sum>, %get3A_647 masked %reduce_sum3A_649 : vector<16xf32>, vector<16xi1> -> vector<16xf32>
      %reduce_sum3A_651 = vector.extract %reduce_sum3A_650[15] : f32 from vector<16xf32>
      %add3A_652 = arith.addf %while3A_640, %reduce_sum3A_651 : f32
      %gt3A_653 = arith.cmpf ogt, %add3A_652, %mul3A_36 : f32
      %add3A_654 = arith.constant 1 : i32
      %add3A_655 = arith.addi %while3A_639, %add3A_654 : i32
      %select_n3A_656 = arith.select %gt3A_653, %while3A_639, %add3A_655 : i32
      %add3A_657 = arith.addf %while3A_640, %reduce_sum3A_651 : f32
      %select_n3A_658 = arith.select %gt3A_653, %while3A_640, %add3A_657 : f32
      scf.yield %select_n3A_656, %select_n3A_658, %gt3A_653 : i32, f32, i1
    }
    %jit3A = arith.constant 255 : i32
    %select_n3A = arith.select %while3A_39#2, %while3A_39#0, %jit3A : i32
    %sub3A = arith.constant 255 : i32
    %sub3A_40 = arith.subi %sub3A, %select_n3A : i32
    %mul3A_41 = arith.constant 16 : i32
    %mul3A_42 = arith.muli %sub3A_40, %mul3A_41 : i32
    %get3A_43 = arith.index_cast %mul3A_42 : i32 to index
    %get3A_44 = tpu.vector_load %arg5[%get3A_43] {strides = array<i32>} : memref<4096xf32, #tpu.memory_space<vmem>>, vector<16xf32>,
    %rev3A = arith.constant 15 : i32
    %rev3A_45 = vector.broadcast %rev3A : i32 to vector<16xi32>
    %rev3A_46 = tpu.iota {dimensions = array<i32: 0>} : vector<16xi32>
    %rev3A_47 = arith.subi %rev3A_45, %rev3A_46 : vector<16xi32>
    %rev3A_48 = tpu.dynamic_gather %get3A_44[%rev3A_47] in [0] : vector<16xf32>, vector<16xi32> -> vector<16xf32>
    %broadcast_in_dim3A_49 = arith.constant true
    %broadcast_in_dim3A_50 = vector.broadcast %broadcast_in_dim3A_49 : i1 to vector<16xi1>
    %masked_cumsum3A = tpu.scan <sum>, %rev3A_48 masked %broadcast_in_dim3A_50 : vector<16xf32>, vector<16xi1> -> vector<16xf32>
    %add3A_51 = vector.broadcast %while3A_39#1 : f32 to vector<16xf32>
    %add3A_52 = arith.addf %masked_cumsum3A, %add3A_51 : vector<16xf32>
    %gt3A = vector.broadcast %mul3A_36 : f32 to vector<16xf32>
    %gt3A_53 = arith.cmpf ogt, %add3A_52, %gt3A : vector<16xf32>
    %reduce_or3A = arith.constant 1.000000e+00 : f32
    %reduce_or3A_54 = arith.constant 0.000000e+00 : f32
    %reduce_or3A_55 = vector.broadcast %reduce_or3A : f32 to vector<16xf32>
    %reduce_or3A_56 = vector.broadcast %reduce_or3A_54 : f32 to vector<16xf32>
    %reduce_or3A_57 = arith.select %gt3A_53, %reduce_or3A_55, %reduce_or3A_56 : vector<16xi1>, vector<16xf32>
    %reduce_or3A_58 = arith.constant true
    %reduce_or3A_59 = vector.broadcast %reduce_or3A_58 : i1 to vector<16xi1>
    %reduce_or3A_60 = tpu.scan <max>, %reduce_or3A_57 masked %reduce_or3A_59 : vector<16xf32>, vector<16xi1> -> vector<16xf32>
    %reduce_or3A_61 = vector.extract %reduce_or3A_60[15] : f32 from vector<16xf32>
    %reduce_or3A_62 = arith.constant 0.000000e+00 : f32
    %reduce_or3A_63 = arith.cmpf ogt, %reduce_or3A_61, %reduce_or3A_62 : f32
    %all_reduce_ffs3A = tpu.all_reduce %gt3A_53 {dim = 0 : i64, kind = #tpu.reduction_kind<find_first_set>} : vector<16xi1> -> vector<16xi32>
    %reduce_min3A = arith.constant true
    %reduce_min3A_64 = vector.broadcast %reduce_min3A : i1 to vector<16xi1>
    %reduce_min3A_65 = arith.constant -2147483648 : i32
    %reduce_min3A_66 = vector.broadcast %reduce_min3A_65 : i32 to vector<16xi32>
    %reduce_min3A_67 = arith.xori %all_reduce_ffs3A, %reduce_min3A_66 : vector<16xi32>
    %reduce_min3A_68 = tpu.scan <min>, %reduce_min3A_67 masked %reduce_min3A_64 : vector<16xi32>, vector<16xi1> -> vector<16xi32>
    %reduce_min3A_69 = arith.xori %reduce_min3A_68, %reduce_min3A_66 : vector<16xi32>
    %reduce_min3A_70 = vector.extract %reduce_min3A_69[15] : i32 from vector<16xi32>
    %jit3A_71 = arith.constant 0 : i32
    %select_n3A_72 = arith.select %reduce_or3A_63, %reduce_min3A_70, %jit3A_71 : i32
    %iota3A = tpu.iota {dimensions = array<i32: 0>} : vector<16xi32>
    %eq3A = vector.broadcast %select_n3A_72 : i32 to vector<16xi32>
    %eq3A_73 = arith.cmpi eq, %iota3A, %eq3A : vector<16xi32>
    %jit3A_74 = arith.constant 0.000000e+00 : f32
    %broadcast_in_dim3A_75 = vector.broadcast %jit3A_74 : f32 to vector<16xf32>
    %select_n3A_76 = arith.select %eq3A_73, %add3A_52, %broadcast_in_dim3A_75 : vector<16xi1>, vector<16xf32>
    %reduce_sum3A_77 = arith.constant true
    %reduce_sum3A_78 = vector.broadcast %reduce_sum3A_77 : i1 to vector<16xi1>
    %reduce_sum3A_79 = tpu.scan <sum>, %select_n3A_76 masked %reduce_sum3A_78 : vector<16xf32>, vector<16xi1> -> vector<16xf32>
    %reduce_sum3A_80 = vector.extract %reduce_sum3A_79[15] : f32 from vector<16xf32>
    %jit3A_81 = arith.constant 0.000000e+00 : f32
    %broadcast_in_dim3A_82 = vector.broadcast %jit3A_81 : f32 to vector<16xf32>
    %select_n3A_83 = arith.select %eq3A_73, %rev3A_48, %broadcast_in_dim3A_82 : vector<16xi1>, vector<16xf32>
    %reduce_sum3A_84 = arith.constant true
    %reduce_sum3A_85 = vector.broadcast %reduce_sum3A_84 : i1 to vector<16xi1>
    %reduce_sum3A_86 = tpu.scan <sum>, %select_n3A_83 masked %reduce_sum3A_85 : vector<16xf32>, vector<16xi1> -> vector<16xf32>
    %reduce_sum3A_87 = vector.extract %reduce_sum3A_86[15] : f32 from vector<16xf32>
    %mul3A_88 = arith.constant 16 : i32
    %mul3A_89 = arith.muli %sub3A_40, %mul3A_88 : i32
    %add3A_90 = arith.constant 15 : i32
    %add3A_91 = arith.addi %mul3A_89, %add3A_90 : i32
    %sub3A_92 = arith.subi %add3A_91, %select_n3A_72 : i32
    %iota3A_93 = tpu.iota {dimensions = array<i32: 0>} : vector<16xi32>
    %eq3A_94 = arith.constant 0 : i32
    %eq3A_95 = vector.broadcast %eq3A_94 : i32 to vector<16xi32>
    %eq3A_96 = arith.cmpi eq, %iota3A_93, %eq3A_95 : vector<16xi32>
    %get3A_97 = arith.constant 0 : index
    %get3A_98 = tpu.vector_load %arg5[%get3A_97] {strides = array<i32>} : memref<4096xf32, #tpu.memory_space<vmem>>, vector<16xf32>,
    %jit3A_99 = arith.constant 0.000000e+00 : f32
    %broadcast_in_dim3A_100 = vector.broadcast %jit3A_99 : f32 to vector<16xf32>
    %select_n3A_101 = arith.select %eq3A_96, %get3A_98, %broadcast_in_dim3A_100 : vector<16xi1>, vector<16xf32>
    %reduce_sum3A_102 = arith.constant true
    %reduce_sum3A_103 = vector.broadcast %reduce_sum3A_102 : i1 to vector<16xi1>
    %reduce_sum3A_104 = tpu.scan <sum>, %select_n3A_101 masked %reduce_sum3A_103 : vector<16xf32>, vector<16xi1> -> vector<16xf32>
    %reduce_sum3A_105 = vector.extract %reduce_sum3A_104[15] : f32 from vector<16xf32>
    %jit3A_106 = arith.constant 0 : i32
    %select_n3A_107 = arith.select %while3A_39#2, %sub3A_92, %jit3A_106 : i32
    %sub3A_108 = arith.subf %reduce_sum3A_80, %reduce_sum3A_87 : f32
    %sub3A_109 = arith.subf %while3A_39#1, %reduce_sum3A_105 : f32
    %select_n3A_110 = arith.select %while3A_39#2, %sub3A_108, %sub3A_109 : f32
    %select_n3A_111 = arith.select %while3A_39#2, %reduce_sum3A_80, %while3A_39#1 : f32
    %parallel_loop3A_112 = arith.constant 0 : i32
    %parallel_loop3A_113 = arith.constant 32 : i32
    %parallel_loop3A_114 = arith.constant 1 : i32
    scf.for %parallel_loop3A_639 = %parallel_loop3A_112 to %parallel_loop3A_113 step %parallel_loop3A_114  : i32 {
      %parallel_loop3A_640 = arith.constant 0.000000e+00 : f32
      %parallel_loop3A_641 = vector.broadcast %parallel_loop3A_640 : f32 to vector<16xf32>
      %parallel_loop3A_642 = arith.constant 16 : i32
      %parallel_loop3A_643 = arith.muli %parallel_loop3A_639, %parallel_loop3A_642 : i32
      %parallel_loop3A_644 = arith.index_cast %parallel_loop3A_643 : i32 to index
      %parallel_loop3A_645 = tpu.vector_load %arg6[%parallel_loop3A_644] {strides = array<i32>} : memref<512xf32, #tpu.memory_space<vmem>>, vector<16xf32>,
      tpu.vector_store %arg6[%parallel_loop3A_644], %parallel_loop3A_641 {strides = array<i32>} : memref<512xf32, #tpu.memory_space<vmem>>, vector<16xf32>,
    } {sc.loop_unroll_factor = 4 : i64, sc.parallel_access}
    %parallel_loop3A_115 = arith.constant 0 : i32
    %parallel_loop3A_116 = arith.constant 6250 : i32
    %parallel_loop3A_117 = arith.constant 2 : i32
    scf.for %parallel_loop3A_639 = %parallel_loop3A_115 to %parallel_loop3A_116 step %parallel_loop3A_117  : i32 {
      %parallel_loop3A_640 = arith.constant 0 : i32
      %parallel_loop3A_641 = arith.addi %parallel_loop3A_639, %parallel_loop3A_640 : i32
      %parallel_loop3A_642 = arith.constant 16 : i32
      %parallel_loop3A_643 = arith.muli %parallel_loop3A_641, %parallel_loop3A_642 : i32
      %parallel_loop3A_644 = arith.index_cast %parallel_loop3A_643 : i32 to index
      %parallel_loop3A_645 = tpu.vector_load %arg4[%parallel_loop3A_644] {strides = array<i32>} : memref<100000xf32, #tpu.memory_space<vmem>>, vector<16xf32>,
      %parallel_loop3A_646 = tpu.bitcast %parallel_loop3A_645 : vector<16xf32> -> vector<16xi32>
      %parallel_loop3A_647 = arith.constant 18 : i32
      %parallel_loop3A_648 = vector.broadcast %parallel_loop3A_647 : i32 to vector<16xi32>
      %parallel_loop3A_649 = arith.shrui %parallel_loop3A_646, %parallel_loop3A_648 : vector<16xi32>
      %parallel_loop3A_650 = vector.broadcast %select_n3A_107 : i32 to vector<16xi32>
      %parallel_loop3A_651 = arith.cmpi eq, %parallel_loop3A_649, %parallel_loop3A_650 : vector<16xi32>
      %parallel_loop3A_652 = arith.constant 9 : i32
      %parallel_loop3A_653 = vector.broadcast %parallel_loop3A_652 : i32 to vector<16xi32>
      %parallel_loop3A_654 = arith.shrui %parallel_loop3A_646, %parallel_loop3A_653 : vector<16xi32>
      %parallel_loop3A_655 = arith.constant 511 : i32
      %parallel_loop3A_656 = vector.broadcast %parallel_loop3A_655 : i32 to vector<16xi32>
      %parallel_loop3A_657 = arith.andi %parallel_loop3A_654, %parallel_loop3A_656 : vector<16xi32>
      tpu.vector_store_idx %arg6[%parallel_loop3A_657], %parallel_loop3A_645 masked %parallel_loop3A_651 {add = true} : memref<512xf32, #tpu.memory_space<vmem>>[vector<16xi32>], vector<16xf32>, vector<16xi1>
      %parallel_loop3A_658 = arith.constant 1 : i32
      %parallel_loop3A_659 = arith.addi %parallel_loop3A_639, %parallel_loop3A_658 : i32
      %parallel_loop3A_660 = arith.constant 16 : i32
      %parallel_loop3A_661 = arith.muli %parallel_loop3A_659, %parallel_loop3A_660 : i32
      %parallel_loop3A_662 = arith.index_cast %parallel_loop3A_661 : i32 to index
      %parallel_loop3A_663 = tpu.vector_load %arg4[%parallel_loop3A_662] {strides = array<i32>} : memref<100000xf32, #tpu.memory_space<vmem>>, vector<16xf32>,
      %parallel_loop3A_664 = tpu.bitcast %parallel_loop3A_663 : vector<16xf32> -> vector<16xi32>
      %parallel_loop3A_665 = arith.constant 18 : i32
      %parallel_loop3A_666 = vector.broadcast %parallel_loop3A_665 : i32 to vector<16xi32>
      %parallel_loop3A_667 = arith.shrui %parallel_loop3A_664, %parallel_loop3A_666 : vector<16xi32>
      %parallel_loop3A_668 = vector.broadcast %select_n3A_107 : i32 to vector<16xi32>
      %parallel_loop3A_669 = arith.cmpi eq, %parallel_loop3A_667, %parallel_loop3A_668 : vector<16xi32>
      %parallel_loop3A_670 = arith.constant 9 : i32
      %parallel_loop3A_671 = vector.broadcast %parallel_loop3A_670 : i32 to vector<16xi32>
      %parallel_loop3A_672 = arith.shrui %parallel_loop3A_664, %parallel_loop3A_671 : vector<16xi32>
      %parallel_loop3A_673 = arith.constant 511 : i32
      %parallel_loop3A_674 = vector.broadcast %parallel_loop3A_673 : i32 to vector<16xi32>
      %parallel_loop3A_675 = arith.andi %parallel_loop3A_672, %parallel_loop3A_674 : vector<16xi32>
      tpu.vector_store_idx %arg6[%parallel_loop3A_675], %parallel_loop3A_663 masked %parallel_loop3A_669 {add = true} : memref<512xf32, #tpu.memory_space<vmem>>[vector<16xi32>], vector<16xf32>, vector<16xi1>
    } {sc.loop_unroll_factor = 4 : i64, sc.parallel_access}
    %while3A_118 = arith.constant 0 : i32
    %while3A_119 = arith.constant false
    %while3A_120:3 = scf.while (%while3A_639 = %while3A_118, %while3A_640 = %select_n3A_110, %while3A_641 = %while3A_119) : (i32, f32, i1) -> (i32, f32, i1) {
      %not3A = arith.constant true
      %not3A_642 = arith.xori %while3A_641, %not3A : i1
      %lt3A = arith.constant 32 : i32
      %lt3A_643 = arith.cmpi slt, %while3A_639, %lt3A : i32
      %and3A = arith.andi %not3A_642, %lt3A_643 : i1
      scf.condition(%and3A) %while3A_639, %while3A_640, %while3A_641 : i32, f32, i1
    } do {
    ^bb0(%while3A_639: i32, %while3A_640: f32, %while3A_641: i1):
      %sub3A_642 = arith.constant 31 : i32
      %sub3A_643 = arith.subi %sub3A_642, %while3A_639 : i32
      %mul3A_644 = arith.constant 16 : i32
      %mul3A_645 = arith.muli %sub3A_643, %mul3A_644 : i32
      %get3A_646 = arith.index_cast %mul3A_645 : i32 to index
      %get3A_647 = tpu.vector_load %arg6[%get3A_646] {strides = array<i32>} : memref<512xf32, #tpu.memory_space<vmem>>, vector<16xf32>,
      %reduce_sum3A_648 = arith.constant true
      %reduce_sum3A_649 = vector.broadcast %reduce_sum3A_648 : i1 to vector<16xi1>
      %reduce_sum3A_650 = tpu.scan <sum>, %get3A_647 masked %reduce_sum3A_649 : vector<16xf32>, vector<16xi1> -> vector<16xf32>
      %reduce_sum3A_651 = vector.extract %reduce_sum3A_650[15] : f32 from vector<16xf32>
      %add3A_652 = arith.addf %while3A_640, %reduce_sum3A_651 : f32
      %gt3A_653 = arith.cmpf ogt, %add3A_652, %mul3A_36 : f32
      %add3A_654 = arith.constant 1 : i32
      %add3A_655 = arith.addi %while3A_639, %add3A_654 : i32
      %select_n3A_656 = arith.select %gt3A_653, %while3A_639, %add3A_655 : i32
      %add3A_657 = arith.addf %while3A_640, %reduce_sum3A_651 : f32
      %select_n3A_658 = arith.select %gt3A_653, %while3A_640, %add3A_657 : f32
      scf.yield %select_n3A_656, %select_n3A_658, %gt3A_653 : i32, f32, i1
    }
    %jit3A_121 = arith.constant 31 : i32
    %select_n3A_122 = arith.select %while3A_120#2, %while3A_120#0, %jit3A_121 : i32
    %sub3A_123 = arith.constant 31 : i32
    %sub3A_124 = arith.subi %sub3A_123, %select_n3A_122 : i32
    %mul3A_125 = arith.constant 16 : i32
    %mul3A_126 = arith.muli %sub3A_124, %mul3A_125 : i32
    %get3A_127 = arith.index_cast %mul3A_126 : i32 to index
    %get3A_128 = tpu.vector_load %arg6[%get3A_127] {strides = array<i32>} : memref<512xf32, #tpu.memory_space<vmem>>, vector<16xf32>,
    %rev3A_129 = arith.constant 15 : i32
    %rev3A_130 = vector.broadcast %rev3A_129 : i32 to vector<16xi32>
    %rev3A_131 = tpu.iota {dimensions = array<i32: 0>} : vector<16xi32>
    %rev3A_132 = arith.subi %rev3A_130, %rev3A_131 : vector<16xi32>
    %rev3A_133 = tpu.dynamic_gather %get3A_128[%rev3A_132] in [0] : vector<16xf32>, vector<16xi32> -> vector<16xf32>
    %broadcast_in_dim3A_134 = arith.constant true
    %broadcast_in_dim3A_135 = vector.broadcast %broadcast_in_dim3A_134 : i1 to vector<16xi1>
    %masked_cumsum3A_136 = tpu.scan <sum>, %rev3A_133 masked %broadcast_in_dim3A_135 : vector<16xf32>, vector<16xi1> -> vector<16xf32>
    %add3A_137 = vector.broadcast %while3A_120#1 : f32 to vector<16xf32>
    %add3A_138 = arith.addf %masked_cumsum3A_136, %add3A_137 : vector<16xf32>
    %gt3A_139 = vector.broadcast %mul3A_36 : f32 to vector<16xf32>
    %gt3A_140 = arith.cmpf ogt, %add3A_138, %gt3A_139 : vector<16xf32>
    %reduce_or3A_141 = arith.constant 1.000000e+00 : f32
    %reduce_or3A_142 = arith.constant 0.000000e+00 : f32
    %reduce_or3A_143 = vector.broadcast %reduce_or3A_141 : f32 to vector<16xf32>
    %reduce_or3A_144 = vector.broadcast %reduce_or3A_142 : f32 to vector<16xf32>
    %reduce_or3A_145 = arith.select %gt3A_140, %reduce_or3A_143, %reduce_or3A_144 : vector<16xi1>, vector<16xf32>
    %reduce_or3A_146 = arith.constant true
    %reduce_or3A_147 = vector.broadcast %reduce_or3A_146 : i1 to vector<16xi1>
    %reduce_or3A_148 = tpu.scan <max>, %reduce_or3A_145 masked %reduce_or3A_147 : vector<16xf32>, vector<16xi1> -> vector<16xf32>
    %reduce_or3A_149 = vector.extract %reduce_or3A_148[15] : f32 from vector<16xf32>
    %reduce_or3A_150 = arith.constant 0.000000e+00 : f32
    %reduce_or3A_151 = arith.cmpf ogt, %reduce_or3A_149, %reduce_or3A_150 : f32
    %all_reduce_ffs3A_152 = tpu.all_reduce %gt3A_140 {dim = 0 : i64, kind = #tpu.reduction_kind<find_first_set>} : vector<16xi1> -> vector<16xi32>
    %reduce_min3A_153 = arith.constant true
    %reduce_min3A_154 = vector.broadcast %reduce_min3A_153 : i1 to vector<16xi1>
    %reduce_min3A_155 = arith.constant -2147483648 : i32
    %reduce_min3A_156 = vector.broadcast %reduce_min3A_155 : i32 to vector<16xi32>
    %reduce_min3A_157 = arith.xori %all_reduce_ffs3A_152, %reduce_min3A_156 : vector<16xi32>
    %reduce_min3A_158 = tpu.scan <min>, %reduce_min3A_157 masked %reduce_min3A_154 : vector<16xi32>, vector<16xi1> -> vector<16xi32>
    %reduce_min3A_159 = arith.xori %reduce_min3A_158, %reduce_min3A_156 : vector<16xi32>
    %reduce_min3A_160 = vector.extract %reduce_min3A_159[15] : i32 from vector<16xi32>
    %jit3A_161 = arith.constant 0 : i32
    %select_n3A_162 = arith.select %reduce_or3A_151, %reduce_min3A_160, %jit3A_161 : i32
    %iota3A_163 = tpu.iota {dimensions = array<i32: 0>} : vector<16xi32>
    %eq3A_164 = vector.broadcast %select_n3A_162 : i32 to vector<16xi32>
    %eq3A_165 = arith.cmpi eq, %iota3A_163, %eq3A_164 : vector<16xi32>
    %jit3A_166 = arith.constant 0.000000e+00 : f32
    %broadcast_in_dim3A_167 = vector.broadcast %jit3A_166 : f32 to vector<16xf32>
    %select_n3A_168 = arith.select %eq3A_165, %add3A_138, %broadcast_in_dim3A_167 : vector<16xi1>, vector<16xf32>
    %reduce_sum3A_169 = arith.constant true
    %reduce_sum3A_170 = vector.broadcast %reduce_sum3A_169 : i1 to vector<16xi1>
    %reduce_sum3A_171 = tpu.scan <sum>, %select_n3A_168 masked %reduce_sum3A_170 : vector<16xf32>, vector<16xi1> -> vector<16xf32>
    %reduce_sum3A_172 = vector.extract %reduce_sum3A_171[15] : f32 from vector<16xf32>
    %jit3A_173 = arith.constant 0.000000e+00 : f32
    %broadcast_in_dim3A_174 = vector.broadcast %jit3A_173 : f32 to vector<16xf32>
    %select_n3A_175 = arith.select %eq3A_165, %rev3A_133, %broadcast_in_dim3A_174 : vector<16xi1>, vector<16xf32>
    %reduce_sum3A_176 = arith.constant true
    %reduce_sum3A_177 = vector.broadcast %reduce_sum3A_176 : i1 to vector<16xi1>
    %reduce_sum3A_178 = tpu.scan <sum>, %select_n3A_175 masked %reduce_sum3A_177 : vector<16xf32>, vector<16xi1> -> vector<16xf32>
    %reduce_sum3A_179 = vector.extract %reduce_sum3A_178[15] : f32 from vector<16xf32>
    %mul3A_180 = arith.constant 16 : i32
    %mul3A_181 = arith.muli %sub3A_124, %mul3A_180 : i32
    %add3A_182 = arith.constant 15 : i32
    %add3A_183 = arith.addi %mul3A_181, %add3A_182 : i32
    %sub3A_184 = arith.subi %add3A_183, %select_n3A_162 : i32
    %iota3A_185 = tpu.iota {dimensions = array<i32: 0>} : vector<16xi32>
    %eq3A_186 = arith.constant 0 : i32
    %eq3A_187 = vector.broadcast %eq3A_186 : i32 to vector<16xi32>
    %eq3A_188 = arith.cmpi eq, %iota3A_185, %eq3A_187 : vector<16xi32>
    %get3A_189 = arith.constant 0 : index
    %get3A_190 = tpu.vector_load %arg6[%get3A_189] {strides = array<i32>} : memref<512xf32, #tpu.memory_space<vmem>>, vector<16xf32>,
    %jit3A_191 = arith.constant 0.000000e+00 : f32
    %broadcast_in_dim3A_192 = vector.broadcast %jit3A_191 : f32 to vector<16xf32>
    %select_n3A_193 = arith.select %eq3A_188, %get3A_190, %broadcast_in_dim3A_192 : vector<16xi1>, vector<16xf32>
    %reduce_sum3A_194 = arith.constant true
    %reduce_sum3A_195 = vector.broadcast %reduce_sum3A_194 : i1 to vector<16xi1>
    %reduce_sum3A_196 = tpu.scan <sum>, %select_n3A_193 masked %reduce_sum3A_195 : vector<16xf32>, vector<16xi1> -> vector<16xf32>
    %reduce_sum3A_197 = vector.extract %reduce_sum3A_196[15] : f32 from vector<16xf32>
    %jit3A_198 = arith.constant 0 : i32
    %select_n3A_199 = arith.select %while3A_120#2, %sub3A_184, %jit3A_198 : i32
    %sub3A_200 = arith.subf %reduce_sum3A_172, %reduce_sum3A_179 : f32
    %sub3A_201 = arith.subf %while3A_120#1, %reduce_sum3A_197 : f32
    %select_n3A_202 = arith.select %while3A_120#2, %sub3A_200, %sub3A_201 : f32
    %select_n3A_203 = arith.select %while3A_120#2, %reduce_sum3A_172, %while3A_120#1 : f32
    %parallel_loop3A_204 = arith.constant 0 : i32
    %parallel_loop3A_205 = arith.constant 32 : i32
    %parallel_loop3A_206 = arith.constant 1 : i32
    scf.for %parallel_loop3A_639 = %parallel_loop3A_204 to %parallel_loop3A_205 step %parallel_loop3A_206  : i32 {
      %parallel_loop3A_640 = arith.constant 0.000000e+00 : f32
      %parallel_loop3A_641 = vector.broadcast %parallel_loop3A_640 : f32 to vector<16xf32>
      %parallel_loop3A_642 = arith.constant 16 : i32
      %parallel_loop3A_643 = arith.muli %parallel_loop3A_639, %parallel_loop3A_642 : i32
      %parallel_loop3A_644 = arith.index_cast %parallel_loop3A_643 : i32 to index
      %parallel_loop3A_645 = tpu.vector_load %arg7[%parallel_loop3A_644] {strides = array<i32>} : memref<512xf32, #tpu.memory_space<vmem>>, vector<16xf32>,
      tpu.vector_store %arg7[%parallel_loop3A_644], %parallel_loop3A_641 {strides = array<i32>} : memref<512xf32, #tpu.memory_space<vmem>>, vector<16xf32>,
    } {sc.loop_unroll_factor = 4 : i64, sc.parallel_access}
    %shift_left3A = arith.constant 9 : i32
    %shift_left3A_207 = arith.shli %select_n3A_107, %shift_left3A : i32
    %or3A = arith.ori %shift_left3A_207, %select_n3A_199 : i32
    %parallel_loop3A_208 = arith.constant 0 : i32
    %parallel_loop3A_209 = arith.constant 6250 : i32
    %parallel_loop3A_210 = arith.constant 2 : i32
    scf.for %parallel_loop3A_639 = %parallel_loop3A_208 to %parallel_loop3A_209 step %parallel_loop3A_210  : i32 {
      %parallel_loop3A_640 = arith.constant 0 : i32
      %parallel_loop3A_641 = arith.addi %parallel_loop3A_639, %parallel_loop3A_640 : i32
      %parallel_loop3A_642 = arith.constant 16 : i32
      %parallel_loop3A_643 = arith.muli %parallel_loop3A_641, %parallel_loop3A_642 : i32
      %parallel_loop3A_644 = arith.index_cast %parallel_loop3A_643 : i32 to index
      %parallel_loop3A_645 = tpu.vector_load %arg4[%parallel_loop3A_644] {strides = array<i32>} : memref<100000xf32, #tpu.memory_space<vmem>>, vector<16xf32>,
      %parallel_loop3A_646 = tpu.bitcast %parallel_loop3A_645 : vector<16xf32> -> vector<16xi32>
      %parallel_loop3A_647 = arith.constant 9 : i32
      %parallel_loop3A_648 = vector.broadcast %parallel_loop3A_647 : i32 to vector<16xi32>
      %parallel_loop3A_649 = arith.shrui %parallel_loop3A_646, %parallel_loop3A_648 : vector<16xi32>
      %parallel_loop3A_650 = vector.broadcast %or3A : i32 to vector<16xi32>
      %parallel_loop3A_651 = arith.cmpi eq, %parallel_loop3A_649, %parallel_loop3A_650 : vector<16xi32>
      %parallel_loop3A_652 = arith.constant 511 : i32
      %parallel_loop3A_653 = vector.broadcast %parallel_loop3A_652 : i32 to vector<16xi32>
      %parallel_loop3A_654 = arith.andi %parallel_loop3A_646, %parallel_loop3A_653 : vector<16xi32>
      tpu.vector_store_idx %arg7[%parallel_loop3A_654], %parallel_loop3A_645 masked %parallel_loop3A_651 {add = true} : memref<512xf32, #tpu.memory_space<vmem>>[vector<16xi32>], vector<16xf32>, vector<16xi1>
      %parallel_loop3A_655 = arith.constant 1 : i32
      %parallel_loop3A_656 = arith.addi %parallel_loop3A_639, %parallel_loop3A_655 : i32
      %parallel_loop3A_657 = arith.constant 16 : i32
      %parallel_loop3A_658 = arith.muli %parallel_loop3A_656, %parallel_loop3A_657 : i32
      %parallel_loop3A_659 = arith.index_cast %parallel_loop3A_658 : i32 to index
      %parallel_loop3A_660 = tpu.vector_load %arg4[%parallel_loop3A_659] {strides = array<i32>} : memref<100000xf32, #tpu.memory_space<vmem>>, vector<16xf32>,
      %parallel_loop3A_661 = tpu.bitcast %parallel_loop3A_660 : vector<16xf32> -> vector<16xi32>
      %parallel_loop3A_662 = arith.constant 9 : i32
      %parallel_loop3A_663 = vector.broadcast %parallel_loop3A_662 : i32 to vector<16xi32>
      %parallel_loop3A_664 = arith.shrui %parallel_loop3A_661, %parallel_loop3A_663 : vector<16xi32>
      %parallel_loop3A_665 = vector.broadcast %or3A : i32 to vector<16xi32>
      %parallel_loop3A_666 = arith.cmpi eq, %parallel_loop3A_664, %parallel_loop3A_665 : vector<16xi32>
      %parallel_loop3A_667 = arith.constant 511 : i32
      %parallel_loop3A_668 = vector.broadcast %parallel_loop3A_667 : i32 to vector<16xi32>
      %parallel_loop3A_669 = arith.andi %parallel_loop3A_661, %parallel_loop3A_668 : vector<16xi32>
      tpu.vector_store_idx %arg7[%parallel_loop3A_669], %parallel_loop3A_660 masked %parallel_loop3A_666 {add = true} : memref<512xf32, #tpu.memory_space<vmem>>[vector<16xi32>], vector<16xf32>, vector<16xi1>
    } {sc.loop_unroll_factor = 4 : i64, sc.parallel_access}
    %while3A_211 = arith.constant 0 : i32
    %while3A_212 = arith.constant false
    %while3A_213:3 = scf.while (%while3A_639 = %while3A_211, %while3A_640 = %select_n3A_202, %while3A_641 = %while3A_212) : (i32, f32, i1) -> (i32, f32, i1) {
      %not3A = arith.constant true
      %not3A_642 = arith.xori %while3A_641, %not3A : i1
      %lt3A = arith.constant 32 : i32
      %lt3A_643 = arith.cmpi slt, %while3A_639, %lt3A : i32
      %and3A = arith.andi %not3A_642, %lt3A_643 : i1
      scf.condition(%and3A) %while3A_639, %while3A_640, %while3A_641 : i32, f32, i1
    } do {
    ^bb0(%while3A_639: i32, %while3A_640: f32, %while3A_641: i1):
      %sub3A_642 = arith.constant 31 : i32
      %sub3A_643 = arith.subi %sub3A_642, %while3A_639 : i32
      %mul3A_644 = arith.constant 16 : i32
      %mul3A_645 = arith.muli %sub3A_643, %mul3A_644 : i32
      %get3A_646 = arith.index_cast %mul3A_645 : i32 to index
      %get3A_647 = tpu.vector_load %arg7[%get3A_646] {strides = array<i32>} : memref<512xf32, #tpu.memory_space<vmem>>, vector<16xf32>,
      %reduce_sum3A_648 = arith.constant true
      %reduce_sum3A_649 = vector.broadcast %reduce_sum3A_648 : i1 to vector<16xi1>
      %reduce_sum3A_650 = tpu.scan <sum>, %get3A_647 masked %reduce_sum3A_649 : vector<16xf32>, vector<16xi1> -> vector<16xf32>
      %reduce_sum3A_651 = vector.extract %reduce_sum3A_650[15] : f32 from vector<16xf32>
      %add3A_652 = arith.addf %while3A_640, %reduce_sum3A_651 : f32
      %gt3A_653 = arith.cmpf ogt, %add3A_652, %mul3A_36 : f32
      %add3A_654 = arith.constant 1 : i32
      %add3A_655 = arith.addi %while3A_639, %add3A_654 : i32
      %select_n3A_656 = arith.select %gt3A_653, %while3A_639, %add3A_655 : i32
      %add3A_657 = arith.addf %while3A_640, %reduce_sum3A_651 : f32
      %select_n3A_658 = arith.select %gt3A_653, %while3A_640, %add3A_657 : f32
      scf.yield %select_n3A_656, %select_n3A_658, %gt3A_653 : i32, f32, i1
    }
    %jit3A_214 = arith.constant 31 : i32
    %select_n3A_215 = arith.select %while3A_213#2, %while3A_213#0, %jit3A_214 : i32
    %sub3A_216 = arith.constant 31 : i32
    %sub3A_217 = arith.subi %sub3A_216, %select_n3A_215 : i32
    %mul3A_218 = arith.constant 16 : i32
    %mul3A_219 = arith.muli %sub3A_217, %mul3A_218 : i32
    %get3A_220 = arith.index_cast %mul3A_219 : i32 to index
    %get3A_221 = tpu.vector_load %arg7[%get3A_220] {strides = array<i32>} : memref<512xf32, #tpu.memory_space<vmem>>, vector<16xf32>,
    %rev3A_222 = arith.constant 15 : i32
    %rev3A_223 = vector.broadcast %rev3A_222 : i32 to vector<16xi32>
    %rev3A_224 = tpu.iota {dimensions = array<i32: 0>} : vector<16xi32>
    %rev3A_225 = arith.subi %rev3A_223, %rev3A_224 : vector<16xi32>
    %rev3A_226 = tpu.dynamic_gather %get3A_221[%rev3A_225] in [0] : vector<16xf32>, vector<16xi32> -> vector<16xf32>
    %broadcast_in_dim3A_227 = arith.constant true
    %broadcast_in_dim3A_228 = vector.broadcast %broadcast_in_dim3A_227 : i1 to vector<16xi1>
    %masked_cumsum3A_229 = tpu.scan <sum>, %rev3A_226 masked %broadcast_in_dim3A_228 : vector<16xf32>, vector<16xi1> -> vector<16xf32>
    %add3A_230 = vector.broadcast %while3A_213#1 : f32 to vector<16xf32>
    %add3A_231 = arith.addf %masked_cumsum3A_229, %add3A_230 : vector<16xf32>
    %gt3A_232 = vector.broadcast %mul3A_36 : f32 to vector<16xf32>
    %gt3A_233 = arith.cmpf ogt, %add3A_231, %gt3A_232 : vector<16xf32>
    %reduce_or3A_234 = arith.constant 1.000000e+00 : f32
    %reduce_or3A_235 = arith.constant 0.000000e+00 : f32
    %reduce_or3A_236 = vector.broadcast %reduce_or3A_234 : f32 to vector<16xf32>
    %reduce_or3A_237 = vector.broadcast %reduce_or3A_235 : f32 to vector<16xf32>
    %reduce_or3A_238 = arith.select %gt3A_233, %reduce_or3A_236, %reduce_or3A_237 : vector<16xi1>, vector<16xf32>
    %reduce_or3A_239 = arith.constant true
    %reduce_or3A_240 = vector.broadcast %reduce_or3A_239 : i1 to vector<16xi1>
    %reduce_or3A_241 = tpu.scan <max>, %reduce_or3A_238 masked %reduce_or3A_240 : vector<16xf32>, vector<16xi1> -> vector<16xf32>
    %reduce_or3A_242 = vector.extract %reduce_or3A_241[15] : f32 from vector<16xf32>
    %reduce_or3A_243 = arith.constant 0.000000e+00 : f32
    %reduce_or3A_244 = arith.cmpf ogt, %reduce_or3A_242, %reduce_or3A_243 : f32
    %all_reduce_ffs3A_245 = tpu.all_reduce %gt3A_233 {dim = 0 : i64, kind = #tpu.reduction_kind<find_first_set>} : vector<16xi1> -> vector<16xi32>
    %reduce_min3A_246 = arith.constant true
    %reduce_min3A_247 = vector.broadcast %reduce_min3A_246 : i1 to vector<16xi1>
    %reduce_min3A_248 = arith.constant -2147483648 : i32
    %reduce_min3A_249 = vector.broadcast %reduce_min3A_248 : i32 to vector<16xi32>
    %reduce_min3A_250 = arith.xori %all_reduce_ffs3A_245, %reduce_min3A_249 : vector<16xi32>
    %reduce_min3A_251 = tpu.scan <min>, %reduce_min3A_250 masked %reduce_min3A_247 : vector<16xi32>, vector<16xi1> -> vector<16xi32>
    %reduce_min3A_252 = arith.xori %reduce_min3A_251, %reduce_min3A_249 : vector<16xi32>
    %reduce_min3A_253 = vector.extract %reduce_min3A_252[15] : i32 from vector<16xi32>
    %jit3A_254 = arith.constant 0 : i32
    %select_n3A_255 = arith.select %reduce_or3A_244, %reduce_min3A_253, %jit3A_254 : i32
    %iota3A_256 = tpu.iota {dimensions = array<i32: 0>} : vector<16xi32>
    %eq3A_257 = vector.broadcast %select_n3A_255 : i32 to vector<16xi32>
    %eq3A_258 = arith.cmpi eq, %iota3A_256, %eq3A_257 : vector<16xi32>
    %jit3A_259 = arith.constant 0.000000e+00 : f32
    %broadcast_in_dim3A_260 = vector.broadcast %jit3A_259 : f32 to vector<16xf32>
    %select_n3A_261 = arith.select %eq3A_258, %add3A_231, %broadcast_in_dim3A_260 : vector<16xi1>, vector<16xf32>
    %reduce_sum3A_262 = arith.constant true
    %reduce_sum3A_263 = vector.broadcast %reduce_sum3A_262 : i1 to vector<16xi1>
    %reduce_sum3A_264 = tpu.scan <sum>, %select_n3A_261 masked %reduce_sum3A_263 : vector<16xf32>, vector<16xi1> -> vector<16xf32>
    %reduce_sum3A_265 = vector.extract %reduce_sum3A_264[15] : f32 from vector<16xf32>
    %jit3A_266 = arith.constant 0.000000e+00 : f32
    %broadcast_in_dim3A_267 = vector.broadcast %jit3A_266 : f32 to vector<16xf32>
    %select_n3A_268 = arith.select %eq3A_258, %rev3A_226, %broadcast_in_dim3A_267 : vector<16xi1>, vector<16xf32>
    %reduce_sum3A_269 = arith.constant true
    %reduce_sum3A_270 = vector.broadcast %reduce_sum3A_269 : i1 to vector<16xi1>
    %reduce_sum3A_271 = tpu.scan <sum>, %select_n3A_268 masked %reduce_sum3A_270 : vector<16xf32>, vector<16xi1> -> vector<16xf32>
    %reduce_sum3A_272 = vector.extract %reduce_sum3A_271[15] : f32 from vector<16xf32>
    %mul3A_273 = arith.constant 16 : i32
    %mul3A_274 = arith.muli %sub3A_217, %mul3A_273 : i32
    %add3A_275 = arith.constant 15 : i32
    %add3A_276 = arith.addi %mul3A_274, %add3A_275 : i32
    %sub3A_277 = arith.subi %add3A_276, %select_n3A_255 : i32
    %iota3A_278 = tpu.iota {dimensions = array<i32: 0>} : vector<16xi32>
    %eq3A_279 = arith.constant 0 : i32
    %eq3A_280 = vector.broadcast %eq3A_279 : i32 to vector<16xi32>
    %eq3A_281 = arith.cmpi eq, %iota3A_278, %eq3A_280 : vector<16xi32>
    %get3A_282 = arith.constant 0 : index
    %get3A_283 = tpu.vector_load %arg7[%get3A_282] {strides = array<i32>} : memref<512xf32, #tpu.memory_space<vmem>>, vector<16xf32>,
    %jit3A_284 = arith.constant 0.000000e+00 : f32
    %broadcast_in_dim3A_285 = vector.broadcast %jit3A_284 : f32 to vector<16xf32>
    %select_n3A_286 = arith.select %eq3A_281, %get3A_283, %broadcast_in_dim3A_285 : vector<16xi1>, vector<16xf32>
    %reduce_sum3A_287 = arith.constant true
    %reduce_sum3A_288 = vector.broadcast %reduce_sum3A_287 : i1 to vector<16xi1>
    %reduce_sum3A_289 = tpu.scan <sum>, %select_n3A_286 masked %reduce_sum3A_288 : vector<16xf32>, vector<16xi1> -> vector<16xf32>
    %reduce_sum3A_290 = vector.extract %reduce_sum3A_289[15] : f32 from vector<16xf32>
    %jit3A_291 = arith.constant 0 : i32
    %select_n3A_292 = arith.select %while3A_213#2, %sub3A_277, %jit3A_291 : i32
    %sub3A_293 = arith.subf %reduce_sum3A_265, %reduce_sum3A_272 : f32
    %sub3A_294 = arith.subf %while3A_213#1, %reduce_sum3A_290 : f32
    %select_n3A_295 = arith.select %while3A_213#2, %sub3A_293, %sub3A_294 : f32
    %select_n3A_296 = arith.select %while3A_213#2, %reduce_sum3A_265, %while3A_213#1 : f32
    %shift_left3A_297 = arith.constant 9 : i32
    %shift_left3A_298 = arith.shli %or3A, %shift_left3A_297 : i32
    %or3A_299 = arith.ori %shift_left3A_298, %select_n3A_292 : i32
    %bitcast_convert_type3A = arith.bitcast %or3A_299 : i32 to f32
    %broadcast_in_dim3A_300 = arith.constant 0.000000e+00 : f32
    %broadcast_in_dim3A_301 = vector.broadcast %broadcast_in_dim3A_300 : f32 to vector<16xf32>
    %add3A_302 = vector.broadcast %select_n3A_296 : f32 to vector<16xf32>
    %add3A_303 = arith.addf %add3A_302, %broadcast_in_dim3A_301 : vector<16xf32>
    %div3A = arith.constant 1.000000e+00 : f32
    %div3A_304 = vector.broadcast %div3A : f32 to vector<16xf32>
    %div3A_305 = arith.divf %div3A_304, %add3A_303 : vector<16xf32>
    %parallel_loop3A_306 = arith.constant 0 : i32
    %parallel_loop3A_307 = arith.constant 6250 : i32
    %parallel_loop3A_308 = arith.constant 2 : i32
    scf.for %parallel_loop3A_639 = %parallel_loop3A_306 to %parallel_loop3A_307 step %parallel_loop3A_308  : i32 {
      %parallel_loop3A_640 = arith.constant 0 : i32
      %parallel_loop3A_641 = arith.addi %parallel_loop3A_639, %parallel_loop3A_640 : i32
      %parallel_loop3A_642 = arith.constant 16 : i32
      %parallel_loop3A_643 = arith.muli %parallel_loop3A_641, %parallel_loop3A_642 : i32
      %parallel_loop3A_644 = arith.index_cast %parallel_loop3A_643 : i32 to index
      %parallel_loop3A_645 = tpu.vector_load %arg4[%parallel_loop3A_644] {strides = array<i32>} : memref<100000xf32, #tpu.memory_space<vmem>>, vector<16xf32>,
      %parallel_loop3A_646 = vector.broadcast %bitcast_convert_type3A : f32 to vector<16xf32>
      %parallel_loop3A_647 = arith.cmpf oge, %parallel_loop3A_645, %parallel_loop3A_646 : vector<16xf32>
      %parallel_loop3A_648 = arith.mulf %parallel_loop3A_645, %div3A_305 : vector<16xf32>
      %parallel_loop3A_649 = arith.constant 0.000000e+00 : f32
      %parallel_loop3A_650 = vector.broadcast %parallel_loop3A_649 : f32 to vector<16xf32>
      %parallel_loop3A_651 = arith.select %parallel_loop3A_647, %parallel_loop3A_648, %parallel_loop3A_650 : vector<16xi1>, vector<16xf32>
      %parallel_loop3A_652 = arith.index_cast %parallel_loop3A_643 : i32 to index
      %parallel_loop3A_653 = tpu.vector_load %arg4[%parallel_loop3A_652] {strides = array<i32>} : memref<100000xf32, #tpu.memory_space<vmem>>, vector<16xf32>,
      tpu.vector_store %arg4[%parallel_loop3A_652], %parallel_loop3A_651 {strides = array<i32>} : memref<100000xf32, #tpu.memory_space<vmem>>, vector<16xf32>,
      %parallel_loop3A_654 = arith.constant 1 : i32
      %parallel_loop3A_655 = arith.addi %parallel_loop3A_639, %parallel_loop3A_654 : i32
      %parallel_loop3A_656 = arith.constant 16 : i32
      %parallel_loop3A_657 = arith.muli %parallel_loop3A_655, %parallel_loop3A_656 : i32
      %parallel_loop3A_658 = arith.index_cast %parallel_loop3A_657 : i32 to index
      %parallel_loop3A_659 = tpu.vector_load %arg4[%parallel_loop3A_658] {strides = array<i32>} : memref<100000xf32, #tpu.memory_space<vmem>>, vector<16xf32>,
      %parallel_loop3A_660 = vector.broadcast %bitcast_convert_type3A : f32 to vector<16xf32>
      %parallel_loop3A_661 = arith.cmpf oge, %parallel_loop3A_659, %parallel_loop3A_660 : vector<16xf32>
      %parallel_loop3A_662 = arith.mulf %parallel_loop3A_659, %div3A_305 : vector<16xf32>
      %parallel_loop3A_663 = arith.constant 0.000000e+00 : f32
      %parallel_loop3A_664 = vector.broadcast %parallel_loop3A_663 : f32 to vector<16xf32>
      %parallel_loop3A_665 = arith.select %parallel_loop3A_661, %parallel_loop3A_662, %parallel_loop3A_664 : vector<16xi1>, vector<16xf32>
      %parallel_loop3A_666 = arith.index_cast %parallel_loop3A_657 : i32 to index
      %parallel_loop3A_667 = tpu.vector_load %arg4[%parallel_loop3A_666] {strides = array<i32>} : memref<100000xf32, #tpu.memory_space<vmem>>, vector<16xf32>,
      tpu.vector_store %arg4[%parallel_loop3A_666], %parallel_loop3A_665 {strides = array<i32>} : memref<100000xf32, #tpu.memory_space<vmem>>, vector<16xf32>,
    } {sc.loop_unroll_factor = 4 : i64, sc.parallel_access}
    "tpu.region"() ({
      %run_scoped3A = tpu.sem_alloc : memref<!tpu.dma_semaphore, #tpu.memory_space<semaphore_mem>>
      %dma_start3A = arith.constant 0 : i32
      %dma_start3A_639 = tpu.memref_slice %arg3[%add3A_4, %dma_start3A] : memref<64x100000xf32, #tpu.memory_space<hbm>> -> memref<1x100000xf32, #tpu.memory_space<hbm>>
      %dma_start3A_640 = tpu.memref_squeeze %dma_start3A_639 : memref<1x100000xf32, #tpu.memory_space<hbm>> -> memref<100000xf32, #tpu.memory_space<hbm>>
      %dma_start3A_641 = arith.constant 0 : i32
      %dma_start3A_642 = tpu.memref_slice %arg3[%add3A_4, %dma_start3A_641] : memref<64x100000xf32, #tpu.memory_space<hbm>> -> memref<1x100000xf32, #tpu.memory_space<hbm>>
      %dma_start3A_643 = tpu.memref_squeeze %dma_start3A_642 : memref<1x100000xf32, #tpu.memory_space<hbm>> -> memref<100000xf32, #tpu.memory_space<hbm>>
      tpu.enqueue_dma source(%arg4 : memref<100000xf32, #tpu.memory_space<vmem>>) target(%dma_start3A_643 : memref<100000xf32, #tpu.memory_space<hbm>>) target_semaphore(%run_scoped3A : memref<!tpu.dma_semaphore, #tpu.memory_space<semaphore_mem>>)
      %dma_wait3A = arith.constant 0 : i32
      %dma_wait3A_644 = tpu.memref_slice %arg3[%add3A_4, %dma_wait3A] : memref<64x100000xf32, #tpu.memory_space<hbm>> -> memref<1x100000xf32, #tpu.memory_space<hbm>>
      %dma_wait3A_645 = tpu.memref_squeeze %dma_wait3A_644 : memref<1x100000xf32, #tpu.memory_space<hbm>> -> memref<100000xf32, #tpu.memory_space<hbm>>
      %dma_wait3A_646 = arith.constant 0 : i32
      %dma_wait3A_647 = tpu.memref_slice %arg3[%add3A_4, %dma_wait3A_646] : memref<64x100000xf32, #tpu.memory_space<hbm>> -> memref<1x100000xf32, #tpu.memory_space<hbm>>
      %dma_wait3A_648 = tpu.memref_squeeze %dma_wait3A_647 : memref<1x100000xf32, #tpu.memory_space<hbm>> -> memref<100000xf32, #tpu.memory_space<hbm>>
      tpu.wait_dma2 semaphore(%run_scoped3A : memref<!tpu.dma_semaphore, #tpu.memory_space<semaphore_mem>>) src(%arg4 : memref<100000xf32, #tpu.memory_space<vmem>>) dst(%dma_wait3A_648 : memref<100000xf32, #tpu.memory_space<hbm>>)
      tpu.yield
    }) : () -> ()
    %mul3A_309 = arith.constant 2 : i32
    %mul3A_310 = arith.muli %add3A, %mul3A_309 : i32
    %add3A_311 = arith.constant 1 : i32
    %add3A_312 = arith.addi %mul3A_310, %add3A_311 : i32
    "tpu.region"() ({
      %run_scoped3A = tpu.sem_alloc : memref<!tpu.dma_semaphore, #tpu.memory_space<semaphore_mem>>
      %dma_start3A = arith.constant 0 : i32
      %dma_start3A_639 = tpu.memref_slice %arg2[%add3A_312, %dma_start3A] : memref<64x100000xf32, #tpu.memory_space<hbm>> -> memref<1x100000xf32, #tpu.memory_space<hbm>>
      %dma_start3A_640 = tpu.memref_squeeze %dma_start3A_639 : memref<1x100000xf32, #tpu.memory_space<hbm>> -> memref<100000xf32, #tpu.memory_space<hbm>>
      %dma_start3A_641 = arith.constant 0 : i32
      %dma_start3A_642 = tpu.memref_slice %arg2[%add3A_312, %dma_start3A_641] : memref<64x100000xf32, #tpu.memory_space<hbm>> -> memref<1x100000xf32, #tpu.memory_space<hbm>>
      %dma_start3A_643 = tpu.memref_squeeze %dma_start3A_642 : memref<1x100000xf32, #tpu.memory_space<hbm>> -> memref<100000xf32, #tpu.memory_space<hbm>>
      tpu.enqueue_dma source(%dma_start3A_643 : memref<100000xf32, #tpu.memory_space<hbm>>) target(%arg4 : memref<100000xf32, #tpu.memory_space<vmem>>) target_semaphore(%run_scoped3A : memref<!tpu.dma_semaphore, #tpu.memory_space<semaphore_mem>>)
      %dma_wait3A = arith.constant 0 : i32
      %dma_wait3A_644 = tpu.memref_slice %arg2[%add3A_312, %dma_wait3A] : memref<64x100000xf32, #tpu.memory_space<hbm>> -> memref<1x100000xf32, #tpu.memory_space<hbm>>
      %dma_wait3A_645 = tpu.memref_squeeze %dma_wait3A_644 : memref<1x100000xf32, #tpu.memory_space<hbm>> -> memref<100000xf32, #tpu.memory_space<hbm>>
      %dma_wait3A_646 = arith.constant 0 : i32
      %dma_wait3A_647 = tpu.memref_slice %arg2[%add3A_312, %dma_wait3A_646] : memref<64x100000xf32, #tpu.memory_space<hbm>> -> memref<1x100000xf32, #tpu.memory_space<hbm>>
      %dma_wait3A_648 = tpu.memref_squeeze %dma_wait3A_647 : memref<1x100000xf32, #tpu.memory_space<hbm>> -> memref<100000xf32, #tpu.memory_space<hbm>>
      tpu.wait_dma2 semaphore(%run_scoped3A : memref<!tpu.dma_semaphore, #tpu.memory_space<semaphore_mem>>) src(%dma_wait3A_648 : memref<100000xf32, #tpu.memory_space<hbm>>) dst(%arg4 : memref<100000xf32, #tpu.memory_space<vmem>>)
      tpu.yield
    }) : () -> ()
    %broadcast_in_dim3A_313 = arith.constant 0xFF800000 : f32
    %broadcast_in_dim3A_314 = vector.broadcast %broadcast_in_dim3A_313 : f32 to vector<16xf32>
    %parallel_loop3A_315 = arith.constant 0 : i32
    %parallel_loop3A_316 = arith.constant 6248 : i32
    %parallel_loop3A_317 = arith.constant 4 : i32
    %parallel_loop3A_318:4 = scf.for %parallel_loop3A_639 = %parallel_loop3A_315 to %parallel_loop3A_316 step %parallel_loop3A_317 iter_args(%parallel_loop3A_640 = %broadcast_in_dim3A_314, %parallel_loop3A_641 = %broadcast_in_dim3A_314, %parallel_loop3A_642 = %broadcast_in_dim3A_314, %parallel_loop3A_643 = %broadcast_in_dim3A_314) -> (vector<16xf32>, vector<16xf32>, vector<16xf32>, vector<16xf32>)  : i32 {
      %parallel_loop3A_644 = arith.constant 0 : i32
      %parallel_loop3A_645 = arith.addi %parallel_loop3A_639, %parallel_loop3A_644 : i32
      %parallel_loop3A_646 = arith.constant 16 : i32
      %parallel_loop3A_647 = arith.muli %parallel_loop3A_645, %parallel_loop3A_646 : i32
      %parallel_loop3A_648 = arith.index_cast %parallel_loop3A_647 : i32 to index
      %parallel_loop3A_649 = tpu.vector_load %arg4[%parallel_loop3A_648] {strides = array<i32>} : memref<100000xf32, #tpu.memory_space<vmem>>, vector<16xf32>,
      %parallel_loop3A_650 = arith.maximumf %parallel_loop3A_640, %parallel_loop3A_649 : vector<16xf32>
      %parallel_loop3A_651 = arith.constant 1 : i32
      %parallel_loop3A_652 = arith.addi %parallel_loop3A_639, %parallel_loop3A_651 : i32
      %parallel_loop3A_653 = arith.constant 16 : i32
      %parallel_loop3A_654 = arith.muli %parallel_loop3A_652, %parallel_loop3A_653 : i32
      %parallel_loop3A_655 = arith.index_cast %parallel_loop3A_654 : i32 to index
      %parallel_loop3A_656 = tpu.vector_load %arg4[%parallel_loop3A_655] {strides = array<i32>} : memref<100000xf32, #tpu.memory_space<vmem>>, vector<16xf32>,
      %parallel_loop3A_657 = arith.maximumf %parallel_loop3A_641, %parallel_loop3A_656 : vector<16xf32>
      %parallel_loop3A_658 = arith.constant 2 : i32
      %parallel_loop3A_659 = arith.addi %parallel_loop3A_639, %parallel_loop3A_658 : i32
      %parallel_loop3A_660 = arith.constant 16 : i32
      %parallel_loop3A_661 = arith.muli %parallel_loop3A_659, %parallel_loop3A_660 : i32
      %parallel_loop3A_662 = arith.index_cast %parallel_loop3A_661 : i32 to index
      %parallel_loop3A_663 = tpu.vector_load %arg4[%parallel_loop3A_662] {strides = array<i32>} : memref<100000xf32, #tpu.memory_space<vmem>>, vector<16xf32>,
      %parallel_loop3A_664 = arith.maximumf %parallel_loop3A_642, %parallel_loop3A_663 : vector<16xf32>
      %parallel_loop3A_665 = arith.constant 3 : i32
      %parallel_loop3A_666 = arith.addi %parallel_loop3A_639, %parallel_loop3A_665 : i32
      %parallel_loop3A_667 = arith.constant 16 : i32
      %parallel_loop3A_668 = arith.muli %parallel_loop3A_666, %parallel_loop3A_667 : i32
      %parallel_loop3A_669 = arith.index_cast %parallel_loop3A_668 : i32 to index
      %parallel_loop3A_670 = tpu.vector_load %arg4[%parallel_loop3A_669] {strides = array<i32>} : memref<100000xf32, #tpu.memory_space<vmem>>, vector<16xf32>,
      %parallel_loop3A_671 = arith.maximumf %parallel_loop3A_643, %parallel_loop3A_670 : vector<16xf32>
      scf.yield %parallel_loop3A_650, %parallel_loop3A_657, %parallel_loop3A_664, %parallel_loop3A_671 : vector<16xf32>, vector<16xf32>, vector<16xf32>, vector<16xf32>
    } {sc.loop_unroll_factor = 4 : i64, sc.parallel_access}
    %get3A_319 = arith.constant 99968 : index
    %get3A_320 = tpu.vector_load %arg4[%get3A_319] {strides = array<i32>} : memref<100000xf32, #tpu.memory_space<vmem>>, vector<16xf32>,
    %get3A_321 = arith.constant 99984 : index
    %get3A_322 = tpu.vector_load %arg4[%get3A_321] {strides = array<i32>} : memref<100000xf32, #tpu.memory_space<vmem>>, vector<16xf32>,
    %max3A_323 = arith.maximumf %get3A_320, %get3A_322 : vector<16xf32>
    %max3A_324 = arith.maximumf %parallel_loop3A_318#0, %parallel_loop3A_318#1 : vector<16xf32>
    %max3A_325 = arith.maximumf %parallel_loop3A_318#2, %parallel_loop3A_318#3 : vector<16xf32>
    %max3A_326 = arith.maximumf %max3A_325, %max3A_323 : vector<16xf32>
    %max3A_327 = arith.maximumf %max3A_324, %max3A_326 : vector<16xf32>
    %reduce_max3A_328 = arith.constant true
    %reduce_max3A_329 = vector.broadcast %reduce_max3A_328 : i1 to vector<16xi1>
    %reduce_max3A_330 = tpu.scan <max>, %max3A_327 masked %reduce_max3A_329 : vector<16xf32>, vector<16xi1> -> vector<16xf32>
    %reduce_max3A_331 = vector.extract %reduce_max3A_330[15] : f32 from vector<16xf32>
    %parallel_loop3A_332 = arith.constant 0 : i32
    %parallel_loop3A_333 = arith.constant 256 : i32
    %parallel_loop3A_334 = arith.constant 1 : i32
    scf.for %parallel_loop3A_639 = %parallel_loop3A_332 to %parallel_loop3A_333 step %parallel_loop3A_334  : i32 {
      %parallel_loop3A_640 = arith.constant 0.000000e+00 : f32
      %parallel_loop3A_641 = vector.broadcast %parallel_loop3A_640 : f32 to vector<16xf32>
      %parallel_loop3A_642 = arith.constant 16 : i32
      %parallel_loop3A_643 = arith.muli %parallel_loop3A_639, %parallel_loop3A_642 : i32
      %parallel_loop3A_644 = arith.index_cast %parallel_loop3A_643 : i32 to index
      %parallel_loop3A_645 = tpu.vector_load %arg5[%parallel_loop3A_644] {strides = array<i32>} : memref<4096xf32, #tpu.memory_space<vmem>>, vector<16xf32>,
      tpu.vector_store %arg5[%parallel_loop3A_644], %parallel_loop3A_641 {strides = array<i32>} : memref<4096xf32, #tpu.memory_space<vmem>>, vector<16xf32>,
    } {sc.loop_unroll_factor = 4 : i64, sc.parallel_access}
    %parallel_loop3A_335 = arith.constant 0 : i32
    %parallel_loop3A_336 = arith.constant 6250 : i32
    %parallel_loop3A_337 = arith.constant 2 : i32
    scf.for %parallel_loop3A_639 = %parallel_loop3A_335 to %parallel_loop3A_336 step %parallel_loop3A_337  : i32 {
      %parallel_loop3A_640 = arith.constant 0 : i32
      %parallel_loop3A_641 = arith.addi %parallel_loop3A_639, %parallel_loop3A_640 : i32
      %parallel_loop3A_642 = arith.constant 16 : i32
      %parallel_loop3A_643 = arith.muli %parallel_loop3A_641, %parallel_loop3A_642 : i32
      %parallel_loop3A_644 = arith.index_cast %parallel_loop3A_643 : i32 to index
      %parallel_loop3A_645 = tpu.vector_load %arg4[%parallel_loop3A_644] {strides = array<i32>} : memref<100000xf32, #tpu.memory_space<vmem>>, vector<16xf32>,
      %parallel_loop3A_646 = vector.broadcast %reduce_max3A_331 : f32 to vector<16xf32>
      %parallel_loop3A_647 = arith.subf %parallel_loop3A_645, %parallel_loop3A_646 : vector<16xf32>
      %parallel_loop3A_648 = arith.constant 1.250000e+00 : f32
      %parallel_loop3A_649 = vector.broadcast %parallel_loop3A_648 : f32 to vector<16xf32>
      %parallel_loop3A_650 = arith.mulf %parallel_loop3A_647, %parallel_loop3A_649 : vector<16xf32>
      %parallel_loop3A_651 = math.exp %parallel_loop3A_650 : vector<16xf32>
      %parallel_loop3A_652 = arith.index_cast %parallel_loop3A_643 : i32 to index
      %parallel_loop3A_653 = tpu.vector_load %arg4[%parallel_loop3A_652] {strides = array<i32>} : memref<100000xf32, #tpu.memory_space<vmem>>, vector<16xf32>,
      tpu.vector_store %arg4[%parallel_loop3A_652], %parallel_loop3A_651 {strides = array<i32>} : memref<100000xf32, #tpu.memory_space<vmem>>, vector<16xf32>,
      %parallel_loop3A_654 = tpu.bitcast %parallel_loop3A_651 : vector<16xf32> -> vector<16xi32>
      %parallel_loop3A_655 = arith.constant 18 : i32
      %parallel_loop3A_656 = vector.broadcast %parallel_loop3A_655 : i32 to vector<16xi32>
      %parallel_loop3A_657 = arith.shrui %parallel_loop3A_654, %parallel_loop3A_656 : vector<16xi32>
      tpu.vector_store_idx %arg5[%parallel_loop3A_657], %parallel_loop3A_651 {add = true} : memref<4096xf32, #tpu.memory_space<vmem>>[vector<16xi32>], vector<16xf32>,
      %parallel_loop3A_658 = arith.constant 1 : i32
      %parallel_loop3A_659 = arith.addi %parallel_loop3A_639, %parallel_loop3A_658 : i32
      %parallel_loop3A_660 = arith.constant 16 : i32
      %parallel_loop3A_661 = arith.muli %parallel_loop3A_659, %parallel_loop3A_660 : i32
      %parallel_loop3A_662 = arith.index_cast %parallel_loop3A_661 : i32 to index
      %parallel_loop3A_663 = tpu.vector_load %arg4[%parallel_loop3A_662] {strides = array<i32>} : memref<100000xf32, #tpu.memory_space<vmem>>, vector<16xf32>,
      %parallel_loop3A_664 = vector.broadcast %reduce_max3A_331 : f32 to vector<16xf32>
      %parallel_loop3A_665 = arith.subf %parallel_loop3A_663, %parallel_loop3A_664 : vector<16xf32>
      %parallel_loop3A_666 = arith.constant 1.250000e+00 : f32
      %parallel_loop3A_667 = vector.broadcast %parallel_loop3A_666 : f32 to vector<16xf32>
      %parallel_loop3A_668 = arith.mulf %parallel_loop3A_665, %parallel_loop3A_667 : vector<16xf32>
      %parallel_loop3A_669 = math.exp %parallel_loop3A_668 : vector<16xf32>
      %parallel_loop3A_670 = arith.index_cast %parallel_loop3A_661 : i32 to index
      %parallel_loop3A_671 = tpu.vector_load %arg4[%parallel_loop3A_670] {strides = array<i32>} : memref<100000xf32, #tpu.memory_space<vmem>>, vector<16xf32>,
      tpu.vector_store %arg4[%parallel_loop3A_670], %parallel_loop3A_669 {strides = array<i32>} : memref<100000xf32, #tpu.memory_space<vmem>>, vector<16xf32>,
      %parallel_loop3A_672 = tpu.bitcast %parallel_loop3A_669 : vector<16xf32> -> vector<16xi32>
      %parallel_loop3A_673 = arith.constant 18 : i32
      %parallel_loop3A_674 = vector.broadcast %parallel_loop3A_673 : i32 to vector<16xi32>
      %parallel_loop3A_675 = arith.shrui %parallel_loop3A_672, %parallel_loop3A_674 : vector<16xi32>
      tpu.vector_store_idx %arg5[%parallel_loop3A_675], %parallel_loop3A_669 {add = true} : memref<4096xf32, #tpu.memory_space<vmem>>[vector<16xi32>], vector<16xf32>,
    } {sc.loop_unroll_factor = 4 : i64, sc.parallel_access}
    %broadcast_in_dim3A_338 = arith.constant 0.000000e+00 : f32
    %broadcast_in_dim3A_339 = vector.broadcast %broadcast_in_dim3A_338 : f32 to vector<16xf32>
    %parallel_loop3A_340 = arith.constant 0 : i32
    %parallel_loop3A_341 = arith.constant 256 : i32
    %parallel_loop3A_342 = arith.constant 2 : i32
    %parallel_loop3A_343:2 = scf.for %parallel_loop3A_639 = %parallel_loop3A_340 to %parallel_loop3A_341 step %parallel_loop3A_342 iter_args(%parallel_loop3A_640 = %broadcast_in_dim3A_339, %parallel_loop3A_641 = %broadcast_in_dim3A_339) -> (vector<16xf32>, vector<16xf32>)  : i32 {
      %parallel_loop3A_642 = arith.constant 16 : i32
      %parallel_loop3A_643 = arith.muli %parallel_loop3A_639, %parallel_loop3A_642 : i32
      %parallel_loop3A_644 = arith.index_cast %parallel_loop3A_643 : i32 to index
      %parallel_loop3A_645 = tpu.vector_load %arg5[%parallel_loop3A_644] {strides = array<i32>} : memref<4096xf32, #tpu.memory_space<vmem>>, vector<16xf32>,
      %parallel_loop3A_646 = arith.addf %parallel_loop3A_640, %parallel_loop3A_645 : vector<16xf32>
      %parallel_loop3A_647 = arith.constant 1 : i32
      %parallel_loop3A_648 = arith.addi %parallel_loop3A_639, %parallel_loop3A_647 : i32
      %parallel_loop3A_649 = arith.constant 16 : i32
      %parallel_loop3A_650 = arith.muli %parallel_loop3A_648, %parallel_loop3A_649 : i32
      %parallel_loop3A_651 = arith.index_cast %parallel_loop3A_650 : i32 to index
      %parallel_loop3A_652 = tpu.vector_load %arg5[%parallel_loop3A_651] {strides = array<i32>} : memref<4096xf32, #tpu.memory_space<vmem>>, vector<16xf32>,
      %parallel_loop3A_653 = arith.addf %parallel_loop3A_641, %parallel_loop3A_652 : vector<16xf32>
      scf.yield %parallel_loop3A_646, %parallel_loop3A_653 : vector<16xf32>, vector<16xf32>
    } {sc.loop_unroll_factor = 4 : i64, sc.parallel_access}
    %add3A_344 = arith.addf %parallel_loop3A_343#0, %parallel_loop3A_343#1 : vector<16xf32>
    %reduce_sum3A_345 = arith.constant true
    %reduce_sum3A_346 = vector.broadcast %reduce_sum3A_345 : i1 to vector<16xi1>
    %reduce_sum3A_347 = tpu.scan <sum>, %add3A_344 masked %reduce_sum3A_346 : vector<16xf32>, vector<16xi1> -> vector<16xf32>
    %reduce_sum3A_348 = vector.extract %reduce_sum3A_347[15] : f32 from vector<16xf32>
    %mul3A_349 = arith.constant 0.949999988 : f32
    %mul3A_350 = arith.mulf %mul3A_349, %reduce_sum3A_348 : f32
    %while3A_351 = arith.constant 0 : i32
    %while3A_352 = arith.constant 0.000000e+00 : f32
    %while3A_353 = arith.constant false
    %while3A_354:3 = scf.while (%while3A_639 = %while3A_351, %while3A_640 = %while3A_352, %while3A_641 = %while3A_353) : (i32, f32, i1) -> (i32, f32, i1) {
      %not3A = arith.constant true
      %not3A_642 = arith.xori %while3A_641, %not3A : i1
      %lt3A = arith.constant 256 : i32
      %lt3A_643 = arith.cmpi slt, %while3A_639, %lt3A : i32
      %and3A = arith.andi %not3A_642, %lt3A_643 : i1
      scf.condition(%and3A) %while3A_639, %while3A_640, %while3A_641 : i32, f32, i1
    } do {
    ^bb0(%while3A_639: i32, %while3A_640: f32, %while3A_641: i1):
      %sub3A_642 = arith.constant 255 : i32
      %sub3A_643 = arith.subi %sub3A_642, %while3A_639 : i32
      %mul3A_644 = arith.constant 16 : i32
      %mul3A_645 = arith.muli %sub3A_643, %mul3A_644 : i32
      %get3A_646 = arith.index_cast %mul3A_645 : i32 to index
      %get3A_647 = tpu.vector_load %arg5[%get3A_646] {strides = array<i32>} : memref<4096xf32, #tpu.memory_space<vmem>>, vector<16xf32>,
      %reduce_sum3A_648 = arith.constant true
      %reduce_sum3A_649 = vector.broadcast %reduce_sum3A_648 : i1 to vector<16xi1>
      %reduce_sum3A_650 = tpu.scan <sum>, %get3A_647 masked %reduce_sum3A_649 : vector<16xf32>, vector<16xi1> -> vector<16xf32>
      %reduce_sum3A_651 = vector.extract %reduce_sum3A_650[15] : f32 from vector<16xf32>
      %add3A_652 = arith.addf %while3A_640, %reduce_sum3A_651 : f32
      %gt3A_653 = arith.cmpf ogt, %add3A_652, %mul3A_350 : f32
      %add3A_654 = arith.constant 1 : i32
      %add3A_655 = arith.addi %while3A_639, %add3A_654 : i32
      %select_n3A_656 = arith.select %gt3A_653, %while3A_639, %add3A_655 : i32
      %add3A_657 = arith.addf %while3A_640, %reduce_sum3A_651 : f32
      %select_n3A_658 = arith.select %gt3A_653, %while3A_640, %add3A_657 : f32
      scf.yield %select_n3A_656, %select_n3A_658, %gt3A_653 : i32, f32, i1
    }
    %jit3A_355 = arith.constant 255 : i32
    %select_n3A_356 = arith.select %while3A_354#2, %while3A_354#0, %jit3A_355 : i32
    %sub3A_357 = arith.constant 255 : i32
    %sub3A_358 = arith.subi %sub3A_357, %select_n3A_356 : i32
    %mul3A_359 = arith.constant 16 : i32
    %mul3A_360 = arith.muli %sub3A_358, %mul3A_359 : i32
    %get3A_361 = arith.index_cast %mul3A_360 : i32 to index
    %get3A_362 = tpu.vector_load %arg5[%get3A_361] {strides = array<i32>} : memref<4096xf32, #tpu.memory_space<vmem>>, vector<16xf32>,
    %rev3A_363 = arith.constant 15 : i32
    %rev3A_364 = vector.broadcast %rev3A_363 : i32 to vector<16xi32>
    %rev3A_365 = tpu.iota {dimensions = array<i32: 0>} : vector<16xi32>
    %rev3A_366 = arith.subi %rev3A_364, %rev3A_365 : vector<16xi32>
    %rev3A_367 = tpu.dynamic_gather %get3A_362[%rev3A_366] in [0] : vector<16xf32>, vector<16xi32> -> vector<16xf32>
    %broadcast_in_dim3A_368 = arith.constant true
    %broadcast_in_dim3A_369 = vector.broadcast %broadcast_in_dim3A_368 : i1 to vector<16xi1>
    %masked_cumsum3A_370 = tpu.scan <sum>, %rev3A_367 masked %broadcast_in_dim3A_369 : vector<16xf32>, vector<16xi1> -> vector<16xf32>
    %add3A_371 = vector.broadcast %while3A_354#1 : f32 to vector<16xf32>
    %add3A_372 = arith.addf %masked_cumsum3A_370, %add3A_371 : vector<16xf32>
    %gt3A_373 = vector.broadcast %mul3A_350 : f32 to vector<16xf32>
    %gt3A_374 = arith.cmpf ogt, %add3A_372, %gt3A_373 : vector<16xf32>
    %reduce_or3A_375 = arith.constant 1.000000e+00 : f32
    %reduce_or3A_376 = arith.constant 0.000000e+00 : f32
    %reduce_or3A_377 = vector.broadcast %reduce_or3A_375 : f32 to vector<16xf32>
    %reduce_or3A_378 = vector.broadcast %reduce_or3A_376 : f32 to vector<16xf32>
    %reduce_or3A_379 = arith.select %gt3A_374, %reduce_or3A_377, %reduce_or3A_378 : vector<16xi1>, vector<16xf32>
    %reduce_or3A_380 = arith.constant true
    %reduce_or3A_381 = vector.broadcast %reduce_or3A_380 : i1 to vector<16xi1>
    %reduce_or3A_382 = tpu.scan <max>, %reduce_or3A_379 masked %reduce_or3A_381 : vector<16xf32>, vector<16xi1> -> vector<16xf32>
    %reduce_or3A_383 = vector.extract %reduce_or3A_382[15] : f32 from vector<16xf32>
    %reduce_or3A_384 = arith.constant 0.000000e+00 : f32
    %reduce_or3A_385 = arith.cmpf ogt, %reduce_or3A_383, %reduce_or3A_384 : f32
    %all_reduce_ffs3A_386 = tpu.all_reduce %gt3A_374 {dim = 0 : i64, kind = #tpu.reduction_kind<find_first_set>} : vector<16xi1> -> vector<16xi32>
    %reduce_min3A_387 = arith.constant true
    %reduce_min3A_388 = vector.broadcast %reduce_min3A_387 : i1 to vector<16xi1>
    %reduce_min3A_389 = arith.constant -2147483648 : i32
    %reduce_min3A_390 = vector.broadcast %reduce_min3A_389 : i32 to vector<16xi32>
    %reduce_min3A_391 = arith.xori %all_reduce_ffs3A_386, %reduce_min3A_390 : vector<16xi32>
    %reduce_min3A_392 = tpu.scan <min>, %reduce_min3A_391 masked %reduce_min3A_388 : vector<16xi32>, vector<16xi1> -> vector<16xi32>
    %reduce_min3A_393 = arith.xori %reduce_min3A_392, %reduce_min3A_390 : vector<16xi32>
    %reduce_min3A_394 = vector.extract %reduce_min3A_393[15] : i32 from vector<16xi32>
    %jit3A_395 = arith.constant 0 : i32
    %select_n3A_396 = arith.select %reduce_or3A_385, %reduce_min3A_394, %jit3A_395 : i32
    %iota3A_397 = tpu.iota {dimensions = array<i32: 0>} : vector<16xi32>
    %eq3A_398 = vector.broadcast %select_n3A_396 : i32 to vector<16xi32>
    %eq3A_399 = arith.cmpi eq, %iota3A_397, %eq3A_398 : vector<16xi32>
    %jit3A_400 = arith.constant 0.000000e+00 : f32
    %broadcast_in_dim3A_401 = vector.broadcast %jit3A_400 : f32 to vector<16xf32>
    %select_n3A_402 = arith.select %eq3A_399, %add3A_372, %broadcast_in_dim3A_401 : vector<16xi1>, vector<16xf32>
    %reduce_sum3A_403 = arith.constant true
    %reduce_sum3A_404 = vector.broadcast %reduce_sum3A_403 : i1 to vector<16xi1>
    %reduce_sum3A_405 = tpu.scan <sum>, %select_n3A_402 masked %reduce_sum3A_404 : vector<16xf32>, vector<16xi1> -> vector<16xf32>
    %reduce_sum3A_406 = vector.extract %reduce_sum3A_405[15] : f32 from vector<16xf32>
    %jit3A_407 = arith.constant 0.000000e+00 : f32
    %broadcast_in_dim3A_408 = vector.broadcast %jit3A_407 : f32 to vector<16xf32>
    %select_n3A_409 = arith.select %eq3A_399, %rev3A_367, %broadcast_in_dim3A_408 : vector<16xi1>, vector<16xf32>
    %reduce_sum3A_410 = arith.constant true
    %reduce_sum3A_411 = vector.broadcast %reduce_sum3A_410 : i1 to vector<16xi1>
    %reduce_sum3A_412 = tpu.scan <sum>, %select_n3A_409 masked %reduce_sum3A_411 : vector<16xf32>, vector<16xi1> -> vector<16xf32>
    %reduce_sum3A_413 = vector.extract %reduce_sum3A_412[15] : f32 from vector<16xf32>
    %mul3A_414 = arith.constant 16 : i32
    %mul3A_415 = arith.muli %sub3A_358, %mul3A_414 : i32
    %add3A_416 = arith.constant 15 : i32
    %add3A_417 = arith.addi %mul3A_415, %add3A_416 : i32
    %sub3A_418 = arith.subi %add3A_417, %select_n3A_396 : i32
    %iota3A_419 = tpu.iota {dimensions = array<i32: 0>} : vector<16xi32>
    %eq3A_420 = arith.constant 0 : i32
    %eq3A_421 = vector.broadcast %eq3A_420 : i32 to vector<16xi32>
    %eq3A_422 = arith.cmpi eq, %iota3A_419, %eq3A_421 : vector<16xi32>
    %get3A_423 = arith.constant 0 : index
    %get3A_424 = tpu.vector_load %arg5[%get3A_423] {strides = array<i32>} : memref<4096xf32, #tpu.memory_space<vmem>>, vector<16xf32>,
    %jit3A_425 = arith.constant 0.000000e+00 : f32
    %broadcast_in_dim3A_426 = vector.broadcast %jit3A_425 : f32 to vector<16xf32>
    %select_n3A_427 = arith.select %eq3A_422, %get3A_424, %broadcast_in_dim3A_426 : vector<16xi1>, vector<16xf32>
    %reduce_sum3A_428 = arith.constant true
    %reduce_sum3A_429 = vector.broadcast %reduce_sum3A_428 : i1 to vector<16xi1>
    %reduce_sum3A_430 = tpu.scan <sum>, %select_n3A_427 masked %reduce_sum3A_429 : vector<16xf32>, vector<16xi1> -> vector<16xf32>
    %reduce_sum3A_431 = vector.extract %reduce_sum3A_430[15] : f32 from vector<16xf32>
    %jit3A_432 = arith.constant 0 : i32
    %select_n3A_433 = arith.select %while3A_354#2, %sub3A_418, %jit3A_432 : i32
    %sub3A_434 = arith.subf %reduce_sum3A_406, %reduce_sum3A_413 : f32
    %sub3A_435 = arith.subf %while3A_354#1, %reduce_sum3A_431 : f32
    %select_n3A_436 = arith.select %while3A_354#2, %sub3A_434, %sub3A_435 : f32
    %select_n3A_437 = arith.select %while3A_354#2, %reduce_sum3A_406, %while3A_354#1 : f32
    %parallel_loop3A_438 = arith.constant 0 : i32
    %parallel_loop3A_439 = arith.constant 32 : i32
    %parallel_loop3A_440 = arith.constant 1 : i32
    scf.for %parallel_loop3A_639 = %parallel_loop3A_438 to %parallel_loop3A_439 step %parallel_loop3A_440  : i32 {
      %parallel_loop3A_640 = arith.constant 0.000000e+00 : f32
      %parallel_loop3A_641 = vector.broadcast %parallel_loop3A_640 : f32 to vector<16xf32>
      %parallel_loop3A_642 = arith.constant 16 : i32
      %parallel_loop3A_643 = arith.muli %parallel_loop3A_639, %parallel_loop3A_642 : i32
      %parallel_loop3A_644 = arith.index_cast %parallel_loop3A_643 : i32 to index
      %parallel_loop3A_645 = tpu.vector_load %arg6[%parallel_loop3A_644] {strides = array<i32>} : memref<512xf32, #tpu.memory_space<vmem>>, vector<16xf32>,
      tpu.vector_store %arg6[%parallel_loop3A_644], %parallel_loop3A_641 {strides = array<i32>} : memref<512xf32, #tpu.memory_space<vmem>>, vector<16xf32>,
    } {sc.loop_unroll_factor = 4 : i64, sc.parallel_access}
    %parallel_loop3A_441 = arith.constant 0 : i32
    %parallel_loop3A_442 = arith.constant 6250 : i32
    %parallel_loop3A_443 = arith.constant 2 : i32
    scf.for %parallel_loop3A_639 = %parallel_loop3A_441 to %parallel_loop3A_442 step %parallel_loop3A_443  : i32 {
      %parallel_loop3A_640 = arith.constant 0 : i32
      %parallel_loop3A_641 = arith.addi %parallel_loop3A_639, %parallel_loop3A_640 : i32
      %parallel_loop3A_642 = arith.constant 16 : i32
      %parallel_loop3A_643 = arith.muli %parallel_loop3A_641, %parallel_loop3A_642 : i32
      %parallel_loop3A_644 = arith.index_cast %parallel_loop3A_643 : i32 to index
      %parallel_loop3A_645 = tpu.vector_load %arg4[%parallel_loop3A_644] {strides = array<i32>} : memref<100000xf32, #tpu.memory_space<vmem>>, vector<16xf32>,
      %parallel_loop3A_646 = tpu.bitcast %parallel_loop3A_645 : vector<16xf32> -> vector<16xi32>
      %parallel_loop3A_647 = arith.constant 18 : i32
      %parallel_loop3A_648 = vector.broadcast %parallel_loop3A_647 : i32 to vector<16xi32>
      %parallel_loop3A_649 = arith.shrui %parallel_loop3A_646, %parallel_loop3A_648 : vector<16xi32>
      %parallel_loop3A_650 = vector.broadcast %select_n3A_433 : i32 to vector<16xi32>
      %parallel_loop3A_651 = arith.cmpi eq, %parallel_loop3A_649, %parallel_loop3A_650 : vector<16xi32>
      %parallel_loop3A_652 = arith.constant 9 : i32
      %parallel_loop3A_653 = vector.broadcast %parallel_loop3A_652 : i32 to vector<16xi32>
      %parallel_loop3A_654 = arith.shrui %parallel_loop3A_646, %parallel_loop3A_653 : vector<16xi32>
      %parallel_loop3A_655 = arith.constant 511 : i32
      %parallel_loop3A_656 = vector.broadcast %parallel_loop3A_655 : i32 to vector<16xi32>
      %parallel_loop3A_657 = arith.andi %parallel_loop3A_654, %parallel_loop3A_656 : vector<16xi32>
      tpu.vector_store_idx %arg6[%parallel_loop3A_657], %parallel_loop3A_645 masked %parallel_loop3A_651 {add = true} : memref<512xf32, #tpu.memory_space<vmem>>[vector<16xi32>], vector<16xf32>, vector<16xi1>
      %parallel_loop3A_658 = arith.constant 1 : i32
      %parallel_loop3A_659 = arith.addi %parallel_loop3A_639, %parallel_loop3A_658 : i32
      %parallel_loop3A_660 = arith.constant 16 : i32
      %parallel_loop3A_661 = arith.muli %parallel_loop3A_659, %parallel_loop3A_660 : i32
      %parallel_loop3A_662 = arith.index_cast %parallel_loop3A_661 : i32 to index
      %parallel_loop3A_663 = tpu.vector_load %arg4[%parallel_loop3A_662] {strides = array<i32>} : memref<100000xf32, #tpu.memory_space<vmem>>, vector<16xf32>,
      %parallel_loop3A_664 = tpu.bitcast %parallel_loop3A_663 : vector<16xf32> -> vector<16xi32>
      %parallel_loop3A_665 = arith.constant 18 : i32
      %parallel_loop3A_666 = vector.broadcast %parallel_loop3A_665 : i32 to vector<16xi32>
      %parallel_loop3A_667 = arith.shrui %parallel_loop3A_664, %parallel_loop3A_666 : vector<16xi32>
      %parallel_loop3A_668 = vector.broadcast %select_n3A_433 : i32 to vector<16xi32>
      %parallel_loop3A_669 = arith.cmpi eq, %parallel_loop3A_667, %parallel_loop3A_668 : vector<16xi32>
      %parallel_loop3A_670 = arith.constant 9 : i32
      %parallel_loop3A_671 = vector.broadcast %parallel_loop3A_670 : i32 to vector<16xi32>
      %parallel_loop3A_672 = arith.shrui %parallel_loop3A_664, %parallel_loop3A_671 : vector<16xi32>
      %parallel_loop3A_673 = arith.constant 511 : i32
      %parallel_loop3A_674 = vector.broadcast %parallel_loop3A_673 : i32 to vector<16xi32>
      %parallel_loop3A_675 = arith.andi %parallel_loop3A_672, %parallel_loop3A_674 : vector<16xi32>
      tpu.vector_store_idx %arg6[%parallel_loop3A_675], %parallel_loop3A_663 masked %parallel_loop3A_669 {add = true} : memref<512xf32, #tpu.memory_space<vmem>>[vector<16xi32>], vector<16xf32>, vector<16xi1>
    } {sc.loop_unroll_factor = 4 : i64, sc.parallel_access}
    %while3A_444 = arith.constant 0 : i32
    %while3A_445 = arith.constant false
    %while3A_446:3 = scf.while (%while3A_639 = %while3A_444, %while3A_640 = %select_n3A_436, %while3A_641 = %while3A_445) : (i32, f32, i1) -> (i32, f32, i1) {
      %not3A = arith.constant true
      %not3A_642 = arith.xori %while3A_641, %not3A : i1
      %lt3A = arith.constant 32 : i32
      %lt3A_643 = arith.cmpi slt, %while3A_639, %lt3A : i32
      %and3A = arith.andi %not3A_642, %lt3A_643 : i1
      scf.condition(%and3A) %while3A_639, %while3A_640, %while3A_641 : i32, f32, i1
    } do {
    ^bb0(%while3A_639: i32, %while3A_640: f32, %while3A_641: i1):
      %sub3A_642 = arith.constant 31 : i32
      %sub3A_643 = arith.subi %sub3A_642, %while3A_639 : i32
      %mul3A_644 = arith.constant 16 : i32
      %mul3A_645 = arith.muli %sub3A_643, %mul3A_644 : i32
      %get3A_646 = arith.index_cast %mul3A_645 : i32 to index
      %get3A_647 = tpu.vector_load %arg6[%get3A_646] {strides = array<i32>} : memref<512xf32, #tpu.memory_space<vmem>>, vector<16xf32>,
      %reduce_sum3A_648 = arith.constant true
      %reduce_sum3A_649 = vector.broadcast %reduce_sum3A_648 : i1 to vector<16xi1>
      %reduce_sum3A_650 = tpu.scan <sum>, %get3A_647 masked %reduce_sum3A_649 : vector<16xf32>, vector<16xi1> -> vector<16xf32>
      %reduce_sum3A_651 = vector.extract %reduce_sum3A_650[15] : f32 from vector<16xf32>
      %add3A_652 = arith.addf %while3A_640, %reduce_sum3A_651 : f32
      %gt3A_653 = arith.cmpf ogt, %add3A_652, %mul3A_350 : f32
      %add3A_654 = arith.constant 1 : i32
      %add3A_655 = arith.addi %while3A_639, %add3A_654 : i32
      %select_n3A_656 = arith.select %gt3A_653, %while3A_639, %add3A_655 : i32
      %add3A_657 = arith.addf %while3A_640, %reduce_sum3A_651 : f32
      %select_n3A_658 = arith.select %gt3A_653, %while3A_640, %add3A_657 : f32
      scf.yield %select_n3A_656, %select_n3A_658, %gt3A_653 : i32, f32, i1
    }
    %jit3A_447 = arith.constant 31 : i32
    %select_n3A_448 = arith.select %while3A_446#2, %while3A_446#0, %jit3A_447 : i32
    %sub3A_449 = arith.constant 31 : i32
    %sub3A_450 = arith.subi %sub3A_449, %select_n3A_448 : i32
    %mul3A_451 = arith.constant 16 : i32
    %mul3A_452 = arith.muli %sub3A_450, %mul3A_451 : i32
    %get3A_453 = arith.index_cast %mul3A_452 : i32 to index
    %get3A_454 = tpu.vector_load %arg6[%get3A_453] {strides = array<i32>} : memref<512xf32, #tpu.memory_space<vmem>>, vector<16xf32>,
    %rev3A_455 = arith.constant 15 : i32
    %rev3A_456 = vector.broadcast %rev3A_455 : i32 to vector<16xi32>
    %rev3A_457 = tpu.iota {dimensions = array<i32: 0>} : vector<16xi32>
    %rev3A_458 = arith.subi %rev3A_456, %rev3A_457 : vector<16xi32>
    %rev3A_459 = tpu.dynamic_gather %get3A_454[%rev3A_458] in [0] : vector<16xf32>, vector<16xi32> -> vector<16xf32>
    %broadcast_in_dim3A_460 = arith.constant true
    %broadcast_in_dim3A_461 = vector.broadcast %broadcast_in_dim3A_460 : i1 to vector<16xi1>
    %masked_cumsum3A_462 = tpu.scan <sum>, %rev3A_459 masked %broadcast_in_dim3A_461 : vector<16xf32>, vector<16xi1> -> vector<16xf32>
    %add3A_463 = vector.broadcast %while3A_446#1 : f32 to vector<16xf32>
    %add3A_464 = arith.addf %masked_cumsum3A_462, %add3A_463 : vector<16xf32>
    %gt3A_465 = vector.broadcast %mul3A_350 : f32 to vector<16xf32>
    %gt3A_466 = arith.cmpf ogt, %add3A_464, %gt3A_465 : vector<16xf32>
    %reduce_or3A_467 = arith.constant 1.000000e+00 : f32
    %reduce_or3A_468 = arith.constant 0.000000e+00 : f32
    %reduce_or3A_469 = vector.broadcast %reduce_or3A_467 : f32 to vector<16xf32>
    %reduce_or3A_470 = vector.broadcast %reduce_or3A_468 : f32 to vector<16xf32>
    %reduce_or3A_471 = arith.select %gt3A_466, %reduce_or3A_469, %reduce_or3A_470 : vector<16xi1>, vector<16xf32>
    %reduce_or3A_472 = arith.constant true
    %reduce_or3A_473 = vector.broadcast %reduce_or3A_472 : i1 to vector<16xi1>
    %reduce_or3A_474 = tpu.scan <max>, %reduce_or3A_471 masked %reduce_or3A_473 : vector<16xf32>, vector<16xi1> -> vector<16xf32>
    %reduce_or3A_475 = vector.extract %reduce_or3A_474[15] : f32 from vector<16xf32>
    %reduce_or3A_476 = arith.constant 0.000000e+00 : f32
    %reduce_or3A_477 = arith.cmpf ogt, %reduce_or3A_475, %reduce_or3A_476 : f32
    %all_reduce_ffs3A_478 = tpu.all_reduce %gt3A_466 {dim = 0 : i64, kind = #tpu.reduction_kind<find_first_set>} : vector<16xi1> -> vector<16xi32>
    %reduce_min3A_479 = arith.constant true
    %reduce_min3A_480 = vector.broadcast %reduce_min3A_479 : i1 to vector<16xi1>
    %reduce_min3A_481 = arith.constant -2147483648 : i32
    %reduce_min3A_482 = vector.broadcast %reduce_min3A_481 : i32 to vector<16xi32>
    %reduce_min3A_483 = arith.xori %all_reduce_ffs3A_478, %reduce_min3A_482 : vector<16xi32>
    %reduce_min3A_484 = tpu.scan <min>, %reduce_min3A_483 masked %reduce_min3A_480 : vector<16xi32>, vector<16xi1> -> vector<16xi32>
    %reduce_min3A_485 = arith.xori %reduce_min3A_484, %reduce_min3A_482 : vector<16xi32>
    %reduce_min3A_486 = vector.extract %reduce_min3A_485[15] : i32 from vector<16xi32>
    %jit3A_487 = arith.constant 0 : i32
    %select_n3A_488 = arith.select %reduce_or3A_477, %reduce_min3A_486, %jit3A_487 : i32
    %iota3A_489 = tpu.iota {dimensions = array<i32: 0>} : vector<16xi32>
    %eq3A_490 = vector.broadcast %select_n3A_488 : i32 to vector<16xi32>
    %eq3A_491 = arith.cmpi eq, %iota3A_489, %eq3A_490 : vector<16xi32>
    %jit3A_492 = arith.constant 0.000000e+00 : f32
    %broadcast_in_dim3A_493 = vector.broadcast %jit3A_492 : f32 to vector<16xf32>
    %select_n3A_494 = arith.select %eq3A_491, %add3A_464, %broadcast_in_dim3A_493 : vector<16xi1>, vector<16xf32>
    %reduce_sum3A_495 = arith.constant true
    %reduce_sum3A_496 = vector.broadcast %reduce_sum3A_495 : i1 to vector<16xi1>
    %reduce_sum3A_497 = tpu.scan <sum>, %select_n3A_494 masked %reduce_sum3A_496 : vector<16xf32>, vector<16xi1> -> vector<16xf32>
    %reduce_sum3A_498 = vector.extract %reduce_sum3A_497[15] : f32 from vector<16xf32>
    %jit3A_499 = arith.constant 0.000000e+00 : f32
    %broadcast_in_dim3A_500 = vector.broadcast %jit3A_499 : f32 to vector<16xf32>
    %select_n3A_501 = arith.select %eq3A_491, %rev3A_459, %broadcast_in_dim3A_500 : vector<16xi1>, vector<16xf32>
    %reduce_sum3A_502 = arith.constant true
    %reduce_sum3A_503 = vector.broadcast %reduce_sum3A_502 : i1 to vector<16xi1>
    %reduce_sum3A_504 = tpu.scan <sum>, %select_n3A_501 masked %reduce_sum3A_503 : vector<16xf32>, vector<16xi1> -> vector<16xf32>
    %reduce_sum3A_505 = vector.extract %reduce_sum3A_504[15] : f32 from vector<16xf32>
    %mul3A_506 = arith.constant 16 : i32
    %mul3A_507 = arith.muli %sub3A_450, %mul3A_506 : i32
    %add3A_508 = arith.constant 15 : i32
    %add3A_509 = arith.addi %mul3A_507, %add3A_508 : i32
    %sub3A_510 = arith.subi %add3A_509, %select_n3A_488 : i32
    %iota3A_511 = tpu.iota {dimensions = array<i32: 0>} : vector<16xi32>
    %eq3A_512 = arith.constant 0 : i32
    %eq3A_513 = vector.broadcast %eq3A_512 : i32 to vector<16xi32>
    %eq3A_514 = arith.cmpi eq, %iota3A_511, %eq3A_513 : vector<16xi32>
    %get3A_515 = arith.constant 0 : index
    %get3A_516 = tpu.vector_load %arg6[%get3A_515] {strides = array<i32>} : memref<512xf32, #tpu.memory_space<vmem>>, vector<16xf32>,
    %jit3A_517 = arith.constant 0.000000e+00 : f32
    %broadcast_in_dim3A_518 = vector.broadcast %jit3A_517 : f32 to vector<16xf32>
    %select_n3A_519 = arith.select %eq3A_514, %get3A_516, %broadcast_in_dim3A_518 : vector<16xi1>, vector<16xf32>
    %reduce_sum3A_520 = arith.constant true
    %reduce_sum3A_521 = vector.broadcast %reduce_sum3A_520 : i1 to vector<16xi1>
    %reduce_sum3A_522 = tpu.scan <sum>, %select_n3A_519 masked %reduce_sum3A_521 : vector<16xf32>, vector<16xi1> -> vector<16xf32>
    %reduce_sum3A_523 = vector.extract %reduce_sum3A_522[15] : f32 from vector<16xf32>
    %jit3A_524 = arith.constant 0 : i32
    %select_n3A_525 = arith.select %while3A_446#2, %sub3A_510, %jit3A_524 : i32
    %sub3A_526 = arith.subf %reduce_sum3A_498, %reduce_sum3A_505 : f32
    %sub3A_527 = arith.subf %while3A_446#1, %reduce_sum3A_523 : f32
    %select_n3A_528 = arith.select %while3A_446#2, %sub3A_526, %sub3A_527 : f32
    %select_n3A_529 = arith.select %while3A_446#2, %reduce_sum3A_498, %while3A_446#1 : f32
    %parallel_loop3A_530 = arith.constant 0 : i32
    %parallel_loop3A_531 = arith.constant 32 : i32
    %parallel_loop3A_532 = arith.constant 1 : i32
    scf.for %parallel_loop3A_639 = %parallel_loop3A_530 to %parallel_loop3A_531 step %parallel_loop3A_532  : i32 {
      %parallel_loop3A_640 = arith.constant 0.000000e+00 : f32
      %parallel_loop3A_641 = vector.broadcast %parallel_loop3A_640 : f32 to vector<16xf32>
      %parallel_loop3A_642 = arith.constant 16 : i32
      %parallel_loop3A_643 = arith.muli %parallel_loop3A_639, %parallel_loop3A_642 : i32
      %parallel_loop3A_644 = arith.index_cast %parallel_loop3A_643 : i32 to index
      %parallel_loop3A_645 = tpu.vector_load %arg7[%parallel_loop3A_644] {strides = array<i32>} : memref<512xf32, #tpu.memory_space<vmem>>, vector<16xf32>,
      tpu.vector_store %arg7[%parallel_loop3A_644], %parallel_loop3A_641 {strides = array<i32>} : memref<512xf32, #tpu.memory_space<vmem>>, vector<16xf32>,
    } {sc.loop_unroll_factor = 4 : i64, sc.parallel_access}
    %shift_left3A_533 = arith.constant 9 : i32
    %shift_left3A_534 = arith.shli %select_n3A_433, %shift_left3A_533 : i32
    %or3A_535 = arith.ori %shift_left3A_534, %select_n3A_525 : i32
    %parallel_loop3A_536 = arith.constant 0 : i32
    %parallel_loop3A_537 = arith.constant 6250 : i32
    %parallel_loop3A_538 = arith.constant 2 : i32
    scf.for %parallel_loop3A_639 = %parallel_loop3A_536 to %parallel_loop3A_537 step %parallel_loop3A_538  : i32 {
      %parallel_loop3A_640 = arith.constant 0 : i32
      %parallel_loop3A_641 = arith.addi %parallel_loop3A_639, %parallel_loop3A_640 : i32
      %parallel_loop3A_642 = arith.constant 16 : i32
      %parallel_loop3A_643 = arith.muli %parallel_loop3A_641, %parallel_loop3A_642 : i32
      %parallel_loop3A_644 = arith.index_cast %parallel_loop3A_643 : i32 to index
      %parallel_loop3A_645 = tpu.vector_load %arg4[%parallel_loop3A_644] {strides = array<i32>} : memref<100000xf32, #tpu.memory_space<vmem>>, vector<16xf32>,
      %parallel_loop3A_646 = tpu.bitcast %parallel_loop3A_645 : vector<16xf32> -> vector<16xi32>
      %parallel_loop3A_647 = arith.constant 9 : i32
      %parallel_loop3A_648 = vector.broadcast %parallel_loop3A_647 : i32 to vector<16xi32>
      %parallel_loop3A_649 = arith.shrui %parallel_loop3A_646, %parallel_loop3A_648 : vector<16xi32>
      %parallel_loop3A_650 = vector.broadcast %or3A_535 : i32 to vector<16xi32>
      %parallel_loop3A_651 = arith.cmpi eq, %parallel_loop3A_649, %parallel_loop3A_650 : vector<16xi32>
      %parallel_loop3A_652 = arith.constant 511 : i32
      %parallel_loop3A_653 = vector.broadcast %parallel_loop3A_652 : i32 to vector<16xi32>
      %parallel_loop3A_654 = arith.andi %parallel_loop3A_646, %parallel_loop3A_653 : vector<16xi32>
      tpu.vector_store_idx %arg7[%parallel_loop3A_654], %parallel_loop3A_645 masked %parallel_loop3A_651 {add = true} : memref<512xf32, #tpu.memory_space<vmem>>[vector<16xi32>], vector<16xf32>, vector<16xi1>
      %parallel_loop3A_655 = arith.constant 1 : i32
      %parallel_loop3A_656 = arith.addi %parallel_loop3A_639, %parallel_loop3A_655 : i32
      %parallel_loop3A_657 = arith.constant 16 : i32
      %parallel_loop3A_658 = arith.muli %parallel_loop3A_656, %parallel_loop3A_657 : i32
      %parallel_loop3A_659 = arith.index_cast %parallel_loop3A_658 : i32 to index
      %parallel_loop3A_660 = tpu.vector_load %arg4[%parallel_loop3A_659] {strides = array<i32>} : memref<100000xf32, #tpu.memory_space<vmem>>, vector<16xf32>,
      %parallel_loop3A_661 = tpu.bitcast %parallel_loop3A_660 : vector<16xf32> -> vector<16xi32>
      %parallel_loop3A_662 = arith.constant 9 : i32
      %parallel_loop3A_663 = vector.broadcast %parallel_loop3A_662 : i32 to vector<16xi32>
      %parallel_loop3A_664 = arith.shrui %parallel_loop3A_661, %parallel_loop3A_663 : vector<16xi32>
      %parallel_loop3A_665 = vector.broadcast %or3A_535 : i32 to vector<16xi32>
      %parallel_loop3A_666 = arith.cmpi eq, %parallel_loop3A_664, %parallel_loop3A_665 : vector<16xi32>
      %parallel_loop3A_667 = arith.constant 511 : i32
      %parallel_loop3A_668 = vector.broadcast %parallel_loop3A_667 : i32 to vector<16xi32>
      %parallel_loop3A_669 = arith.andi %parallel_loop3A_661, %parallel_loop3A_668 : vector<16xi32>
      tpu.vector_store_idx %arg7[%parallel_loop3A_669], %parallel_loop3A_660 masked %parallel_loop3A_666 {add = true} : memref<512xf32, #tpu.memory_space<vmem>>[vector<16xi32>], vector<16xf32>, vector<16xi1>
    } {sc.loop_unroll_factor = 4 : i64, sc.parallel_access}
    %while3A_539 = arith.constant 0 : i32
    %while3A_540 = arith.constant false
    %while3A_541:3 = scf.while (%while3A_639 = %while3A_539, %while3A_640 = %select_n3A_528, %while3A_641 = %while3A_540) : (i32, f32, i1) -> (i32, f32, i1) {
      %not3A = arith.constant true
      %not3A_642 = arith.xori %while3A_641, %not3A : i1
      %lt3A = arith.constant 32 : i32
      %lt3A_643 = arith.cmpi slt, %while3A_639, %lt3A : i32
      %and3A = arith.andi %not3A_642, %lt3A_643 : i1
      scf.condition(%and3A) %while3A_639, %while3A_640, %while3A_641 : i32, f32, i1
    } do {
    ^bb0(%while3A_639: i32, %while3A_640: f32, %while3A_641: i1):
      %sub3A_642 = arith.constant 31 : i32
      %sub3A_643 = arith.subi %sub3A_642, %while3A_639 : i32
      %mul3A_644 = arith.constant 16 : i32
      %mul3A_645 = arith.muli %sub3A_643, %mul3A_644 : i32
      %get3A_646 = arith.index_cast %mul3A_645 : i32 to index
      %get3A_647 = tpu.vector_load %arg7[%get3A_646] {strides = array<i32>} : memref<512xf32, #tpu.memory_space<vmem>>, vector<16xf32>,
      %reduce_sum3A_648 = arith.constant true
      %reduce_sum3A_649 = vector.broadcast %reduce_sum3A_648 : i1 to vector<16xi1>
      %reduce_sum3A_650 = tpu.scan <sum>, %get3A_647 masked %reduce_sum3A_649 : vector<16xf32>, vector<16xi1> -> vector<16xf32>
      %reduce_sum3A_651 = vector.extract %reduce_sum3A_650[15] : f32 from vector<16xf32>
      %add3A_652 = arith.addf %while3A_640, %reduce_sum3A_651 : f32
      %gt3A_653 = arith.cmpf ogt, %add3A_652, %mul3A_350 : f32
      %add3A_654 = arith.constant 1 : i32
      %add3A_655 = arith.addi %while3A_639, %add3A_654 : i32
      %select_n3A_656 = arith.select %gt3A_653, %while3A_639, %add3A_655 : i32
      %add3A_657 = arith.addf %while3A_640, %reduce_sum3A_651 : f32
      %select_n3A_658 = arith.select %gt3A_653, %while3A_640, %add3A_657 : f32
      scf.yield %select_n3A_656, %select_n3A_658, %gt3A_653 : i32, f32, i1
    }
    %jit3A_542 = arith.constant 31 : i32
    %select_n3A_543 = arith.select %while3A_541#2, %while3A_541#0, %jit3A_542 : i32
    %sub3A_544 = arith.constant 31 : i32
    %sub3A_545 = arith.subi %sub3A_544, %select_n3A_543 : i32
    %mul3A_546 = arith.constant 16 : i32
    %mul3A_547 = arith.muli %sub3A_545, %mul3A_546 : i32
    %get3A_548 = arith.index_cast %mul3A_547 : i32 to index
    %get3A_549 = tpu.vector_load %arg7[%get3A_548] {strides = array<i32>} : memref<512xf32, #tpu.memory_space<vmem>>, vector<16xf32>,
    %rev3A_550 = arith.constant 15 : i32
    %rev3A_551 = vector.broadcast %rev3A_550 : i32 to vector<16xi32>
    %rev3A_552 = tpu.iota {dimensions = array<i32: 0>} : vector<16xi32>
    %rev3A_553 = arith.subi %rev3A_551, %rev3A_552 : vector<16xi32>
    %rev3A_554 = tpu.dynamic_gather %get3A_549[%rev3A_553] in [0] : vector<16xf32>, vector<16xi32> -> vector<16xf32>
    %broadcast_in_dim3A_555 = arith.constant true
    %broadcast_in_dim3A_556 = vector.broadcast %broadcast_in_dim3A_555 : i1 to vector<16xi1>
    %masked_cumsum3A_557 = tpu.scan <sum>, %rev3A_554 masked %broadcast_in_dim3A_556 : vector<16xf32>, vector<16xi1> -> vector<16xf32>
    %add3A_558 = vector.broadcast %while3A_541#1 : f32 to vector<16xf32>
    %add3A_559 = arith.addf %masked_cumsum3A_557, %add3A_558 : vector<16xf32>
    %gt3A_560 = vector.broadcast %mul3A_350 : f32 to vector<16xf32>
    %gt3A_561 = arith.cmpf ogt, %add3A_559, %gt3A_560 : vector<16xf32>
    %reduce_or3A_562 = arith.constant 1.000000e+00 : f32
    %reduce_or3A_563 = arith.constant 0.000000e+00 : f32
    %reduce_or3A_564 = vector.broadcast %reduce_or3A_562 : f32 to vector<16xf32>
    %reduce_or3A_565 = vector.broadcast %reduce_or3A_563 : f32 to vector<16xf32>
    %reduce_or3A_566 = arith.select %gt3A_561, %reduce_or3A_564, %reduce_or3A_565 : vector<16xi1>, vector<16xf32>
    %reduce_or3A_567 = arith.constant true
    %reduce_or3A_568 = vector.broadcast %reduce_or3A_567 : i1 to vector<16xi1>
    %reduce_or3A_569 = tpu.scan <max>, %reduce_or3A_566 masked %reduce_or3A_568 : vector<16xf32>, vector<16xi1> -> vector<16xf32>
    %reduce_or3A_570 = vector.extract %reduce_or3A_569[15] : f32 from vector<16xf32>
    %reduce_or3A_571 = arith.constant 0.000000e+00 : f32
    %reduce_or3A_572 = arith.cmpf ogt, %reduce_or3A_570, %reduce_or3A_571 : f32
    %all_reduce_ffs3A_573 = tpu.all_reduce %gt3A_561 {dim = 0 : i64, kind = #tpu.reduction_kind<find_first_set>} : vector<16xi1> -> vector<16xi32>
    %reduce_min3A_574 = arith.constant true
    %reduce_min3A_575 = vector.broadcast %reduce_min3A_574 : i1 to vector<16xi1>
    %reduce_min3A_576 = arith.constant -2147483648 : i32
    %reduce_min3A_577 = vector.broadcast %reduce_min3A_576 : i32 to vector<16xi32>
    %reduce_min3A_578 = arith.xori %all_reduce_ffs3A_573, %reduce_min3A_577 : vector<16xi32>
    %reduce_min3A_579 = tpu.scan <min>, %reduce_min3A_578 masked %reduce_min3A_575 : vector<16xi32>, vector<16xi1> -> vector<16xi32>
    %reduce_min3A_580 = arith.xori %reduce_min3A_579, %reduce_min3A_577 : vector<16xi32>
    %reduce_min3A_581 = vector.extract %reduce_min3A_580[15] : i32 from vector<16xi32>
    %jit3A_582 = arith.constant 0 : i32
    %select_n3A_583 = arith.select %reduce_or3A_572, %reduce_min3A_581, %jit3A_582 : i32
    %iota3A_584 = tpu.iota {dimensions = array<i32: 0>} : vector<16xi32>
    %eq3A_585 = vector.broadcast %select_n3A_583 : i32 to vector<16xi32>
    %eq3A_586 = arith.cmpi eq, %iota3A_584, %eq3A_585 : vector<16xi32>
    %jit3A_587 = arith.constant 0.000000e+00 : f32
    %broadcast_in_dim3A_588 = vector.broadcast %jit3A_587 : f32 to vector<16xf32>
    %select_n3A_589 = arith.select %eq3A_586, %add3A_559, %broadcast_in_dim3A_588 : vector<16xi1>, vector<16xf32>
    %reduce_sum3A_590 = arith.constant true
    %reduce_sum3A_591 = vector.broadcast %reduce_sum3A_590 : i1 to vector<16xi1>
    %reduce_sum3A_592 = tpu.scan <sum>, %select_n3A_589 masked %reduce_sum3A_591 : vector<16xf32>, vector<16xi1> -> vector<16xf32>
    %reduce_sum3A_593 = vector.extract %reduce_sum3A_592[15] : f32 from vector<16xf32>
    %jit3A_594 = arith.constant 0.000000e+00 : f32
    %broadcast_in_dim3A_595 = vector.broadcast %jit3A_594 : f32 to vector<16xf32>
    %select_n3A_596 = arith.select %eq3A_586, %rev3A_554, %broadcast_in_dim3A_595 : vector<16xi1>, vector<16xf32>
    %reduce_sum3A_597 = arith.constant true
    %reduce_sum3A_598 = vector.broadcast %reduce_sum3A_597 : i1 to vector<16xi1>
    %reduce_sum3A_599 = tpu.scan <sum>, %select_n3A_596 masked %reduce_sum3A_598 : vector<16xf32>, vector<16xi1> -> vector<16xf32>
    %reduce_sum3A_600 = vector.extract %reduce_sum3A_599[15] : f32 from vector<16xf32>
    %mul3A_601 = arith.constant 16 : i32
    %mul3A_602 = arith.muli %sub3A_545, %mul3A_601 : i32
    %add3A_603 = arith.constant 15 : i32
    %add3A_604 = arith.addi %mul3A_602, %add3A_603 : i32
    %sub3A_605 = arith.subi %add3A_604, %select_n3A_583 : i32
    %iota3A_606 = tpu.iota {dimensions = array<i32: 0>} : vector<16xi32>
    %eq3A_607 = arith.constant 0 : i32
    %eq3A_608 = vector.broadcast %eq3A_607 : i32 to vector<16xi32>
    %eq3A_609 = arith.cmpi eq, %iota3A_606, %eq3A_608 : vector<16xi32>
    %get3A_610 = arith.constant 0 : index
    %get3A_611 = tpu.vector_load %arg7[%get3A_610] {strides = array<i32>} : memref<512xf32, #tpu.memory_space<vmem>>, vector<16xf32>,
    %jit3A_612 = arith.constant 0.000000e+00 : f32
    %broadcast_in_dim3A_613 = vector.broadcast %jit3A_612 : f32 to vector<16xf32>
    %select_n3A_614 = arith.select %eq3A_609, %get3A_611, %broadcast_in_dim3A_613 : vector<16xi1>, vector<16xf32>
    %reduce_sum3A_615 = arith.constant true
    %reduce_sum3A_616 = vector.broadcast %reduce_sum3A_615 : i1 to vector<16xi1>
    %reduce_sum3A_617 = tpu.scan <sum>, %select_n3A_614 masked %reduce_sum3A_616 : vector<16xf32>, vector<16xi1> -> vector<16xf32>
    %reduce_sum3A_618 = vector.extract %reduce_sum3A_617[15] : f32 from vector<16xf32>
    %jit3A_619 = arith.constant 0 : i32
    %select_n3A_620 = arith.select %while3A_541#2, %sub3A_605, %jit3A_619 : i32
    %sub3A_621 = arith.subf %reduce_sum3A_593, %reduce_sum3A_600 : f32
    %sub3A_622 = arith.subf %while3A_541#1, %reduce_sum3A_618 : f32
    %select_n3A_623 = arith.select %while3A_541#2, %sub3A_621, %sub3A_622 : f32
    %select_n3A_624 = arith.select %while3A_541#2, %reduce_sum3A_593, %while3A_541#1 : f32
    %shift_left3A_625 = arith.constant 9 : i32
    %shift_left3A_626 = arith.shli %or3A_535, %shift_left3A_625 : i32
    %or3A_627 = arith.ori %shift_left3A_626, %select_n3A_620 : i32
    %bitcast_convert_type3A_628 = arith.bitcast %or3A_627 : i32 to f32
    %broadcast_in_dim3A_629 = arith.constant 0.000000e+00 : f32
    %broadcast_in_dim3A_630 = vector.broadcast %broadcast_in_dim3A_629 : f32 to vector<16xf32>
    %add3A_631 = vector.broadcast %select_n3A_624 : f32 to vector<16xf32>
    %add3A_632 = arith.addf %add3A_631, %broadcast_in_dim3A_630 : vector<16xf32>
    %div3A_633 = arith.constant 1.000000e+00 : f32
    %div3A_634 = vector.broadcast %div3A_633 : f32 to vector<16xf32>
    %div3A_635 = arith.divf %div3A_634, %add3A_632 : vector<16xf32>
    %parallel_loop3A_636 = arith.constant 0 : i32
    %parallel_loop3A_637 = arith.constant 6250 : i32
    %parallel_loop3A_638 = arith.constant 2 : i32
    scf.for %parallel_loop3A_639 = %parallel_loop3A_636 to %parallel_loop3A_637 step %parallel_loop3A_638  : i32 {
      %parallel_loop3A_640 = arith.constant 0 : i32
      %parallel_loop3A_641 = arith.addi %parallel_loop3A_639, %parallel_loop3A_640 : i32
      %parallel_loop3A_642 = arith.constant 16 : i32
      %parallel_loop3A_643 = arith.muli %parallel_loop3A_641, %parallel_loop3A_642 : i32
      %parallel_loop3A_644 = arith.index_cast %parallel_loop3A_643 : i32 to index
      %parallel_loop3A_645 = tpu.vector_load %arg4[%parallel_loop3A_644] {strides = array<i32>} : memref<100000xf32, #tpu.memory_space<vmem>>, vector<16xf32>,
      %parallel_loop3A_646 = vector.broadcast %bitcast_convert_type3A_628 : f32 to vector<16xf32>
      %parallel_loop3A_647 = arith.cmpf oge, %parallel_loop3A_645, %parallel_loop3A_646 : vector<16xf32>
      %parallel_loop3A_648 = arith.mulf %parallel_loop3A_645, %div3A_635 : vector<16xf32>
      %parallel_loop3A_649 = arith.constant 0.000000e+00 : f32
      %parallel_loop3A_650 = vector.broadcast %parallel_loop3A_649 : f32 to vector<16xf32>
      %parallel_loop3A_651 = arith.select %parallel_loop3A_647, %parallel_loop3A_648, %parallel_loop3A_650 : vector<16xi1>, vector<16xf32>
      %parallel_loop3A_652 = arith.index_cast %parallel_loop3A_643 : i32 to index
      %parallel_loop3A_653 = tpu.vector_load %arg4[%parallel_loop3A_652] {strides = array<i32>} : memref<100000xf32, #tpu.memory_space<vmem>>, vector<16xf32>,
      tpu.vector_store %arg4[%parallel_loop3A_652], %parallel_loop3A_651 {strides = array<i32>} : memref<100000xf32, #tpu.memory_space<vmem>>, vector<16xf32>,
      %parallel_loop3A_654 = arith.constant 1 : i32
      %parallel_loop3A_655 = arith.addi %parallel_loop3A_639, %parallel_loop3A_654 : i32
      %parallel_loop3A_656 = arith.constant 16 : i32
      %parallel_loop3A_657 = arith.muli %parallel_loop3A_655, %parallel_loop3A_656 : i32
      %parallel_loop3A_658 = arith.index_cast %parallel_loop3A_657 : i32 to index
      %parallel_loop3A_659 = tpu.vector_load %arg4[%parallel_loop3A_658] {strides = array<i32>} : memref<100000xf32, #tpu.memory_space<vmem>>, vector<16xf32>,
      %parallel_loop3A_660 = vector.broadcast %bitcast_convert_type3A_628 : f32 to vector<16xf32>
      %parallel_loop3A_661 = arith.cmpf oge, %parallel_loop3A_659, %parallel_loop3A_660 : vector<16xf32>
      %parallel_loop3A_662 = arith.mulf %parallel_loop3A_659, %div3A_635 : vector<16xf32>
      %parallel_loop3A_663 = arith.constant 0.000000e+00 : f32
      %parallel_loop3A_664 = vector.broadcast %parallel_loop3A_663 : f32 to vector<16xf32>
      %parallel_loop3A_665 = arith.select %parallel_loop3A_661, %parallel_loop3A_662, %parallel_loop3A_664 : vector<16xi1>, vector<16xf32>
      %parallel_loop3A_666 = arith.index_cast %parallel_loop3A_657 : i32 to index
      %parallel_loop3A_667 = tpu.vector_load %arg4[%parallel_loop3A_666] {strides = array<i32>} : memref<100000xf32, #tpu.memory_space<vmem>>, vector<16xf32>,
      tpu.vector_store %arg4[%parallel_loop3A_666], %parallel_loop3A_665 {strides = array<i32>} : memref<100000xf32, #tpu.memory_space<vmem>>, vector<16xf32>,
    } {sc.loop_unroll_factor = 4 : i64, sc.parallel_access}
    "tpu.region"() ({
      %run_scoped3A = tpu.sem_alloc : memref<!tpu.dma_semaphore, #tpu.memory_space<semaphore_mem>>
      %dma_start3A = arith.constant 0 : i32
      %dma_start3A_639 = tpu.memref_slice %arg3[%add3A_312, %dma_start3A] : memref<64x100000xf32, #tpu.memory_space<hbm>> -> memref<1x100000xf32, #tpu.memory_space<hbm>>
      %dma_start3A_640 = tpu.memref_squeeze %dma_start3A_639 : memref<1x100000xf32, #tpu.memory_space<hbm>> -> memref<100000xf32, #tpu.memory_space<hbm>>
      %dma_start3A_641 = arith.constant 0 : i32
      %dma_start3A_642 = tpu.memref_slice %arg3[%add3A_312, %dma_start3A_641] : memref<64x100000xf32, #tpu.memory_space<hbm>> -> memref<1x100000xf32, #tpu.memory_space<hbm>>
      %dma_start3A_643 = tpu.memref_squeeze %dma_start3A_642 : memref<1x100000xf32, #tpu.memory_space<hbm>> -> memref<100000xf32, #tpu.memory_space<hbm>>
      tpu.enqueue_dma source(%arg4 : memref<100000xf32, #tpu.memory_space<vmem>>) target(%dma_start3A_643 : memref<100000xf32, #tpu.memory_space<hbm>>) target_semaphore(%run_scoped3A : memref<!tpu.dma_semaphore, #tpu.memory_space<semaphore_mem>>)
      %dma_wait3A = arith.constant 0 : i32
      %dma_wait3A_644 = tpu.memref_slice %arg3[%add3A_312, %dma_wait3A] : memref<64x100000xf32, #tpu.memory_space<hbm>> -> memref<1x100000xf32, #tpu.memory_space<hbm>>
      %dma_wait3A_645 = tpu.memref_squeeze %dma_wait3A_644 : memref<1x100000xf32, #tpu.memory_space<hbm>> -> memref<100000xf32, #tpu.memory_space<hbm>>
      %dma_wait3A_646 = arith.constant 0 : i32
      %dma_wait3A_647 = tpu.memref_slice %arg3[%add3A_312, %dma_wait3A_646] : memref<64x100000xf32, #tpu.memory_space<hbm>> -> memref<1x100000xf32, #tpu.memory_space<hbm>>
      %dma_wait3A_648 = tpu.memref_squeeze %dma_wait3A_647 : memref<1x100000xf32, #tpu.memory_space<hbm>> -> memref<100000xf32, #tpu.memory_space<hbm>>
      tpu.wait_dma2 semaphore(%run_scoped3A : memref<!tpu.dma_semaphore, #tpu.memory_space<semaphore_mem>>) src(%arg4 : memref<100000xf32, #tpu.memory_space<vmem>>) dst(%dma_wait3A_648 : memref<100000xf32, #tpu.memory_space<hbm>>)
      tpu.yield
    }) : () -> ()
    return
  }
}

</mosaic_0001>

<sc_bundles>
// kernel: kernel.3.cloned.1.call-start
scs
__scs_entry_jumppad:
0x0: {  	(pc) =	sbr.rel $0x88, $3  }
0x1: {  	(tag) =	ssettag $0x0;
	lr =	simm.s32 $0x1  }
0x2: {  	[smem:$0x3FA0] =	sst lr;
	_ =	strace $0xD0000000  }
0x3: {  	_ = 	snop  }
0x4: {  	_ = 	snop  }
0x5: {  	_ = 	snop  }
0x6: {  	_ = 	snop  }
0x7: {  	_ = 	snop  }
__scs_overlays_trampoline_lowered:
0x8: {  	[smem:$0x3FAF] =	sst s0  }
0x9: {  	[smem:$0x3FB0] =	sst s1  }
0xa: {  	[smem:$0x3FB1] =	sst s2  }
0xb: {  	[smem:$0x3FB2] =	sst s3  }
0xc: {  	[smem:$0x3FB3] =	sst s4  }
0xd: {  	[smem:$0x3FB4] =	sst s5  }
0xe: {  	[smem:$0x3FB5] =	sst s6  }
0xf: {  	[smem:$0x3FB6] =	sst s7  }
0x10: {  	[smem:$0x3FB7] =	sst s8  }
0x11: {  	[smem:$0x3FB8] =	sst s9;
	s0 =	simm.s32 @!p0 $0x0  }
0x12: {  	s1 =	sld [smem:$0x3F9E];
	s0 =	simm.s32 @p0 $0x1  }
0x13: {  	[smem:$0x3FB9] =	sst s0;
	s0 =	simm.s32 @!p1 $0x0  }
0x14: {  	s2 =	sld [smem:$0x3F9D];
	s0 =	simm.s32 @p1 $0x1  }
0x15: {  	[smem:$0x3FBA] =	sst s0;
	s0 =	simm.s32 @!p2 $0x0  }
0x16: {  	s3 =	sld [smem:$0x3FDB];
	s0 =	simm.s32 @p2 $0x1  }
0x17: {  	s4 =	simm.s32 $0x1BF5;
	[smem:$0x3FBC] =	sst s0  }
0x18: {  	s0 =	sld [smem:$0x3F9F];
	_ =	swait.ge [sflag:s4], $0x0  }
0x19: {  	s7 =	sld [smem:$0x3FA0]  }
0x1a: {  	s8 =	sadd.s32 $0xFFFFE003, lr  }
0x1b: {  	s9 =	sadd.s32 $0xFFFFFEF7, lr;
	s5 =	simm.s32 $0xFFFFFFFF;
	p2 =	slt.u32 s8, $0xFFFFF086  }
0x1c: {  	p1 =	slt.u32 s9, $0xF7A;
	s5 =	simm.s32 @!p2 $0x0  }
0x1d: {  	s5 =	simm.s32 @p1 $0x1;
	p0 =	seq.s32 s7, s2  }
0x1e: {  	s7 =	smul.u32 @!p0 $0xF7A, s2;
	p2 =	seq.s32 @!p0 s5, $0x0  }
0x1f: {  	s9 =	smul.u32 $0xF7A, s1;
	s8 =	simm.s32 @!p0 $0x1BF5;
	p2 =	por !p2, p0  }
0x20: {  	[sflag:s8] =	ssyncset.s32 @!p0 $0xFFFFF086;
	s6 =	sadd.s32 @!p0 s3, s7;
	s7 =	simm.s32 @!p0 $0x108  }
0x21: {  	s3 =	sadd.s32 s3, s9;
	s6 =	sadd.s32 @!p0 $0x88, s6;
	s7 =	simm.s32 @p2 $0x1082  }
0x22: {  	[simem:s7], [sflag:s8] =	dma.local @!p0 [hbm:s6], $0xF7A  }
0x23: {  	s9 =	sor.u32 $0xD0000000, s2;
	s6 =	simm.s32 $0x108;
	_ =	swait.ge @!p0 [sflag:s8], $0x0  }
0x24: {  	s3 =	sadd.s32 $0x88, s3;
	s6 =	simm.s32 @!p1 $0x1082;
	[sflag:s4] =	ssyncset.s32 $0xFFFFF086  }
0x25: {  	[simem:s6], [sflag:s4] =	dma.local [hbm:s3], $0xF7A  }
0x26: {  	[smem:$0x3FA0] =	sst s1;
	(tag) =	ssettag s2;
	_ =	strace s9  }
0x27: {  	s1 =	sld [smem:$0x3FB0]  }
0x28: {  	s2 =	sld [smem:$0x3FB1]  }
0x29: {  	s4 =	sld [smem:$0x3FB3]  }
0x2a: {  	p0 =	seq.s32 s5, $0x0;
	s5 =	sld [smem:$0x3FB4]  }
0x2b: {  	s6 =	sld [smem:$0x3FB5]  }
0x2c: {  	s7 =	sld [smem:$0x3FB6]  }
0x2d: {  	s3 =	simm.s32 $0x108;
	s8 =	sld [smem:$0x3FB7]  }
0x2e: {  	s3 =	simm.s32 @!p0 $0x1082;
	s9 =	sld [smem:$0x3FB8]  }
0x2f: {  	lr =	sadd.s32 s0, s3;
	s0 =	sld [smem:$0x3FAF]  }
0x30: {  	s3 =	sld [smem:$0x3FB2]  }
0x31: {  	[smem:$0x3FBB] =	sst s10  }
0x32: {  	s10 =	sld [smem:$0x3FB9];
	_ =	sdelay $0x3  }
0x33: {  	p0 =	seq.s32 s10, $0x1;
	s10 =	sld [smem:$0x3FBB];
	_ =	sdelay $0x3  }
0x34: {  	[smem:$0x3FBB] =	sst s10  }
0x35: {  	s10 =	sld [smem:$0x3FBA];
	_ =	sdelay $0x3  }
0x36: {  	p1 =	seq.s32 s10, $0x1;
	s10 =	sld [smem:$0x3FBB];
	_ =	sdelay $0x3  }
0x37: {  	[smem:$0x3FBB] =	sst s10  }
0x38: {  	s10 =	sld [smem:$0x3FBC]  }
0x39: {  	_ = 	snop;
	(pc) =	sbr.ind lr, $3  }
0x3a: {  	_ = 	snop  }
0x3b: {  	_ = 	snop  }
0x3c: {  	p2 =	seq.s32 s10, $0x1;
	s10 =	sld [smem:$0x3FBB]  }
0x3d: {  	_ =	shalt  }
0x3e: {  	_ =	shalt  }
0x3f: {  	_ =	shalt  }
0x40: {  	_ =	shalt  }
0x41: {  	_ =	shalt  }
0x42: {  	_ =	shalt  }
0x43: {  	_ =	shalt  }
0x44: {  	_ =	shalt  }
0x45: {  	_ =	shalt  }
0x46: {  	_ =	shalt  }
0x47: {  	_ =	shalt  }
0x48: {  	_ =	shalt  }
0x49: {  	_ =	shalt  }
0x4a: {  	_ =	shalt  }
0x4b: {  	_ =	shalt  }
0x4c: {  	_ =	shalt  }
0x4d: {  	_ =	shalt  }
0x4e: {  	_ =	shalt  }
0x4f: {  	_ =	shalt  }
0x50: {  	_ =	shalt  }
0x51: {  	_ =	shalt  }
0x52: {  	_ =	shalt  }
0x53: {  	_ =	shalt  }
0x54: {  	_ =	shalt  }
0x55: {  	_ =	shalt  }
0x56: {  	_ =	shalt  }
0x57: {  	_ =	shalt  }
0x58: {  	_ =	shalt  }
0x59: {  	_ =	shalt  }
0x5a: {  	_ =	shalt  }
0x5b: {  	_ =	shalt  }
0x5c: {  	_ =	shalt  }
0x5d: {  	_ =	shalt  }
0x5e: {  	_ =	shalt  }
0x5f: {  	_ =	shalt  }
0x60: {  	_ =	shalt  }
0x61: {  	_ =	shalt  }
0x62: {  	_ =	shalt  }
0x63: {  	_ =	shalt  }
0x64: {  	_ =	shalt  }
0x65: {  	_ =	shalt  }
0x66: {  	_ =	shalt  }
0x67: {  	_ =	shalt  }
0x68: {  	_ =	shalt  }
0x69: {  	_ =	shalt  }
0x6a: {  	_ =	shalt  }
0x6b: {  	_ =	shalt  }
0x6c: {  	_ =	shalt  }
0x6d: {  	_ =	shalt  }
0x6e: {  	_ =	shalt  }
0x6f: {  	_ =	shalt  }
0x70: {  	_ =	shalt  }
0x71: {  	_ =	shalt  }
0x72: {  	_ =	shalt  }
0x73: {  	_ =	shalt  }
0x74: {  	_ =	shalt  }
0x75: {  	_ =	shalt  }
0x76: {  	_ =	shalt  }
0x77: {  	_ =	shalt  }
0x78: {  	_ =	shalt  }
0x79: {  	_ =	shalt  }
0x7a: {  	_ =	shalt  }
0x7b: {  	_ =	shalt  }
0x7c: {  	_ =	shalt  }
0x7d: {  	_ =	shalt  }
0x7e: {  	_ =	shalt  }
0x7f: {  	_ =	shalt  }
0x80: {  	_ =	shalt  }
0x81: {  	_ =	shalt  }
0x82: {  	_ =	shalt  }
0x83: {  	_ =	shalt  }
0x84: {  	_ =	shalt  }
0x85: {  	_ =	shalt  }
0x86: {  	_ =	shalt  }
0x87: {  	_ =	shalt  }
.Lfunc_end0:
.L_simem_size_0:
called_computation_lowered:
.L_overlay_start_0:
0x88: {  	s2 =	sld [smem:$0x3FD9]  }
0x89: {  	s3 =	sld [smem:$0x3FFE];
	_ =	sdelay $0x1  }
0x8a: {  	s1 =	srdreg.scid  }
0x8b: {  	s0 =	sand.u32 $0x1, s1  }
0x8c: {  	s18 =	sshll.u32 s0, $0xA;
	s2 =	sadd.s32 s3, s2  }
0x8d: {  	s2 =	sadd.s32 s2, s18  }
0x8e: {  	[smem:$0x3FC7] =	sst s2  }
0x8f: {  	_ = 	snop  }
0x90: {  	s2 =	sld [smem:$0x3FC9]  }
0x91: {  	s19 =	sld [smem:$0x3FD0];
	(tm) =	ssettm $0x1  }
0x92: {  	s4 =	sld [smem:$0x3FFB];
	_ =	sdelay $0x3  }
0x93: {  	_ =	strace s4  }
0x94: {  	s4 =	sld [smem:$0x3FFC];
	_ =	sdelay $0x3  }
0x95: {  	_ =	strace s4  }
0x96: {  	s4 =	sld [smem:$0x3FFD];
	_ =	sdelay $0x3  }
0x97: {  	_ =	strace s4  }
0x98: {  	_ =	strace $0x8FFFFFFF  }
0x99: {  	s20 =	sld [smem:$0x3FDB];
	_ =	sdelay $0x1  }
0x9a: {  	s5 =	simm.s32 $_scs_section_size  }
0x9b: {  	s6 =	simm.s32 $_size__tile_overlayer_lowered;
	s7 =	simm.s32 $_tile_overlayer_lowered  }
0x9c: {  	s23 =	simm.s32 $0x1BFF;
	s22 =	sshll.u32 s7, $0x1;
	s4 =	sadd.s32 s5, s20  }
0x9d: {  	s8 =	simm.s32 $0x0;
	s21 =	sshll.u32 s6, $0x1;
	s6 =	sadd.s32 s22, s4  }
0x9e: {  	[timem:s8], [sflag:s23] =	dma.local [hbm:s6], s21  }
0x9f: {  	_ =	swait.ge [sflag:s23], s21  }
0xa0: {  	s5 =	ssub.s32 $0x0, s21;
	[sflag:s23] =	ssyncset.done $0x0  }
0xa1: {  	[sflag:s23] =	ssyncadd.s32 s5;
	_ =	sdelay $0x1  }
0xa2: {  	s24 =	simm.s32 $0x1B8B  }
0xa3: {  	_ =	swait.ge [sflag:s24], $0x1  }
0xa4: {  	[sflag:s24] =	ssyncset.done $0x0  }
0xa5: {  	s25 =	simm.s32 $0x1B8E;
	[sflag:s24] =	ssyncadd.s32 $0xFFFFFFFF  }
0xa6: {  	s26 =	simm.s32 $execute0_lowered;
	[smem:$0x3FD2] =	sst s25  }
0xa7: {  	s5 =	sshll.u32 s26, $0x1;
	_ =	strace $0x80000046;
	[dreg:$0x1] =	wrdreg $0xFFFFFFFF  }
0xa8: {  	s28 =	simm.s32 $_size_execute0_lowered;
	s4 =	sadd.s32 s4, s5;
	[dreg:$0x0] =	wrdreg $0x0  }
0xa9: {  	s5 =	sshll.u32 s28, $0x1;
	[dreg:$0x2] =	wrdreg s4  }
0xaa: {  	[dreg:$0x3] =	wrdreg s5  }
0xab: {  	[dreg:$0x4] =	wrdreg $0xC0  }
0xac: {  	_ =	task [dreg:s8], $0x5FFFF  }
0xad: {  	[dreg:$0x1] =	wrdreg $0xFFFFFFFF  }
0xae: {  	[dreg:$0x0] =	wrdreg $0x60  }
0xaf: {  	[dreg:$0x2] =	wrdreg s2  }
0xb0: {  	[dreg:$0x3] =	wrdreg s19  }
0xb1: {  	[dreg:$0x4] =	wrdreg $0x9  }
0xb2: {  	_ =	task.clear_ibuf [dreg:s8], $0x5FFFF;
	_ =	strace $0x90000046  }
0xb3: {  	s29 =	simm.s32 $0x9;
	_ =	strace $0x80000048  }
0xb4: {  	_ =	swait.ge [sflag:s29], $0x1  }
0xb5: {  	[sflag:s29] =	ssyncadd.s32 $0xFFFFFFFF  }
0xb6: {  	_ =	strace $0x90000048  }
0xb7: {  	_ =	sfence  }
0xb8: {  	s30 =	sld [smem:$0x0];
	_ =	sdelay $0x2  }
0xb9: {  	s31 =	sshll.u32 s1, $0xD;
	s1 =	sshrl.u32 s1, $0x2  }
0xba: {  	s3 =	sand.u32 $0x4000, s31;
	s1 =	sadd.s32 s1, s30  }
0xbb: {  	s0 =	sor.u32 s3, s0;
	s1 =	sshll.u32 s1, $0x11  }
0xbc: {  	s0 =	sor.u32 s1, s0  }
0xbd: {  	s0 =	sadd.s32 $0x8F2B, s0  }
0xbe: {  	[sflag:s0] =	ssyncadd.remote.s32 $0x1  }
0xbf: {  	_ =	sfence.sel $0xFFFF  }
0xc0: {  	[dreg:$0x0] =	wrdreg $0xFFFFFFFF;
	(pc) =	sbr.abs _section_cstart, $3  }
0xc1: {  	[dreg:$0x1] =	wrdreg $0xFFFFFFFF  }
0xc2: {  	_ =	task.clear_ibuf [dreg:s8], $0x2FFFF;
	_ =	strace $0x9FFFFFFF  }
0xc3: {  	(tm) =	ssettm $0x7FFFFFFF  }
tec
execute0_lowered:
.L_overlay_start_1:
0x0: {  	(tag) =	ssettag $0x1  }
0x1: {  	s5 =	rddreg [dreg:$0x0]  }
0x2: {  	s6 =	rddreg [dreg:$0x1];
	s1 =	srdreg.scid  }
0x3: {  	s0 =	stileid.u32;
	s9 =	simm.s32 $0x1;
	s10 =	simm.s32 $0x18700  }
0x4: {  	s11 =	simm.s32 $0x19700;
	s12 =	simm.s32 $0x19900;
	s13 =	simm.s32 $0x80  }
0x5: {  	s14 =	simm.s32 $0x0;
	s3 =	sand.u32 $0x1, s1;
	s29 =	sshll.u32 s0, $0x9  }
0x6: {  	s2 =	sshrl.u32 s0, $0x1;
	s1 =	rddreg [dreg:$0x2];
	s4 =	sshll.u32 s3, $0x8  }
0x7: {  	s7 =	smul.u32 $0xC3800, s2;
	s30 =	sand.u32 $0x200, s29;
	s3 =	ssub.s32 $0x2, s3  }
0x8: {  	s2 =	simm.s32 $0x0;
	s4 =	sor.u32 s4, s30;
	s31 =	sshrl.u32 s3, $0x1  }
0x9: {  	v0 =	vlaneseq.u32;
	[smem:$0x7FF] =	sst s2;
	s4 =	sor.u32 s7, s4;
	s7 =	ssub.s32 s3, s31  }
0xa: {  	v2 =	vmul.u32 $0xFFFFFFFF, v0;
	_ =	strace $0x80000047;
	s4 =	sshrl.u32 s4, $0x3;
	s7 =	smax.u32 s7, $0x1  }
0xb: {  	s8 =	sor.u32 $0x10, s4;
	s3 =	sadd.s32 s5, s4;
	s4 =	sadd.s32 s6, s4  }
0xc: {  	v1 =	vimm.f32 $0.0e+00;
	vm0 =	vmmov $0x1;
	v2 =	vadd.s32 $0xF, v2;
	s5 =	sadd.s32 s5, s8;
	s6 =	sadd.s32 s6, s8;
	s8 =	simm.s32 $0x400  }
.LBB2_1:
0xd: {  	[tilespmem:s2], [sflag:$0x1] =	stream.strided.gather [hbm4b:s3+s13], $0x18700, s8, s13, $0x38;
	[tilespmem:$0x19B00] =	vst v63  }
0xe: {  	_ =	swait.ge [sflag:s9], $0x18700  }
0xf: {  	[sflag:s9] =	ssyncset.done $0x0  }
0x10: {  	[sflag:s9] =	ssyncadd.s32 $0xFFFE7900  }
0x11: {  	v4 =	vld [tilespmem:s13+$0x40]  }
0x12: {  	v3 =	vld [tilespmem:s13+$0x50]  }
0x13: {  	v6 =	vld [tilespmem:s13+$0x60]  }
0x14: {  	v11 =	vld [tilespmem:s13+$0x0]  }
0x15: {  	v5 =	vld [tilespmem:s13+$0x10]  }
0x16: {  	v7 =	vld [tilespmem:s13+$0x20]  }
0x17: {  	v12 =	vld [tilespmem:s13+$0xFFFFFFC0]  }
0x18: {  	v8 =	vld [tilespmem:s13+$0xFFFFFFD0]  }
0x19: {  	v13 =	vld [tilespmem:s13+$0xFFFFFF80]  }
0x1a: {  	v10 =	vld [tilespmem:s13+$0xFFFFFFE0]  }
0x1b: {  	v15 =	vld [tilespmem:s13+$0xFFFFFF90]  }
0x1c: {  	v16 =	vld [tilespmem:s13+$0xFFFFFFA0]  }
0x1d: {  	v9 =	vimm.f32 $-Inf;
	v18 =	vld [tilespmem:s13+$0xFFFFFFB0]  }
0x1e: {  	v17 =	vld [tilespmem:s13+$0xFFFFFFF0];
	v13 =	vmax.f32 v9, v13  }
0x1f: {  	v14 =	vld [tilespmem:s13+$0x30];
	v12 =	vmax.f32 v13, v12  }
0x20: {  	s15 =	simm.s32 $0x0;
	s18 =	simm.s32 $0x180;
	v13 =	vld [tilespmem:s13+$0x70];
	v19 =	vmax.f32 v12, v11;
	v11 =	vimm.f32 $-Inf;
	v12 =	vimm.f32 $-Inf  }
.LBB2_2:
0x21: {  	v19 =	vmax.f32 v19, v4;
	v4 =	vld [tilespmem:s18+$0x40]  }
0x22: {  	v9 =	vmax.f32 v9, v15;
	v11 =	vmax.f32 v11, v16;
	v20 =	vld [tilespmem:s18+$0x50];
	v12 =	vmax.f32 v12, v18  }
0x23: {  	v8 =	vmax.f32 v9, v8;
	v9 =	vmax.f32 v11, v10;
	v15 =	vld [tilespmem:s18+$0x60];
	v10 =	vmax.f32 v12, v17  }
0x24: {  	v8 =	vmax.f32 v8, v5;
	v7 =	vmax.f32 v9, v7;
	v21 =	vld [tilespmem:s18+$0x0];
	v10 =	vmax.f32 v10, v14  }
0x25: {  	s16 =	simm.s32 $0x185C;
	s17 =	simm.s32 $0x18630;
	v9 =	vmax.f32 v8, v3;
	v11 =	vmax.f32 v7, v6;
	v5 =	vld [tilespmem:s18+$0x10];
	v12 =	vmax.f32 v10, v13  }
0x26: {  	v7 =	vld [tilespmem:s18+$0x20]  }
0x27: {  	v13 =	vld [tilespmem:s18+$0xFFFFFFC0];
	v3 =	vmov v20  }
0x28: {  	v8 =	vld [tilespmem:s18+$0xFFFFFFD0];
	v6 =	vmov v15  }
0x29: {  	v14 =	vld [tilespmem:s18+$0xFFFFFF80]  }
0x2a: {  	s15 =	sadd.s32 $0x10, s15;
	v10 =	vld [tilespmem:s18+$0xFFFFFFE0]  }
0x2b: {  	p0 =	slt.u32 s15, $0x1850;
	v15 =	vld [tilespmem:s18+$0xFFFFFF90]  }
.Ltmp0:
0x2c: {  	v16 =	vld [tilespmem:s18+$0xFFFFFFA0];
	(pc) =	sbr.rel @p0 .LBB2_2-.Ltmp0, $4  }
0x2d: {  	v18 =	vld [tilespmem:s18+$0xFFFFFFB0]  }
0x2e: {  	v14 =	vmax.f32 v19, v14;
	v17 =	vld [tilespmem:s18+$0xFFFFFFF0]  }
0x2f: {  	v13 =	vmax.f32 v14, v13;
	v14 =	vld [tilespmem:s18+$0x30]  }
0x30: {  	v19 =	vmax.f32 v13, v21;
	v13 =	vld [tilespmem:s18+$0x70];
	s18 =	sadd.s32 $0x100, s18  }
0x31: {  	v4 =	vmax.f32 v19, v4  }
0x32: {  	v9 =	vmax.f32 v9, v15;
	v11 =	vmax.f32 v11, v16;
	v12 =	vmax.f32 v12, v18  }
0x33: {  	v8 =	vmax.f32 v9, v8;
	v62 =	vmax.f32 v11, v10;
	v63 =	vmax.f32 v12, v17  }
0x34: {  	v5 =	vmax.f32 v8, v5;
	v7 =	vmax.f32 v62, v7;
	v8 =	vmax.f32 v63, v14  }
0x35: {  	v3 =	vmax.f32 v5, v3;
	v5 =	vmax.f32 v7, v6;
	v6 =	vmax.f32 v8, v13  }
.LBB2_4:
0x36: {  	v7 =	vld [tilespmem:s17+$0xFFFFFFD0]  }
0x37: {  	v8 =	vld [tilespmem:s17+$0xFFFFFFE0]  }
0x38: {  	v9 =	vld [tilespmem:s17+$0xFFFFFFF0];
	s16 =	sadd.s32 $0x4, s16  }
0x39: {  	v10 =	vld [tilespmem:s17+$0x0];
	p0 =	slt.u32 s16, $0x1864  }
.Ltmp1:
0x3a: {  	_ = 	snop;
	(pc) =	sbr.rel @p0 .LBB2_4-.Ltmp1, $3  }
0x3b: {  	_ =	sdelay $0x1  }
0x3c: {  	v4 =	vmax.f32 v4, v7  }
0x3d: {  	s17 =	sadd.s32 $0x40, s17;
	v3 =	vmax.f32 v3, v8;
	v5 =	vmax.f32 v5, v9;
	v6 =	vmax.f32 v6, v10  }
0x3e: {  	v7 =	vld [tilespmem:$0x18680];
	s15 =	simm.s32 $0x18720  }
0x3f: {  	v8 =	vld [tilespmem:$0x18690];
	[tilespmem:s15+$0xFFFFFFE0] =	vst v1  }
0x40: {  	[tilespmem:s15+$0x10] =	vst v1  }
0x41: {  	s16 =	simm.s32 $0x0;
	[tilespmem:s15+$0x0] =	vst v1  }
.LBB2_6:
0x42: {  	s16 =	sadd.s32 $0x4, s16  }
0x43: {  	[tilespmem:s15+$0xFFFFFFF0] =	vst v1;
	s15 =	sadd.s32 $0x40, s15;
	p0 =	slt.u32 s16, $0xFC  }
.Ltmp2:
0x44: {  	[tilespmem:s15+$0xFFFFFFE0] =	vst v1;
	(pc) =	sbr.rel @p0 .LBB2_6-.Ltmp2, $3  }
0x45: {  	_ =	sdelay $0x1  }
0x46: {  	[tilespmem:s15+$0x10] =	vst v1  }
0x47: {  	[tilespmem:s15+$0x0] =	vst v1  }
0x48: {  	v7 =	vmax.f32 v7, v8;
	v5 =	vmax.f32 v5, v6  }
0x49: {  	v3 =	vmax.f32 v4, v3;
	v4 =	vmax.f32 v5, v7  }
0x4a: {  	v3 =	vmax.f32 v3, v4  }
0x4b: {  	(xrf0) =	vmax.scan.msk.f32 $0xffff, v3;
	_ =	sdelay $0x2  }
0x4c: {  	[tilespmem:s15+$0xFFFFFFF0] =	vst v1;
	s17 =	simm.s32 $0x40  }
0x4d: {  	v4 =	vld [tilespmem:s17+$0xFFFFFFC0];
	_ =	sdelay $0x1  }
0x4e: {  	v3, _, _ =	vpop (xrf0)  }
0x4f: {  	v3 =	vbroadcast v3, $0xF;
	_ =	sdelay $0x1  }
0x50: {  	v4 =	vsub.f32 v4, v3;
	_ =	sdelay $0x1  }
0x51: {  	v4 =	vmul.f32 $1.250000000e+00, v4;
	_ =	sdelay $0x1  }
0x52: {  	v4 =	vmul.f32 $1.442695020e+00, v4;
	_ =	sdelay $0x1  }
0x53: {  	(erf) = vpow2.f32 v4;
	v4 =	vld [tilespmem:s17+$0x20]  }
0x54: {  	v5 =	vld [tilespmem:s17+$0x0]  }
0x55: {  	s15 =	simm.s32 $0xC0;
	v6 =	vld [tilespmem:s17+$0xFFFFFFE0]  }
0x56: {  	v7 =	vld [tilespmem:s15+$0xFFFFFFC0];
	_ =	sdelay $0x1  }
0x57: {  	v4 =	vsub.f32 v4, v3  }
0x58: {  	v5 =	vsub.f32 v5, v3  }
0x59: {  	v6 =	vsub.f32 v6, v3;
	v4 =	vmul.f32 $1.250000000e+00, v4  }
0x5a: {  	v7 =	vsub.f32 v7, v3;
	v5 =	vmul.f32 $1.250000000e+00, v5  }
0x5b: {  	v6 =	vmul.f32 $1.250000000e+00, v6;
	v4 =	vmul.f32 $1.442695020e+00, v4  }
0x5c: {  	v7 =	vmul.f32 $1.250000000e+00, v7;
	v5 =	vmul.f32 $1.442695020e+00, v5;
	v8 =	vpop (erf)  }
0x5d: {  	v9 =	vshrl.u32 v8, $0x12;
	(erf) = vpow2.f32 v4;
	v4 =	vmul.f32 $1.442695020e+00, v6  }
0x5e: {  	v6 =	vmul.f32 $1.442695020e+00, v7;
	(erf) = vpow2.f32 v5  }
0x5f: {  	v5 =	vld [tilespmem:s15+$0x20];
	(erf) = vpow2.f32 v4  }
0x60: {  	v10 =	vld [tilespmem:s15+$0x0];
	(erf) = vpow2.f32 v6  }
0x61: {  	[tilespmem:s17+$0xFFFFFFC0] =	vst v8;
	v7 =	vld [tilespmem:s15+$0xFFFFFFE0]  }
0x62: {  	[tilespmem:v9+s10+$0x0] =	vst.idx.add.f32.msk $0xffff, v8  }
0x63: {  	s16 =	simm.s32 $0x140;
	v4 =	vld [tilespmem:s17+$0xFFFFFFD0]  }
0x64: {  	v8 =	vld [tilespmem:s16+$0xFFFFFFC0];
	v5 =	vsub.f32 v5, v3  }
0x65: {  	v6 =	vsub.f32 v10, v3  }
0x66: {  	v5 =	vmul.f32 $1.250000000e+00, v5;
	v9 =	vpop (erf)  }
0x67: {  	v7 =	vsub.f32 v7, v3;
	v6 =	vmul.f32 $1.250000000e+00, v6;
	v11 =	vpop (erf)  }
0x68: {  	v4 =	vsub.f32 v4, v3;
	v10 =	vshrl.u32 v9, $0x12;
	v5 =	vmul.f32 $1.442695020e+00, v5;
	v12 =	vpop (erf)  }
0x69: {  	v7 =	vmul.f32 $1.250000000e+00, v7;
	v6 =	vmul.f32 $1.442695020e+00, v6;
	v8 =	vsub.f32 v8, v3;
	v13 =	vpop (erf)  }
0x6a: {  	v4 =	vmul.f32 $1.250000000e+00, v4;
	(erf) = vpow2.f32 v5;
	v14 =	vshrl.u32 v13, $0x12  }
0x6b: {  	v8 =	vmul.f32 $1.250000000e+00, v8;
	v5 =	vld [tilespmem:s16+$0x0];
	(erf) = vpow2.f32 v6  }
0x6c: {  	[tilespmem:s17+$0x20] =	vst v9;
	v6 =	vmul.f32 $1.442695020e+00, v7;
	v7 =	vld [tilespmem:s16+$0x20];
	v4 =	vmul.f32 $1.442695020e+00, v4  }
0x6d: {  	v15 =	vshrl.u32 v12, $0x12;
	[tilespmem:v10+s10+$0x0] =	vst.idx.add.f32.msk $0xffff, v9  }
0x6e: {  	[tilespmem:s15+$0xFFFFFFC0] =	vst v13;
	v9 =	vld [tilespmem:s16+$0xFFFFFFE0];
	(erf) = vpow2.f32 v4;
	v4 =	vmul.f32 $1.442695020e+00, v8  }
0x6f: {  	(erf) = vpow2.f32 v6;
	[tilespmem:v14+s10+$0x0] =	vst.idx.add.f32.msk $0xffff, v13  }
0x70: {  	(erf) = vpow2.f32 v4;
	v8 =	vld [tilespmem:s15+$0xFFFFFFD0]  }
0x71: {  	[tilespmem:s17+$0xFFFFFFE0] =	vst v12;
	v6 =	vld [tilespmem:s17+$0x30];
	v4 =	vsub.f32 v7, v3  }
0x72: {  	s19 =	simm.s32 $0x1C0;
	[tilespmem:v15+s10+$0x0] =	vst.idx.add.f32.msk $0xffff, v12;
	v5 =	vsub.f32 v5, v3;
	v7 =	vshrl.u32 v11, $0x12  }
0x73: {  	v14 =	vld [tilespmem:s19+$0xFFFFFFC0];
	v10 =	vmul.f32 $1.250000000e+00, v4;
	v13 =	vpop (erf)  }
0x74: {  	v12 =	vld [tilespmem:s17+$0xFFFFFFF0];
	v5 =	vmul.f32 $1.250000000e+00, v5;
	v15 =	vshrl.u32 v13, $0x12  }
0x75: {  	v10 =	vmul.f32 $1.442695020e+00, v10;
	v8 =	vsub.f32 v8, v3  }
0x76: {  	[tilespmem:s17+$0x0] =	vst v11;
	v9 =	vsub.f32 v9, v3;
	v5 =	vmul.f32 $1.442695020e+00, v5;
	v4 =	vpop (erf)  }
0x77: {  	v6 =	vsub.f32 v6, v3;
	[tilespmem:v7+s10+$0x0] =	vst.idx.add.f32.msk $0xffff, v11;
	v16 =	vpop (erf);
	(erf) = vpow2.f32 v10;
	v7 =	vmul.f32 $1.250000000e+00, v8  }
0x78: {  	v9 =	vmul.f32 $1.250000000e+00, v9;
	[tilespmem:s15+$0x20] =	vst v13;
	v11 =	vsub.f32 v14, v3;
	v10 =	vld [tilespmem:s17+$0x10];
	v17 =	vpop (erf);
	(erf) = vpow2.f32 v5  }
0x79: {  	v5 =	vmul.f32 $1.250000000e+00, v6;
	v6 =	vsub.f32 v12, v3;
	v12 =	vpop (erf);
	[tilespmem:v15+s10+$0x0] =	vst.idx.add.f32.msk $0xffff, v13;
	v13 =	vmul.f32 $1.442695020e+00, v7  }
0x7a: {  	v9 =	vmul.f32 $1.442695020e+00, v9;
	v11 =	vmul.f32 $1.250000000e+00, v11;
	v14 =	vshrl.u32 v12, $0x12  }
0x7b: {  	v19 =	vld [tilespmem:s19+$0x0];
	v6 =	vmul.f32 $1.250000000e+00, v6;
	(erf) = vpow2.f32 v13  }
0x7c: {  	[tilespmem:s15+$0x0] =	vst v4;
	v8 =	vshrl.u32 v17, $0x12;
	v15 =	vld [tilespmem:s19+$0x20];
	v5 =	vmul.f32 $1.442695020e+00, v5;
	(erf) = vpow2.f32 v9  }
0x7d: {  	v18 =	vshrl.u32 v16, $0x12;
	[tilespmem:s17+$0xFFFFFFD0] =	vst v16;
	v7 =	vld [tilespmem:s19+$0xFFFFFFE0];
	v9 =	vsub.f32 v10, v3;
	v10 =	vmul.f32 $1.442695020e+00, v11  }
0x7e: {  	[tilespmem:s16+$0xFFFFFFC0] =	vst v12;
	v6 =	vmul.f32 $1.442695020e+00, v6;
	(erf) = vpow2.f32 v5;
	v5 =	vld [tilespmem:s15+$0x30]  }
0x7f: {  	(erf) = vpow2.f32 v10;
	v9 =	vmul.f32 $1.250000000e+00, v9;
	[tilespmem:v14+s10+$0x0] =	vst.idx.add.f32.msk $0xffff, v12  }
0x80: {  	[tilespmem:s15+$0xFFFFFFE0] =	vst v17;
	(erf) = vpow2.f32 v6;
	v11 =	vld [tilespmem:s16+$0xFFFFFFD0]  }
0x81: {  	[tilespmem:v8+s10+$0x0] =	vst.idx.add.f32.msk $0xffff, v17;
	v12 =	vsub.f32 v15, v3;
	v10 =	vshrl.u32 v4, $0x12;
	v8 =	vpop (erf);
	v13 =	vmul.f32 $1.442695020e+00, v9  }
0x82: {  	s20 =	simm.s32 $0x18;
	s18 =	simm.s32 $0x1C0;
	[tilespmem:v18+s10+$0x0] =	vst.idx.add.f32.msk $0xffff, v16;
	v14 =	vsub.f32 v19, v3;
	v9 =	vshrl.u32 v8, $0x12;
	v6 =	vpop (erf)  }
.LBB2_8:
0x83: {  	s20 =	sadd.s32 $0x8, s20;
	v7 =	vsub.f32 v7, v3;
	v12 =	vmul.f32 $1.250000000e+00, v12;
	s19 =	sadd.s32 $0x80, s19;
	[tilespmem:s16+$0x0] =	vst v6;
	v15 =	vld [tilespmem:s15+$0xFFFFFFF0];
	(erf) = vpow2.f32 v13  }
0x84: {  	v5 =	vsub.f32 v5, v3;
	v13 =	vld [tilespmem:s19+$0xFFFFFFC0];
	p0 =	slt.u32 s20, $0x1860;
	v14 =	vmul.f32 $1.250000000e+00, v14;
	[tilespmem:s16+$0x20] =	vst v8;
	v16 =	vpop (erf)  }
0x85: {  	v17 =	vld [tilespmem:s19+$0x0];
	v12 =	vmul.f32 $1.442695020e+00, v12;
	v11 =	vsub.f32 v11, v3;
	v18 =	vpop (erf);
	[tilespmem:s15+$0xFFFFFFD0] =	vst v16;
	v19 =	vshrl.u32 v16, $0x12  }
0x86: {  	v20 =	vmul.f32 $1.250000000e+00, v7;
	v23 =	vmul.f32 $1.442695020e+00, v14;
	[tilespmem:v10+s10+$0x0] =	vst.idx.add.f32.msk $0xffff, v4;
	v4 =	vmov v6  }
0x87: {  	v5 =	vmul.f32 $1.250000000e+00, v5;
	v10 =	vshrl.u32 v18, $0x12;
	v6 =	vmul.f32 $1.250000000e+00, v11;
	[tilespmem:s16+$0xFFFFFFE0] =	vst v18;
	v11 =	vld [tilespmem:s15+$0x10];
	v21 =	vpop (erf)  }
0x88: {  	v22 =	vpop (erf);
	(erf) = vpow2.f32 v12;
	[tilespmem:v9+s10+$0x0] =	vst.idx.add.f32.msk $0xffff, v8;
	v8 =	vsub.f32 v15, v3;
	v9 =	vshrl.u32 v21, $0x12  }
0x89: {  	v12 =	vsub.f32 v13, v3;
	v7 =	vld [tilespmem:s19+$0xFFFFFFE0];
	[tilespmem:s18+$0xFFFFFFC0] =	vst v22;
	(erf) = vpow2.f32 v23;
	v6 =	vmul.f32 $1.442695020e+00, v6;
	v14 =	vpop (erf)  }
0x8a: {  	v20 =	vmul.f32 $1.442695020e+00, v20;
	v13 =	vshrl.u32 v22, $0x12;
	[tilespmem:v19+s10+$0x0] =	vst.idx.add.f32.msk $0xffff, v16;
	v8 =	vmul.f32 $1.250000000e+00, v8  }
0x8b: {  	v12 =	vmul.f32 $1.250000000e+00, v12;
	v16 =	vld [tilespmem:s19+$0x20];
	(erf) = vpow2.f32 v6;
	[tilespmem:s17+$0xFFFFFFF0] =	vst v14;
	v6 =	vshrl.u32 v14, $0x12  }
0x8c: {  	(erf) = vpow2.f32 v20;
	[tilespmem:v10+s10+$0x0] =	vst.idx.add.f32.msk $0xffff, v18;
	v10 =	vsub.f32 v11, v3;
	v11 =	vmul.f32 $1.442695020e+00, v5;
	v15 =	vpop (erf)  }
0x8d: {  	v12 =	vmul.f32 $1.442695020e+00, v12;
	v5 =	vld [tilespmem:s16+$0x30];
	v18 =	vshrl.u32 v15, $0x12;
	[tilespmem:s17+$0x30] =	vst v21  }
.Ltmp3:
0x8e: {  	v19 =	vmul.f32 $1.442695020e+00, v8;
	(erf) = vpow2.f32 v11;
	[tilespmem:v9+s10+$0x0] =	vst.idx.add.f32.msk $0xffff, v21;
	(pc) =	sbr.rel @p0 .LBB2_8-.Ltmp3, $4  }
0x8f: {  	v9 =	vmul.f32 $1.250000000e+00, v10;
	(erf) = vpow2.f32 v12;
	[tilespmem:v13+s10+$0x0] =	vst.idx.add.f32.msk $0xffff, v22  }
0x90: {  	v11 =	vld [tilespmem:s18+$0xFFFFFFD0];
	(erf) = vpow2.f32 v19;
	[tilespmem:s17+$0x10] =	vst v15;
	s17 =	smov.u32 s15;
	s15 =	smov.u32 s16;
	s16 =	smov.u32 s18  }
0x91: {  	v10 =	vshrl.u32 v4, $0x12;
	v12 =	vsub.f32 v16, v3;
	v13 =	vmul.f32 $1.442695020e+00, v9;
	s18 =	smov.u32 s19;
	v8 =	vpop (erf);
	[tilespmem:v6+s10+$0x0] =	vst.idx.add.f32.msk $0xffff, v14  }
0x92: {  	v14 =	vsub.f32 v17, v3;
	v9 =	vshrl.u32 v8, $0x12;
	v6 =	vpop (erf);
	[tilespmem:v18+s10+$0x0] =	vst.idx.add.f32.msk $0xffff, v15  }
0x93: {  	_ =	sdelay $0x1  }
0x94: {  	v11 =	vsub.f32 v11, v3;
	_ =	sdelay $0x1  }
0x95: {  	v12 =	vmul.f32 $1.250000000e+00, v12;
	v11 =	vmul.f32 $1.250000000e+00, v11  }
0x96: {  	v7 =	vsub.f32 v7, v3;
	(erf) = vpow2.f32 v13;
	v50 =	vmul.f32 $1.250000000e+00, v14  }
0x97: {  	v12 =	vmul.f32 $1.442695020e+00, v12;
	v11 =	vmul.f32 $1.442695020e+00, v11  }
0x98: {  	v51 =	vpop (erf);
	v7 =	vmul.f32 $1.250000000e+00, v7;
	v13 =	vmul.f32 $1.442695020e+00, v50  }
0x99: {  	v52 =	vpop (erf);
	(erf) = vpow2.f32 v12  }
0x9a: {  	v7 =	vmul.f32 $1.442695020e+00, v7;
	v53 =	vpop (erf);
	(erf) = vpow2.f32 v13  }
0x9b: {  	(erf) = vpow2.f32 v11;
	v11 =	vpop (erf)  }
0x9c: {  	[tilespmem:s16+$0x20] =	vst v8;
	(erf) = vpow2.f32 v7;
	v7 =	vshrl.u32 v11, $0x12  }
0x9d: {  	[tilespmem:v10+s10+$0x0] =	vst.idx.add.f32.msk $0xffff, v4  }
0x9e: {  	v15 =	vld [tilespmem:s15+$0xFFFFFFF0];
	[tilespmem:s16+$0x0] =	vst v6  }
0x9f: {  	[tilespmem:v9+s10+$0x0] =	vst.idx.add.f32.msk $0xffff, v8;
	v4 =	vshrl.u32 v52, $0x12  }
0xa0: {  	v5 =	vsub.f32 v5, v3;
	v17 =	vshrl.u32 v6, $0x12;
	v9 =	vld [tilespmem:s15+$0x10];
	[tilespmem:s18+$0xFFFFFFC0] =	vst v11  }
0xa1: {  	v16 =	vshrl.u32 v51, $0x12;
	v8 =	vpop (erf);
	[tilespmem:v7+s10+$0x0] =	vst.idx.add.f32.msk $0xffff, v11  }
0xa2: {  	[tilespmem:s15+$0xFFFFFFD0] =	vst v51;
	v5 =	vmul.f32 $1.250000000e+00, v5;
	v10 =	vpop (erf);
	v11 =	vld [tilespmem:s18+$0xFFFFFFD0]  }
0xa3: {  	v56 =	vld [tilespmem:s16+$0x30];
	[tilespmem:s16+$0xFFFFFFE0] =	vst v52;
	v7 =	vpop (erf)  }
0xa4: {  	v5 =	vmul.f32 $1.442695020e+00, v5;
	v15 =	vsub.f32 v15, v3;
	[tilespmem:v4+s10+$0x0] =	vst.idx.add.f32.msk $0xffff, v52;
	v18 =	vpop (erf);
	v4 =	vshrl.u32 v7, $0x12  }
0xa5: {  	[tilespmem:v17+s10+$0x0] =	vst.idx.add.f32.msk $0xffff, v6;
	v9 =	vsub.f32 v9, v3;
	v54 =	vpop (erf)  }
0xa6: {  	[tilespmem:v16+s10+$0x0] =	vst.idx.add.f32.msk $0xffff, v51;
	v15 =	vmul.f32 $1.250000000e+00, v15;
	v57 =	vshrl.u32 v18, $0x12;
	v55 =	vpop (erf);
	(erf) = vpow2.f32 v5  }
0xa7: {  	v20 =	vld [tilespmem:s16+$0xFFFFFFF0];
	[tilespmem:s18+$0x20] =	vst v7;
	v5 =	vmul.f32 $1.250000000e+00, v9;
	v19 =	vshrl.u32 v55, $0x12;
	v9 =	vsub.f32 v11, v3  }
0xa8: {  	v6 =	vmul.f32 $1.442695020e+00, v15;
	[tilespmem:s18+$0x0] =	vst v18;
	v11 =	vld [tilespmem:s16+$0x10]  }
0xa9: {  	v5 =	vmul.f32 $1.442695020e+00, v5;
	[tilespmem:v4+s10+$0x0] =	vst.idx.add.f32.msk $0xffff, v7;
	v9 =	vmul.f32 $1.250000000e+00, v9  }
0xaa: {  	[tilespmem:s18+$0xFFFFFFE0] =	vst v55;
	(erf) = vpow2.f32 v6;
	v6 =	vsub.f32 v56, v3;
	v4 =	vshrl.u32 v53, $0x12;
	v7 =	vld [tilespmem:s18+$0x30]  }
0xab: {  	(erf) = vpow2.f32 v5;
	[tilespmem:v57+s10+$0x0] =	vst.idx.add.f32.msk $0xffff, v18;
	v5 =	vmul.f32 $1.442695020e+00, v9  }
0xac: {  	v60 =	vshrl.u32 v10, $0x12;
	v58 =	vsub.f32 v20, v3;
	v6 =	vmul.f32 $1.250000000e+00, v6;
	[tilespmem:v19+s10+$0x0] =	vst.idx.add.f32.msk $0xffff, v55  }
0xad: {  	[tilespmem:s17+$0x30] =	vst v53;
	v9 =	vshrl.u32 v8, $0x12;
	v59 =	vld [tilespmem:s18+$0xFFFFFFF0];
	(erf) = vpow2.f32 v5;
	v5 =	vsub.f32 v11, v3  }
0xae: {  	[tilespmem:s17+$0xFFFFFFF0] =	vst v8;
	v6 =	vmul.f32 $1.442695020e+00, v6;
	v61 =	vld [tilespmem:s18+$0x10];
	v11 =	vmul.f32 $1.250000000e+00, v58  }
0xaf: {  	[tilespmem:v4+s10+$0x0] =	vst.idx.add.f32.msk $0xffff, v53;
	v4 =	vshrl.u32 v54, $0x12;
	v5 =	vmul.f32 $1.250000000e+00, v5  }
0xb0: {  	[tilespmem:s17+$0x10] =	vst v10;
	(erf) = vpow2.f32 v6;
	v11 =	vmul.f32 $1.442695020e+00, v11  }
0xb1: {  	[tilespmem:v60+s10+$0x0] =	vst.idx.add.f32.msk $0xffff, v10;
	v62 =	vpop (erf);
	v6 =	vsub.f32 v7, v3;
	v5 =	vmul.f32 $1.442695020e+00, v5  }
0xb2: {  	v7 =	vshrl.u32 v62, $0x12;
	[tilespmem:v9+s10+$0x0] =	vst.idx.add.f32.msk $0xffff, v8;
	v8 =	vsub.f32 v59, v3;
	(erf) = vpow2.f32 v11  }
0xb3: {  	[tilespmem:s16+$0xFFFFFFD0] =	vst v54;
	v6 =	vmul.f32 $1.250000000e+00, v6;
	v9 =	vpop (erf);
	(erf) = vpow2.f32 v5;
	v5 =	vsub.f32 v61, v3  }
0xb4: {  	[tilespmem:v4+s10+$0x0] =	vst.idx.add.f32.msk $0xffff, v54;
	v4 =	vshrl.u32 v9, $0x12;
	v10 =	vpop (erf);
	v8 =	vmul.f32 $1.250000000e+00, v8  }
0xb5: {  	[tilespmem:s15+$0x30] =	vst v62;
	v6 =	vmul.f32 $1.442695020e+00, v6;
	v11 =	vshrl.u32 v10, $0x12;
	v5 =	vmul.f32 $1.250000000e+00, v5  }
0xb6: {  	[tilespmem:s15+$0xFFFFFFF0] =	vst v9;
	v8 =	vmul.f32 $1.442695020e+00, v8;
	v63 =	vpop (erf)  }
0xb7: {  	[tilespmem:s15+$0x10] =	vst v10;
	(erf) = vpow2.f32 v6;
	v6 =	vshrl.u32 v63, $0x12;
	v5 =	vmul.f32 $1.442695020e+00, v5  }
0xb8: {  	[tilespmem:v7+s10+$0x0] =	vst.idx.add.f32.msk $0xffff, v62;
	(erf) = vpow2.f32 v8  }
0xb9: {  	[tilespmem:v4+s10+$0x0] =	vst.idx.add.f32.msk $0xffff, v9;
	v4 =	vpop (erf);
	(erf) = vpow2.f32 v5  }
0xba: {  	[tilespmem:v11+s10+$0x0] =	vst.idx.add.f32.msk $0xffff, v10  }
0xbb: {  	[tilespmem:s18+$0xFFFFFFD0] =	vst v63;
	v5 =	vshrl.u32 v4, $0x12;
	v7 =	vpop (erf)  }
0xbc: {  	[tilespmem:v6+s10+$0x0] =	vst.idx.add.f32.msk $0xffff, v63;
	v6 =	vshrl.u32 v7, $0x12;
	v8 =	vpop (erf)  }
0xbd: {  	[tilespmem:s16+$0x30] =	vst v4;
	v9 =	vshrl.u32 v8, $0x12  }
0xbe: {  	[tilespmem:s16+$0xFFFFFFF0] =	vst v7  }
0xbf: {  	[tilespmem:s16+$0x10] =	vst v8  }
0xc0: {  	[tilespmem:v5+s10+$0x0] =	vst.idx.add.f32.msk $0xffff, v4;
	v4 =	vpop (erf)  }
0xc1: {  	v5 =	vshrl.u32 v4, $0x12;
	[tilespmem:v6+s10+$0x0] =	vst.idx.add.f32.msk $0xffff, v7;
	v6 =	vpop (erf)  }
0xc2: {  	[tilespmem:v9+s10+$0x0] =	vst.idx.add.f32.msk $0xffff, v8;
	v7 =	vshrl.u32 v6, $0x12;
	v8 =	vpop (erf)  }
0xc3: {  	[tilespmem:s18+$0x30] =	vst v4;
	v9 =	vshrl.u32 v8, $0x12  }
0xc4: {  	[tilespmem:s18+$0xFFFFFFF0] =	vst v6  }
0xc5: {  	[tilespmem:s18+$0x10] =	vst v8  }
0xc6: {  	[tilespmem:v5+s10+$0x0] =	vst.idx.add.f32.msk $0xffff, v4  }
0xc7: {  	[tilespmem:v7+s10+$0x0] =	vst.idx.add.f32.msk $0xffff, v6  }
0xc8: {  	[tilespmem:v9+s10+$0x0] =	vst.idx.add.f32.msk $0xffff, v8  }
0xc9: {  	v4 =	vld [tilespmem:$0x18680];
	_ =	sdelay $0x4  }
0xca: {  	v4 =	vsub.f32 v4, v3;
	_ =	sdelay $0x1  }
0xcb: {  	v4 =	vmul.f32 $1.250000000e+00, v4;
	_ =	sdelay $0x1  }
0xcc: {  	v4 =	vmul.f32 $1.442695020e+00, v4;
	_ =	sdelay $0x1  }
0xcd: {  	(erf) = vpow2.f32 v4;
	_ =	sdelay $0x8  }
0xce: {  	v4 =	vpop (erf)  }
0xcf: {  	v5 =	vshrl.u32 v4, $0x12;
	_ =	sdelay $0x3  }
0xd0: {  	[tilespmem:$0x18680] =	vst v4  }
0xd1: {  	[tilespmem:v5+s10+$0x0] =	vst.idx.add.f32.msk $0xffff, v4  }
0xd2: {  	v4 =	vld [tilespmem:$0x18690];
	_ =	sdelay $0x4  }
0xd3: {  	v3 =	vsub.f32 v4, v3;
	_ =	sdelay $0x1  }
0xd4: {  	v3 =	vmul.f32 $1.250000000e+00, v3;
	_ =	sdelay $0x1  }
0xd5: {  	v3 =	vmul.f32 $1.442695020e+00, v3;
	_ =	sdelay $0x1  }
0xd6: {  	(erf) = vpow2.f32 v3;
	_ =	sdelay $0x8  }
0xd7: {  	v3 =	vpop (erf)  }
0xd8: {  	v4 =	vshrl.u32 v3, $0x12;
	_ =	sdelay $0x3  }
0xd9: {  	[tilespmem:$0x18690] =	vst v3  }
0xda: {  	s31 =	simm.s32 $0x18740;
	[tilespmem:v4+s10+$0x0] =	vst.idx.add.f32.msk $0xffff, v3  }
0xdb: {  	v8 =	vld [tilespmem:s31+$0xFFFFFFC0]  }
0xdc: {  	v10 =	vld [tilespmem:s31+$0xFFFFFFD0]  }
0xdd: {  	v4 =	vld [tilespmem:s31+$0xFFFFFFE0]  }
0xde: {  	v7 =	vld [tilespmem:s31+$0xFFFFFFF0]  }
0xdf: {  	v3 =	vld [tilespmem:s31+$0x0]  }
0xe0: {  	v11 =	vimm.f32 $0.0e+00;
	v5 =	vld [tilespmem:s31+$0x10]  }
0xe1: {  	v6 =	vld [tilespmem:s31+$0x20];
	v9 =	vadd.f32 v8, v11;
	v10 =	vadd.f32 v10, v11  }
0xe2: {  	s15 =	simm.s32 $0x0;
	s16 =	simm.s32 $0x187C0;
	v8 =	vld [tilespmem:s31+$0x30]  }
.LBB2_10:
0xe3: {  	v11 =	vld [tilespmem:s16+$0xFFFFFFC0];
	v9 =	vadd.f32 v4, v9;
	v7 =	vadd.f32 v7, v10  }
0xe4: {  	s15 =	sadd.s32 $0x8, s15;
	v10 =	vld [tilespmem:s16+$0xFFFFFFD0]  }
0xe5: {  	p0 =	slt.u32 s15, $0xF8;
	v4 =	vld [tilespmem:s16+$0xFFFFFFE0];
	v9 =	vadd.f32 v3, v9;
	v5 =	vadd.f32 v5, v7  }
.Ltmp4:
0xe6: {  	v7 =	vld [tilespmem:s16+$0xFFFFFFF0];
	(pc) =	sbr.rel @p0 .LBB2_10-.Ltmp4, $4  }
0xe7: {  	v3 =	vld [tilespmem:s16+$0x0];
	v6 =	vadd.f32 v6, v9;
	v8 =	vadd.f32 v8, v5  }
0xe8: {  	v5 =	vld [tilespmem:s16+$0x10]  }
0xe9: {  	v9 =	vadd.f32 v11, v6;
	v10 =	vadd.f32 v10, v8;
	v6 =	vld [tilespmem:s16+$0x20]  }
0xea: {  	v8 =	vld [tilespmem:s16+$0x30];
	s16 =	sadd.s32 $0x80, s16  }
0xeb: {  	v4 =	vadd.f32 v4, v9;
	v7 =	vadd.f32 v7, v10;
	_ =	sdelay $0x1  }
0xec: {  	v3 =	vadd.f32 v3, v4;
	v63 =	vadd.f32 v5, v7;
	_ =	sdelay $0x1  }
0xed: {  	v3 =	vadd.f32 v6, v3;
	v4 =	vadd.f32 v8, v63;
	_ =	sdelay $0x1  }
0xee: {  	v3 =	vadd.f32 v4, v3;
	_ =	sdelay $0x1  }
0xef: {  	(xrf2) =	vadd.scan.msk.f32 $0xffff, v3;
	_ =	sdelay $0x9  }
0xf0: {  	v3, _, _ =	vpop (xrf2)  }
0xf1: {  	(v2sf) =	vpush v3, $0xF;
	_ =	sdelay $0xe  }
0xf2: {  	s15 =	spop (v2sf)  }
0xf3: {  	s16 =	simm.s32 $0x0;
	s18 =	simm.f32 $0.0e+00;
	s15 =	smul.f32 $9.499999880e-01, s15  }
.LBB2_12:
0xf4: {  	s17 =	sshll.u32 s16, $0x4  }
0xf5: {  	s17 =	ssub.s32 $0x196F0, s17  }
0xf6: {  	v3 =	vld [tilespmem:s17+$0x0];
	_ =	sdelay $0x4  }
0xf7: {  	(xrf2) =	vadd.scan.msk.f32 $0xffff, v3;
	_ =	sdelay $0x9  }
0xf8: {  	v3, _, _ =	vpop (xrf2)  }
0xf9: {  	(v2sf) =	vpush v3, $0xF;
	_ =	sdelay $0xe  }
0xfa: {  	s31 =	spop (v2sf)  }
0xfb: {  	s17 =	sadd.f32 s31, s18;
	_ =	sdelay $0x1  }
0xfc: {  	p0 =	sgt.f32 s17, s15;
	_ =	sdelay $0x1  }
0xfd: {  	s19 =	smov.u32 s18;
	s18 =	simm.s32 $0x1;
	p1 =	por !p0, !p0  }
0xfe: {  	s18 =	simm.s32 @!p1 $0x0  }
0xff: {  	s16 =	sadd.s32 s18, s16  }
0x100: {  	p1 =	sgt.u32 s16, $0xFF  }
0x101: {  	p2 =	sgt.f32 @!p1 s17, s15;
	_ =	sdelay $0x1  }
0x102: {  	p1 =	por p1, p2  }
.Ltmp5:
0x103: {  	_ = 	snop;
	(pc) =	sbr.rel @!p1 .LBB2_12-.Ltmp5, $3  }
0x104: {  	_ =	sdelay $0x1  }
0x105: {  	s18 =	smov.u32 s17  }
0x106: {  	s18 =	smov.u32 @p0 s19  }
0x107: {  	s16 =	sshll.u32 s16, $0x4  }
0x108: {  	s16 =	ssub.s32 $0xFF0, s16  }
0x109: {  	s16 =	simm.s32 @!p0 $0x0  }
0x10a: {  	v3 =	vld [tilespmem:s16+$0x18700];
	_ =	sdelay $0x4  }
0x10b: {  	v4 =	vperm.xlane v3, v2;
	_ =	sdelay $0x1  }
0x10c: {  	(xrf2) =	vadd.scan.msk.f32 $0xffff, v4;
	_ =	sdelay $0x9  }
0x10d: {  	v3, _, _ =	vpop (xrf2)  }
0x10e: {  	v6 =	vadd.f32 s18, v3;
	s18 =	simm.s32 $0x19720  }
0x10f: {  	v5 =	vld [tilespmem:$0x18700];
	[tilespmem:s18+$0xFFFFFFE0] =	vst v1  }
0x110: {  	[tilespmem:s18+$0x10] =	vst v1;
	vm1 =	vgt.f32 v6, s15  }
0x111: {  	s19 =	simm.s32 $0x0;
	v3 =	vmov s15;
	[tilespmem:s18+$0x0] =	vst v1;
	v7 =	vmctz.xlane vm1  }
.LBB2_14:
0x112: {  	s19 =	sadd.s32 $0x4, s19  }
0x113: {  	[tilespmem:s18+$0xFFFFFFF0] =	vst v1;
	s18 =	sadd.s32 $0x40, s18;
	p1 =	slt.u32 s19, $0x1C  }
.Ltmp6:
0x114: {  	[tilespmem:s18+$0xFFFFFFE0] =	vst v1;
	(pc) =	sbr.rel @p1 .LBB2_14-.Ltmp6, $3  }
0x115: {  	_ =	sdelay $0x1  }
0x116: {  	[tilespmem:s18+$0x10] =	vst v1  }
0x117: {  	[tilespmem:s18+$0x0] =	vst v1  }
0x118: {  	vm1 =	vgt.f32 v6, v3  }
0x119: {  	v8 =	vsel vm1, $0x3F800000, v1  }
0x11a: {  	v7 =	vxor.u32 $0x80000000, v7;
	(xrf0) =	vmax.scan.msk.f32 $0xffff, v8  }
0x11b: {  	(xrf0) =	vmin.scan.msk.u32 $0xffff, v7;
	_ =	sdelay $0x4  }
0x11c: {  	v7, _, _ =	vpop (xrf0)  }
0x11d: {  	(v2sf) =	vpush v7, $0xF;
	v7, _, _ =	vpop (xrf0)  }
0x11e: {  	(v2sf) =	vpush v7, $0xF;
	_ =	sdelay $0xd  }
0x11f: {  	[tilespmem:s18+$0xFFFFFFF0] =	vst v1;
	s20 =	simm.s32 $0x40;
	s30 =	spop (v2sf)  }
0x120: {  	v8 =	vld [tilespmem:s20+$0x20];
	p1 =	sgt.f32 s30, $0.0e+00;
	s31 =	spop (v2sf)  }
0x121: {  	v9 =	vld [tilespmem:s20+$0xFFFFFFC0];
	s18 =	sxor.u32 $0x80000000, s31  }
0x122: {  	s16 =	sor.u32 $0xF, s16;
	s18 =	simm.s32 @!p1 $0x0  }
0x123: {  	s16 =	ssub.s32 s16, s18  }
0x124: {  	s16 =	simm.s32 @!p0 $0x0  }
0x125: {  	v10 =	vshrl.u32 v8, $0x12;
	v7 =	vmov s16  }
0x126: {  	v11 =	vshrl.u32 v9, $0x12;
	vm1 =	veq.s32 v10, v7;
	v10 =	vshrl.u32 v8, $0x9  }
0x127: {  	v13 =	vld [tilespmem:s20+$0xFFFFFFE0];
	v12 =	vshrl.u32 v9, $0x9;
	vm2 =	veq.s32 v11, v7;
	v10 =	vand.u32 $0x1FF, v10  }
0x128: {  	v11 =	vand.u32 $0x1FF, v12  }
0x129: {  	v14 =	vld [tilespmem:s20+$0x0];
	_ =	sdelay $0x2  }
0x12a: {  	v12 =	vshrl.u32 v13, $0x12;
	[tilespmem:v10+s11+$0x0] =	vst.idx.add.f32.msk vm1, v8  }
0x12b: {  	v8 =	vshrl.u32 v13, $0x9;
	vm1 =	veq.s32 v12, v7;
	[tilespmem:v11+s11+$0x0] =	vst.idx.add.f32.msk vm2, v9  }
0x12c: {  	s19 =	simm.s32 $0xC0;
	v9 =	vshrl.u32 v14, $0x12;
	v15 =	vld [tilespmem:s20+$0x30];
	v8 =	vand.u32 $0x1FF, v8  }
0x12d: {  	v16 =	vld [tilespmem:s19+$0x20];
	v10 =	vshrl.u32 v14, $0x9;
	vm2 =	veq.s32 v9, v7  }
0x12e: {  	v19 =	vld [tilespmem:s19+$0xFFFFFFC0];
	v9 =	vand.u32 $0x1FF, v10  }
0x12f: {  	v11 =	vld [tilespmem:s19+$0xFFFFFFE0]  }
0x130: {  	v12 =	vld [tilespmem:s19+$0x0]  }
0x131: {  	v10 =	vshrl.u32 v15, $0x12;
	[tilespmem:v8+s11+$0x0] =	vst.idx.add.f32.msk vm1, v13  }
0x132: {  	v17 =	vshrl.u32 v15, $0x9;
	v8 =	vld [tilespmem:s20+$0xFFFFFFD0];
	vm1 =	veq.s32 v10, v7;
	v10 =	vshrl.u32 v16, $0x12  }
0x133: {  	v18 =	vshrl.u32 v16, $0x9;
	v13 =	vand.u32 $0x1FF, v17;
	[tilespmem:v9+s11+$0x0] =	vst.idx.add.f32.msk vm2, v14;
	vm3 =	veq.s32 v10, v7  }
0x134: {  	v22 =	vshrl.u32 v19, $0x9;
	v20 =	vand.u32 $0x1FF, v18;
	v10 =	vld [tilespmem:s20+$0xFFFFFFF0]  }
0x135: {  	v18 =	vshrl.u32 v19, $0x12;
	v22 =	vand.u32 $0x1FF, v22;
	v9 =	vld [tilespmem:s20+$0x10]  }
0x136: {  	vm6 =	veq.s32 v18, v7;
	v21 =	vshrl.u32 v12, $0x12;
	v23 =	vshrl.u32 v12, $0x9  }
0x137: {  	vm5 =	veq.s32 v21, v7;
	v17 =	vshrl.u32 v11, $0x12;
	v14 =	vshrl.u32 v11, $0x9  }
0x138: {  	vm4 =	veq.s32 v17, v7;
	v18 =	vand.u32 $0x1FF, v14;
	v17 =	vand.u32 $0x1FF, v23;
	[tilespmem:v13+s11+$0x0] =	vst.idx.add.f32.msk vm1, v15  }
0x139: {  	v14 =	vshrl.u32 v8, $0x9;
	v13 =	vshrl.u32 v8, $0x12;
	v15 =	vshrl.u32 v10, $0x12;
	[tilespmem:v20+s11+$0x0] =	vst.idx.add.f32.msk vm3, v16  }
0x13a: {  	v63 =	vshrl.u32 v9, $0x9;
	vm2 =	veq.s32 v13, v7;
	v13 =	vshrl.u32 v10, $0x9;
	v16 =	vld [tilespmem:s19+$0x30]  }
0x13b: {  	vm3 =	veq.s32 v15, v7;
	v20 =	vshrl.u32 v9, $0x12;
	v15 =	vand.u32 $0x1FF, v14  }
0x13c: {  	s21 =	simm.s32 $0x140;
	[tilespmem:v22+s11+$0x0] =	vst.idx.add.f32.msk vm6, v19;
	s20 =	simm.s32 $0x8;
	v14 =	vand.u32 $0x1FF, v13;
	vm1 =	veq.s32 v20, v7;
	v13 =	vand.u32 $0x1FF, v63  }
.LBB2_16:
0x13d: {  	v19 =	vld [tilespmem:s21+$0x20];
	s20 =	sadd.s32 $0x8, s20  }
0x13e: {  	v20 =	vld [tilespmem:s21+$0xFFFFFFE0];
	p1 =	slt.u32 s20, $0x1860  }
0x13f: {  	v21 =	vld [tilespmem:s21+$0x0];
	v22 =	vshrl.u32 v16, $0x12  }
0x140: {  	v23 =	vld [tilespmem:s21+$0xFFFFFFC0];
	vm6 =	veq.s32 v22, v7;
	v22 =	vshrl.u32 v16, $0x9  }
0x141: {  	[tilespmem:v18+s11+$0x0] =	vst.idx.add.f32.msk vm4, v11;
	v18 =	vand.u32 $0x1FF, v22  }
0x142: {  	v24 =	vshrl.u32 v19, $0x12;
	[tilespmem:v17+s11+$0x0] =	vst.idx.add.f32.msk vm5, v12  }
0x143: {  	v27 =	vshrl.u32 v19, $0x9;
	v17 =	vshrl.u32 v20, $0x12;
	vm7 =	veq.s32 v24, v7;
	v22 =	vld [tilespmem:s19+$0xFFFFFFD0];
	v11 =	vmovc v20  }
0x144: {  	v25 =	vand.u32 $0x1FF, v27;
	v20 =	vshrl.u32 v11, $0x9;
	v24 =	vshrl.u32 v21, $0x12;
	v26 =	vld [tilespmem:s19+$0xFFFFFFF0];
	v12 =	vmovc v21  }
0x145: {  	v21 =	vshrl.u32 v23, $0x12;
	v27 =	vshrl.u32 v23, $0x9;
	v28 =	vshrl.u32 v12, $0x9;
	v29 =	vld [tilespmem:s19+$0x10];
	s19 =	smov.u32 s21  }
0x146: {  	vm4 =	veq.s32 v17, v7;
	vm8 =	veq.s32 v21, v7;
	v21 =	vand.u32 $0x1FF, v27;
	[tilespmem:v18+s11+$0x0] =	vst.idx.add.f32.msk vm6, v16  }
0x147: {  	vm5 =	veq.s32 v24, v7;
	v18 =	vand.u32 $0x1FF, v20;
	v17 =	vand.u32 $0x1FF, v28;
	[tilespmem:v15+s11+$0x0] =	vst.idx.add.f32.msk vm2, v8  }
.Ltmp7:
0x148: {  	v15 =	vshrl.u32 v22, $0x12;
	v20 =	vshrl.u32 v22, $0x9;
	[tilespmem:v14+s11+$0x0] =	vst.idx.add.f32.msk vm3, v10;
	v8 =	vmov v22;
	(pc) =	sbr.rel @p1 .LBB2_16-.Ltmp7, $4  }
0x149: {  	[tilespmem:v25+s11+$0x0] =	vst.idx.add.f32.msk vm7, v19;
	vm2 =	veq.s32 v15, v7;
	v14 =	vshrl.u32 v26, $0x12;
	v19 =	vshrl.u32 v26, $0x9;
	v10 =	vmovc v26  }
0x14a: {  	v16 =	vld [tilespmem:s21+$0x30];
	vm3 =	veq.s32 v14, v7;
	v22 =	vshrl.u32 v29, $0x12;
	v24 =	vshrl.u32 v29, $0x9  }
0x14b: {  	v15 =	vand.u32 $0x1FF, v20;
	v14 =	vand.u32 $0x1FF, v19;
	[tilespmem:v13+s11+$0x0] =	vst.idx.add.f32.msk vm1, v9;
	vm1 =	veq.s32 v22, v7;
	v9 =	vmovc v29  }
0x14c: {  	s21 =	sadd.s32 $0x80, s21;
	v13 =	vand.u32 $0x1FF, v24;
	[tilespmem:v21+s11+$0x0] =	vst.idx.add.f32.msk vm8, v23  }
0x14d: {  	_ =	sdelay $0x4  }
0x14e: {  	[tilespmem:v18+s11+$0x0] =	vst.idx.add.f32.msk vm4, v11  }
0x14f: {  	[tilespmem:v17+s11+$0x0] =	vst.idx.add.f32.msk vm5, v12  }
0x150: {  	v51 =	vld [tilespmem:s19+$0xFFFFFFD0]  }
0x151: {  	v52 =	vld [tilespmem:s19+$0xFFFFFFF0]  }
0x152: {  	v17 =	vld [tilespmem:s19+$0x10]  }
0x153: {  	v57 =	vmov s18  }
0x154: {  	vm8 =	veq.s32 v57, v0;
	v53 =	vshrl.u32 v16, $0x12  }
0x155: {  	v54 =	vshrl.u32 v16, $0x9;
	v6 =	vnsel vm8, $0x0, v6;
	vm14 =	veq.s32 v53, v7  }
0x156: {  	v18 =	vand.u32 $0x1FF, v54;
	v19 =	vshrl.u32 v51, $0x12;
	v56 =	vshrl.u32 v51, $0x9  }
0x157: {  	v20 =	vshrl.u32 v52, $0x12;
	vm15 =	veq.s32 v19, v7;
	v55 =	vshrl.u32 v17, $0x12  }
0x158: {  	v58 =	vshrl.u32 v52, $0x9;
	vm6 =	veq.s32 v20, v7;
	v20 =	vand.u32 $0x1FF, v56  }
0x159: {  	[tilespmem:v15+s11+$0x0] =	vst.idx.add.f32.msk vm2, v8;
	v59 =	vshrl.u32 v17, $0x9;
	vm7 =	veq.s32 v55, v7;
	v60 =	vand.u32 $0x1FF, v58  }
0x15a: {  	[tilespmem:v14+s11+$0x0] =	vst.idx.add.f32.msk vm3, v10;
	v4 =	vnsel vm8, $0x0, v4;
	(xrf2) =	vadd.scan.msk.f32 $0xffff, v6;
	v61 =	vand.u32 $0x1FF, v59  }
0x15b: {  	[tilespmem:v13+s11+$0x0] =	vst.idx.add.f32.msk vm1, v9;
	(xrf2) =	vadd.scan.msk.f32 $0xffff, v4;
	v4 =	vnsel vm0, $0x0, v5  }
0x15c: {  	(xrf2) =	vadd.scan.msk.f32 $0xffff, v4;
	[tilespmem:v18+s11+$0x0] =	vst.idx.add.f32.msk vm14, v16  }
0x15d: {  	[tilespmem:v20+s11+$0x0] =	vst.idx.add.f32.msk vm15, v51  }
0x15e: {  	[tilespmem:v60+s11+$0x0] =	vst.idx.add.f32.msk vm6, v52  }
0x15f: {  	[tilespmem:v61+s11+$0x0] =	vst.idx.add.f32.msk vm7, v17  }
0x160: {  	v4 =	vld [tilespmem:$0x18680];
	_ =	sdelay $0x3  }
0x161: {  	v5, _, _ =	vpop (xrf2)  }
0x162: {  	v62, _, _ =	vpop (xrf2);
	(v2sf) =	vpush v5, $0xF;
	v5 =	vshrl.u32 v4, $0x12  }
0x163: {  	(v2sf) =	vpush v62, $0xF;
	v63, _, _ =	vpop (xrf2);
	vm1 =	veq.s32 v5, v7;
	v5 =	vshrl.u32 v4, $0x9  }
0x164: {  	(v2sf) =	vpush v63, $0xF;
	v5 =	vand.u32 $0x1FF, v5;
	_ =	sdelay $0x4  }
0x165: {  	[tilespmem:v5+s11+$0x0] =	vst.idx.add.f32.msk vm1, v4  }
0x166: {  	v4 =	vld [tilespmem:$0x18690];
	_ =	sdelay $0x4  }
0x167: {  	v5 =	vshrl.u32 v4, $0x12  }
0x168: {  	vm1 =	veq.s32 v5, v7;
	v5 =	vshrl.u32 v4, $0x9  }
0x169: {  	s30 =	spop (v2sf);
	v5 =	vand.u32 $0x1FF, v5  }
0x16a: {  	s31 =	spop (v2sf)  }
0x16b: {  	s20 =	spop (v2sf);
	s19 =	ssub.f32 s30, s31  }
0x16c: {  	s18 =	ssub.f32 s17, s20;
	_ =	sdelay $0x1  }
0x16d: {  	s18 =	smov.u32 @p0 s19;
	s19 =	simm.s32 $0x0;
	[tilespmem:v5+s11+$0x0] =	vst.idx.add.f32.msk vm1, v4  }
.LBB2_18:
0x16e: {  	s17 =	sshll.u32 s19, $0x4  }
0x16f: {  	s17 =	ssub.s32 $0x198F0, s17  }
0x170: {  	v4 =	vld [tilespmem:s17+$0x0];
	_ =	sdelay $0x4  }
0x171: {  	(xrf2) =	vadd.scan.msk.f32 $0xffff, v4;
	_ =	sdelay $0x9  }
0x172: {  	v4, _, _ =	vpop (xrf2)  }
0x173: {  	(v2sf) =	vpush v4, $0xF;
	_ =	sdelay $0xe  }
0x174: {  	s31 =	spop (v2sf)  }
0x175: {  	s17 =	sadd.f32 s31, s18;
	_ =	sdelay $0x1  }
0x176: {  	p0 =	sgt.f32 s17, s15;
	_ =	sdelay $0x1  }
0x177: {  	s20 =	smov.u32 s18;
	s18 =	simm.s32 $0x1;
	p1 =	por !p0, !p0  }
0x178: {  	s18 =	simm.s32 @!p1 $0x0  }
0x179: {  	s19 =	sadd.s32 s18, s19  }
0x17a: {  	p1 =	sgt.u32 s19, $0x1F  }
0x17b: {  	p2 =	sgt.f32 @!p1 s17, s15;
	_ =	sdelay $0x1  }
0x17c: {  	p1 =	por p1, p2  }
.Ltmp8:
0x17d: {  	_ = 	snop;
	(pc) =	sbr.rel @!p1 .LBB2_18-.Ltmp8, $3  }
0x17e: {  	_ =	sdelay $0x1  }
0x17f: {  	s18 =	smov.u32 s17  }
0x180: {  	s18 =	smov.u32 @p0 s20  }
0x181: {  	s19 =	sshll.u32 s19, $0x4  }
0x182: {  	s19 =	ssub.s32 $0x1F0, s19  }
0x183: {  	s19 =	simm.s32 @!p0 $0x0  }
0x184: {  	v4 =	vld [tilespmem:s19+$0x19700];
	_ =	sdelay $0x4  }
0x185: {  	v4 =	vperm.xlane v4, v2;
	_ =	sdelay $0x1  }
0x186: {  	(xrf2) =	vadd.scan.msk.f32 $0xffff, v4;
	_ =	sdelay $0x9  }
0x187: {  	v5, _, _ =	vpop (xrf2)  }
0x188: {  	v6 =	vadd.f32 s18, v5;
	s18 =	simm.s32 $0x19920  }
0x189: {  	v5 =	vld [tilespmem:$0x19700];
	[tilespmem:s18+$0xFFFFFFE0] =	vst v1  }
0x18a: {  	[tilespmem:s18+$0x10] =	vst v1;
	vm1 =	vgt.f32 v6, v3  }
0x18b: {  	s20 =	simm.s32 $0x0;
	[tilespmem:s18+$0x0] =	vst v1;
	v7 =	vmctz.xlane vm1  }
.LBB2_20:
0x18c: {  	s20 =	sadd.s32 $0x4, s20  }
0x18d: {  	[tilespmem:s18+$0xFFFFFFF0] =	vst v1;
	s18 =	sadd.s32 $0x40, s18;
	p1 =	slt.u32 s20, $0x1C  }
.Ltmp9:
0x18e: {  	[tilespmem:s18+$0xFFFFFFE0] =	vst v1;
	(pc) =	sbr.rel @p1 .LBB2_20-.Ltmp9, $3  }
0x18f: {  	_ =	sdelay $0x1  }
0x190: {  	[tilespmem:s18+$0x10] =	vst v1  }
0x191: {  	[tilespmem:s18+$0x0] =	vst v1  }
0x192: {  	v8 =	vsel vm1, $0x3F800000, v1  }
0x193: {  	v7 =	vxor.u32 $0x80000000, v7;
	(xrf0) =	vmax.scan.msk.f32 $0xffff, v8  }
0x194: {  	(xrf0) =	vmin.scan.msk.u32 $0xffff, v7;
	_ =	sdelay $0x4  }
0x195: {  	v7, _, _ =	vpop (xrf0)  }
0x196: {  	(v2sf) =	vpush v7, $0xF;
	v7, _, _ =	vpop (xrf0)  }
0x197: {  	(v2sf) =	vpush v7, $0xF;
	_ =	sdelay $0xd  }
0x198: {  	s20 =	spop (v2sf)  }
0x199: {  	[tilespmem:s18+$0xFFFFFFF0] =	vst v1;
	s31 =	simm.s32 $0x40;
	p1 =	sgt.f32 s20, $0.0e+00;
	s30 =	spop (v2sf)  }
0x19a: {  	v8 =	vld [tilespmem:s31+$0x20];
	s18 =	sxor.u32 $0x80000000, s30  }
0x19b: {  	s19 =	sor.u32 $0xF, s19;
	s18 =	simm.s32 @!p1 $0x0  }
0x19c: {  	s19 =	ssub.s32 s19, s18  }
0x19d: {  	s16 =	sshll.u32 s16, $0x9;
	s19 =	simm.s32 @!p0 $0x0  }
0x19e: {  	s16 =	sor.u32 s16, s19  }
0x19f: {  	v9 =	vld [tilespmem:s31+$0xFFFFFFE0];
	v10 =	vshrl.u32 v8, $0x9;
	v7 =	vmov s16  }
0x1a0: {  	vm1 =	veq.s32 v10, v7  }
0x1a1: {  	v11 =	vld [tilespmem:s31+$0xFFFFFFC0];
	v10 =	vand.u32 $0x1FF, v8  }
0x1a2: {  	v12 =	vld [tilespmem:s31+$0x0];
	_ =	sdelay $0x1  }
0x1a3: {  	v13 =	vshrl.u32 v9, $0x9  }
0x1a4: {  	vm2 =	veq.s32 v13, v7  }
0x1a5: {  	v14 =	vshrl.u32 v11, $0x9;
	v13 =	vand.u32 $0x1FF, v9;
	[tilespmem:v10+s12+$0x0] =	vst.idx.add.f32.msk vm1, v8  }
0x1a6: {  	s19 =	simm.s32 $0xC0;
	vm3 =	veq.s32 v14, v7;
	v8 =	vshrl.u32 v12, $0x9;
	v14 =	vld [tilespmem:s31+$0x30]  }
0x1a7: {  	v15 =	vld [tilespmem:s19+$0x20];
	v10 =	vand.u32 $0x1FF, v11;
	vm1 =	veq.s32 v8, v7  }
0x1a8: {  	v17 =	vld [tilespmem:s19+$0xFFFFFFE0];
	v8 =	vand.u32 $0x1FF, v12  }
0x1a9: {  	v18 =	vld [tilespmem:s19+$0xFFFFFFC0]  }
0x1aa: {  	[tilespmem:v13+s12+$0x0] =	vst.idx.add.f32.msk vm2, v9  }
0x1ab: {  	v13 =	vld [tilespmem:s19+$0x0];
	v9 =	vshrl.u32 v14, $0x9  }
0x1ac: {  	[tilespmem:v10+s12+$0x0] =	vst.idx.add.f32.msk vm3, v11;
	vm2 =	veq.s32 v9, v7;
	v9 =	vshrl.u32 v15, $0x9  }
0x1ad: {  	v11 =	vand.u32 $0x1FF, v14;
	[tilespmem:v8+s12+$0x0] =	vst.idx.add.f32.msk vm1, v12;
	vm1 =	veq.s32 v9, v7  }
0x1ae: {  	v16 =	vshrl.u32 v18, $0x9;
	v10 =	vld [tilespmem:s31+$0xFFFFFFD0];
	v12 =	vand.u32 $0x1FF, v15  }
0x1af: {  	vm6 =	veq.s32 v16, v7;
	v8 =	vld [tilespmem:s31+$0xFFFFFFF0];
	v9 =	vshrl.u32 v17, $0x9  }
0x1b0: {  	v20 =	vand.u32 $0x1FF, v18;
	vm5 =	veq.s32 v9, v7;
	v9 =	vld [tilespmem:s31+$0x10]  }
0x1b1: {  	v19 =	vand.u32 $0x1FF, v17  }
0x1b2: {  	v16 =	vshrl.u32 v13, $0x9;
	[tilespmem:v11+s12+$0x0] =	vst.idx.add.f32.msk vm2, v14  }
0x1b3: {  	vm4 =	veq.s32 v16, v7;
	v11 =	vshrl.u32 v10, $0x9;
	[tilespmem:v12+s12+$0x0] =	vst.idx.add.f32.msk vm1, v15  }
0x1b4: {  	v16 =	vand.u32 $0x1FF, v13;
	v14 =	vand.u32 $0x1FF, v10;
	vm3 =	veq.s32 v11, v7;
	v15 =	vld [tilespmem:s19+$0x30]  }
0x1b5: {  	[tilespmem:v20+s12+$0x0] =	vst.idx.add.f32.msk vm6, v18;
	v12 =	vshrl.u32 v8, $0x9;
	v11 =	vand.u32 $0x1FF, v8;
	v21 =	vshrl.u32 v9, $0x9  }
0x1b6: {  	s21 =	simm.s32 $0x140;
	s20 =	simm.s32 $0x8;
	[tilespmem:v19+s12+$0x0] =	vst.idx.add.f32.msk vm5, v17;
	vm2 =	veq.s32 v12, v7;
	v12 =	vand.u32 $0x1FF, v9;
	vm1 =	veq.s32 v21, v7  }
.LBB2_22:
0x1b7: {  	v17 =	vld [tilespmem:s21+$0x20];
	s20 =	sadd.s32 $0x8, s20  }
0x1b8: {  	v18 =	vld [tilespmem:s21+$0xFFFFFFE0];
	p1 =	slt.u32 s20, $0x1860  }
0x1b9: {  	v19 =	vld [tilespmem:s21+$0x0];
	v20 =	vshrl.u32 v15, $0x9  }
0x1ba: {  	v21 =	vld [tilespmem:s21+$0xFFFFFFC0];
	vm6 =	veq.s32 v20, v7  }
0x1bb: {  	v20 =	vand.u32 $0x1FF, v15;
	[tilespmem:v16+s12+$0x0] =	vst.idx.add.f32.msk vm4, v13  }
0x1bc: {  	v27 =	vshrl.u32 v17, $0x9;
	v22 =	vld [tilespmem:s19+$0xFFFFFFD0]  }
0x1bd: {  	v16 =	vshrl.u32 v18, $0x9;
	v23 =	vand.u32 $0x1FF, v18;
	vm7 =	veq.s32 v27, v7;
	v24 =	vld [tilespmem:s19+$0xFFFFFFF0]  }
0x1be: {  	v25 =	vand.u32 $0x1FF, v17;
	vm5 =	veq.s32 v16, v7;
	v16 =	vshrl.u32 v19, $0x9;
	v26 =	vld [tilespmem:s19+$0x10];
	v13 =	vmovc v19;
	s19 =	smov.u32 s21  }
0x1bf: {  	v19 =	vshrl.u32 v21, $0x9;
	v27 =	vand.u32 $0x1FF, v21;
	vm4 =	veq.s32 v16, v7;
	[tilespmem:v14+s12+$0x0] =	vst.idx.add.f32.msk vm3, v10  }
0x1c0: {  	v16 =	vand.u32 $0x1FF, v13;
	vm8 =	veq.s32 v19, v7;
	[tilespmem:v20+s12+$0x0] =	vst.idx.add.f32.msk vm6, v15  }
0x1c1: {  	v15 =	vshrl.u32 v22, $0x9;
	v14 =	vand.u32 $0x1FF, v22;
	[tilespmem:v11+s12+$0x0] =	vst.idx.add.f32.msk vm2, v8;
	v10 =	vmov v22  }
.Ltmp10:
0x1c2: {  	vm3 =	veq.s32 v15, v7;
	v15 =	vshrl.u32 v24, $0x9;
	v11 =	vand.u32 $0x1FF, v24;
	[tilespmem:v12+s12+$0x0] =	vst.idx.add.f32.msk vm1, v9;
	v8 =	vmovc v24;
	(pc) =	sbr.rel @p1 .LBB2_22-.Ltmp10, $4  }
0x1c3: {  	[tilespmem:v25+s12+$0x0] =	vst.idx.add.f32.msk vm7, v17;
	vm2 =	veq.s32 v15, v7;
	v17 =	vshrl.u32 v26, $0x9;
	v12 =	vand.u32 $0x1FF, v26;
	v9 =	vmovc v26  }
0x1c4: {  	v15 =	vld [tilespmem:s21+$0x30];
	vm1 =	veq.s32 v17, v7  }
0x1c5: {  	[tilespmem:v23+s12+$0x0] =	vst.idx.add.f32.msk vm5, v18  }
0x1c6: {  	s21 =	sadd.s32 $0x80, s21;
	[tilespmem:v27+s12+$0x0] =	vst.idx.add.f32.msk vm8, v21  }
0x1c7: {  	_ =	sdelay $0x2  }
0x1c8: {  	v17 =	vld [tilespmem:s19+$0xFFFFFFD0]  }
0x1c9: {  	v18 =	vld [tilespmem:s19+$0xFFFFFFF0]  }
0x1ca: {  	[tilespmem:v16+s12+$0x0] =	vst.idx.add.f32.msk vm4, v13  }
0x1cb: {  	v16 =	vld [tilespmem:s19+$0x10];
	_ =	sdelay $0x1  }
0x1cc: {  	v57 =	vmov s18;
	v55 =	vshrl.u32 v15, $0x9  }
0x1cd: {  	vm7 =	veq.s32 v57, v0;
	vm15 =	veq.s32 v55, v7;
	v19 =	vshrl.u32 v17, $0x9  }
0x1ce: {  	v56 =	vand.u32 $0x1FF, v15;
	v20 =	vshrl.u32 v18, $0x9;
	vm5 =	veq.s32 v19, v7  }
0x1cf: {  	v58 =	vand.u32 $0x1FF, v17;
	vm6 =	veq.s32 v20, v7;
	v59 =	vshrl.u32 v16, $0x9  }
0x1d0: {  	[tilespmem:v14+s12+$0x0] =	vst.idx.add.f32.msk vm3, v10;
	v6 =	vnsel vm7, $0x0, v6;
	v60 =	vand.u32 $0x1FF, v18;
	vm3 =	veq.s32 v59, v7  }
0x1d1: {  	[tilespmem:v11+s12+$0x0] =	vst.idx.add.f32.msk vm2, v8;
	v4 =	vnsel vm7, $0x0, v4;
	(xrf2) =	vadd.scan.msk.f32 $0xffff, v6;
	v61 =	vand.u32 $0x1FF, v16  }
0x1d2: {  	[tilespmem:v12+s12+$0x0] =	vst.idx.add.f32.msk vm1, v9;
	(xrf2) =	vadd.scan.msk.f32 $0xffff, v4;
	v4 =	vnsel vm0, $0x0, v5  }
0x1d3: {  	(xrf2) =	vadd.scan.msk.f32 $0xffff, v4;
	[tilespmem:v56+s12+$0x0] =	vst.idx.add.f32.msk vm15, v15  }
0x1d4: {  	[tilespmem:v58+s12+$0x0] =	vst.idx.add.f32.msk vm5, v17  }
0x1d5: {  	[tilespmem:v60+s12+$0x0] =	vst.idx.add.f32.msk vm6, v18  }
0x1d6: {  	[tilespmem:v61+s12+$0x0] =	vst.idx.add.f32.msk vm3, v16  }
0x1d7: {  	v4 =	vld [tilespmem:$0x18680];
	_ =	sdelay $0x3  }
0x1d8: {  	v5, _, _ =	vpop (xrf2)  }
0x1d9: {  	v62, _, _ =	vpop (xrf2);
	(v2sf) =	vpush v5, $0xF;
	v5 =	vshrl.u32 v4, $0x9  }
0x1da: {  	(v2sf) =	vpush v62, $0xF;
	v63, _, _ =	vpop (xrf2);
	vm1 =	veq.s32 v5, v7  }
0x1db: {  	(v2sf) =	vpush v63, $0xF;
	v5 =	vand.u32 $0x1FF, v4;
	_ =	sdelay $0x4  }
0x1dc: {  	[tilespmem:v5+s12+$0x0] =	vst.idx.add.f32.msk vm1, v4  }
0x1dd: {  	v4 =	vld [tilespmem:$0x18690];
	_ =	sdelay $0x4  }
0x1de: {  	v5 =	vshrl.u32 v4, $0x9  }
0x1df: {  	vm1 =	veq.s32 v5, v7  }
0x1e0: {  	s30 =	spop (v2sf);
	v5 =	vand.u32 $0x1FF, v4  }
0x1e1: {  	s31 =	spop (v2sf)  }
0x1e2: {  	s20 =	spop (v2sf);
	s19 =	ssub.f32 s30, s31  }
0x1e3: {  	s18 =	ssub.f32 s17, s20;
	_ =	sdelay $0x1  }
0x1e4: {  	s18 =	smov.u32 @p0 s19;
	s19 =	simm.s32 $0x0;
	[tilespmem:v5+s12+$0x0] =	vst.idx.add.f32.msk vm1, v4  }
.LBB2_24:
0x1e5: {  	s17 =	sshll.u32 s19, $0x4  }
0x1e6: {  	s17 =	ssub.s32 $0x19AF0, s17  }
0x1e7: {  	v4 =	vld [tilespmem:s17+$0x0];
	_ =	sdelay $0x4  }
0x1e8: {  	(xrf2) =	vadd.scan.msk.f32 $0xffff, v4;
	_ =	sdelay $0x9  }
0x1e9: {  	v4, _, _ =	vpop (xrf2)  }
0x1ea: {  	(v2sf) =	vpush v4, $0xF;
	_ =	sdelay $0xe  }
0x1eb: {  	s31 =	spop (v2sf)  }
0x1ec: {  	s17 =	sadd.f32 s31, s18;
	_ =	sdelay $0x1  }
0x1ed: {  	p0 =	sgt.f32 s17, s15;
	_ =	sdelay $0x1  }
0x1ee: {  	s20 =	smov.u32 s18;
	s18 =	simm.s32 $0x1;
	p1 =	por !p0, !p0  }
0x1ef: {  	s18 =	simm.s32 @!p1 $0x0  }
0x1f0: {  	s19 =	sadd.s32 s18, s19  }
0x1f1: {  	p1 =	sgt.u32 s19, $0x1F  }
0x1f2: {  	p2 =	sgt.f32 @!p1 s17, s15;
	_ =	sdelay $0x1  }
0x1f3: {  	p1 =	por p1, p2  }
.Ltmp11:
0x1f4: {  	_ = 	snop;
	(pc) =	sbr.rel @!p1 .LBB2_24-.Ltmp11, $3  }
0x1f5: {  	_ =	sdelay $0x1  }
0x1f6: {  	s18 =	smov.u32 s17  }
0x1f7: {  	s18 =	smov.u32 @p0 s20  }
0x1f8: {  	s15 =	sshll.u32 s19, $0x4  }
0x1f9: {  	s15 =	ssub.s32 $0x1F0, s15  }
0x1fa: {  	s15 =	simm.s32 @!p0 $0x0  }
0x1fb: {  	v4 =	vld [tilespmem:s15+$0x19900];
	_ =	sdelay $0x4  }
0x1fc: {  	v4 =	vperm.xlane v4, v2;
	_ =	sdelay $0x1  }
0x1fd: {  	(xrf2) =	vadd.scan.msk.f32 $0xffff, v4;
	_ =	sdelay $0x9  }
0x1fe: {  	v4, _, _ =	vpop (xrf2)  }
0x1ff: {  	v4 =	vadd.f32 s18, v4;
	_ =	sdelay $0x1  }
0x200: {  	vm1 =	vgt.f32 v4, v3  }
0x201: {  	v3 =	vmctz.xlane vm1  }
0x202: {  	v5 =	vsel vm1, $0x3F800000, v1  }
0x203: {  	(xrf0) =	vmax.scan.msk.f32 $0xffff, v5;
	v3 =	vxor.u32 $0x80000000, v3  }
0x204: {  	(xrf0) =	vmin.scan.msk.u32 $0xffff, v3;
	_ =	sdelay $0x4  }
0x205: {  	v3, _, _ =	vpop (xrf0)  }
0x206: {  	(v2sf) =	vpush v3, $0xF;
	v3, _, _ =	vpop (xrf0)  }
0x207: {  	(v2sf) =	vpush v3, $0xF;
	_ =	sdelay $0xd  }
0x208: {  	s30 =	spop (v2sf)  }
0x209: {  	p1 =	sgt.f32 s30, $0.0e+00;
	s31 =	spop (v2sf)  }
0x20a: {  	s18 =	sxor.u32 $0x80000000, s31  }
0x20b: {  	s18 =	simm.s32 @!p1 $0x0  }
0x20c: {  	v3 =	vmov s18  }
0x20d: {  	vm1 =	veq.s32 v3, v0  }
0x20e: {  	v3 =	vnsel vm1, $0x0, v4  }
0x20f: {  	(xrf2) =	vadd.scan.msk.f32 $0xffff, v3;
	_ =	sdelay $0x9  }
0x210: {  	v3, _, _ =	vpop (xrf2)  }
0x211: {  	(v2sf) =	vpush v3, $0xF;
	_ =	sdelay $0xe  }
0x212: {  	s19 =	spop (v2sf)  }
0x213: {  	s17 =	smov.u32 @p0 s19  }
0x214: {  	v3 =	vmov s17  }
0x215: {  	v3 =	vadd.f32 $0.0e+00, v3;
	_ =	sdelay $0x1  }
0x216: {  	v3 =	vbroadcast v3, $0x0;
	_ =	sdelay $0x1  }
0x217: {  	(erf) = vrcp.f32 v3;
	_ =	sdelay $0x1  }
0x218: {  	s17 =	simm.s32 $0x40  }
0x219: {  	s15 =	sor.u32 $0xF, s15;
	v5 =	vld [tilespmem:s17+$0x30]  }
0x21a: {  	s15 =	ssub.s32 s15, s18;
	v6 =	vld [tilespmem:s17+$0xFFFFFFD0]  }
0x21b: {  	s16 =	sshll.u32 s16, $0x9;
	s15 =	simm.s32 @!p0 $0x0;
	v7 =	vld [tilespmem:s17+$0xFFFFFFE0]  }
0x21c: {  	s15 =	sor.u32 s16, s15;
	v9 =	vld [tilespmem:s17+$0x0]  }
0x21d: {  	v8 =	vld [tilespmem:s17+$0xFFFFFFF0];
	v3 =	vmov s15  }
0x21e: {  	v10 =	vld [tilespmem:s17+$0x10];
	s15 =	simm.s32 $0xC0;
	v3 =	vbroadcast v3, $0x0  }
0x21f: {  	v13 =	vld [tilespmem:s15+$0x30];
	v4 =	vpop (erf)  }
0x220: {  	v12 =	vld [tilespmem:s17+$0x20];
	vm1 =	vge.f32 v6, v3;
	vm2 =	vge.f32 v5, v3;
	v11 =	vmul.f32 v5, v4  }
0x221: {  	vm3 =	vge.f32 v7, v3;
	vm4 =	vge.f32 v9, v3;
	v6 =	vmul.f32 v6, v4;
	v5 =	vld [tilespmem:s17+$0xFFFFFFC0]  }
0x222: {  	v7 =	vmul.f32 v7, v4;
	v9 =	vmul.f32 v9, v4;
	v11 =	vnsel vm2, $0x0, v11  }
0x223: {  	v14 =	vld [tilespmem:s15+$0xFFFFFFE0];
	vm2 =	vge.f32 v8, v3;
	v8 =	vmul.f32 v8, v4;
	v6 =	vnsel vm1, $0x0, v6;
	[tilespmem:s17+$0x30] =	vst v11  }
0x224: {  	v15 =	vmul.f32 v10, v4;
	v16 =	vmul.f32 v13, v4;
	v11 =	vld [tilespmem:s15+$0xFFFFFFD0];
	[tilespmem:s17+$0xFFFFFFD0] =	vst v6;
	v6 =	vnsel vm3, $0x0, v7  }
0x225: {  	vm3 =	vge.f32 v10, v3;
	v7 =	vld [tilespmem:s15+$0xFFFFFFF0];
	[tilespmem:s17+$0xFFFFFFE0] =	vst v6;
	v8 =	vnsel vm2, $0x0, v8;
	vm2 =	vge.f32 v12, v3  }
0x226: {  	v12 =	vmul.f32 v12, v4;
	v6 =	vld [tilespmem:s15+$0x0];
	vm1 =	vge.f32 v5, v3;
	[tilespmem:s17+$0xFFFFFFF0] =	vst v8;
	v8 =	vnsel vm4, $0x0, v9  }
0x227: {  	v10 =	vmul.f32 v5, v4;
	v5 =	vld [tilespmem:s15+$0x10];
	v9 =	vnsel vm3, $0x0, v15;
	vm4 =	vge.f32 v13, v3;
	[tilespmem:s17+$0x0] =	vst v8  }
0x228: {  	vm3 =	vge.f32 v14, v3;
	v15 =	vnsel vm2, $0x0, v12;
	v8 =	vld [tilespmem:s15+$0x20];
	[tilespmem:s17+$0x10] =	vst v9;
	v12 =	vmul.f32 v14, v4  }
0x229: {  	s18 =	simm.s32 $0x140;
	s16 =	simm.s32 $0x8;
	v9 =	vld [tilespmem:s15+$0xFFFFFFC0];
	v13 =	vnsel vm4, $0x0, v16;
	[tilespmem:s17+$0x20] =	vst v15;
	vm2 =	vge.f32 v11, v3;
	v11 =	vmul.f32 v11, v4  }
.LBB2_26:
0x22a: {  	v14 =	vld [tilespmem:s18+$0x30];
	s16 =	sadd.s32 $0x8, s16;
	vm4 =	vge.f32 v7, v3;
	v15 =	vmul.f32 v7, v4;
	[tilespmem:s15+$0x30] =	vst v13;
	v7 =	vnsel vm1, $0x0, v10  }
0x22b: {  	v10 =	vnsel vm2, $0x0, v11;
	v13 =	vld [tilespmem:s18+$0xFFFFFFD0];
	p0 =	slt.u32 s16, $0x1860;
	vm2 =	vge.f32 v6, v3;
	v11 =	vmul.f32 v6, v4;
	[tilespmem:s17+$0xFFFFFFC0] =	vst v7;
	s17 =	smov.u32 s15;
	s15 =	smov.u32 s18  }
0x22c: {  	v6 =	vnsel vm3, $0x0, v12;
	v16 =	vld [tilespmem:s18+$0xFFFFFFE0];
	[tilespmem:s17+$0xFFFFFFD0] =	vst v10;
	vm3 =	vge.f32 v5, v3;
	v12 =	vmul.f32 v5, v4  }
.Ltmp12:
0x22d: {  	v5 =	vnsel vm4, $0x0, v15;
	v7 =	vld [tilespmem:s18+$0xFFFFFFF0];
	[tilespmem:s17+$0xFFFFFFE0] =	vst v6;
	vm4 =	vge.f32 v8, v3;
	v8 =	vmul.f32 v8, v4;
	(pc) =	sbr.rel @p0 .LBB2_26-.Ltmp12, $4  }
0x22e: {  	v6 =	vld [tilespmem:s18+$0x0];
	vm1 =	vge.f32 v9, v3;
	v10 =	vmul.f32 v9, v4;
	[tilespmem:s17+$0xFFFFFFF0] =	vst v5;
	v9 =	vnsel vm2, $0x0, v11  }
0x22f: {  	v5 =	vld [tilespmem:s18+$0x10];
	v15 =	vmul.f32 v14, v4;
	[tilespmem:s17+$0x0] =	vst v9;
	v9 =	vnsel vm3, $0x0, v12;
	v17 =	vnsel vm4, $0x0, v8  }
0x230: {  	vm4 =	vge.f32 v14, v3;
	vm2 =	vge.f32 v13, v3;
	v11 =	vmul.f32 v13, v4;
	v8 =	vld [tilespmem:s18+$0x20];
	[tilespmem:s17+$0x10] =	vst v9  }
0x231: {  	s18 =	sadd.s32 $0x80, s18;
	v9 =	vld [tilespmem:s15+$0xFFFFFFC0];
	vm3 =	vge.f32 v16, v3;
	v12 =	vmul.f32 v16, v4;
	v13 =	vnsel vm4, $0x0, v15;
	[tilespmem:s17+$0x20] =	vst v17  }
0x232: {  	[tilespmem:s15+$0x30] =	vst v13;
	v10 =	vnsel vm1, $0x0, v10  }
0x233: {  	v13 =	vmul.f32 v7, v4;
	v11 =	vnsel vm2, $0x0, v11;
	[tilespmem:s17+$0xFFFFFFC0] =	vst v10  }
0x234: {  	vm1 =	vge.f32 v7, v3;
	v7 =	vmul.f32 v6, v4;
	[tilespmem:s15+$0xFFFFFFD0] =	vst v11;
	v10 =	vnsel vm3, $0x0, v12  }
0x235: {  	vm2 =	vge.f32 v6, v3;
	v6 =	vmul.f32 v5, v4;
	[tilespmem:s15+$0xFFFFFFE0] =	vst v10;
	v10 =	vnsel vm1, $0x0, v13  }
0x236: {  	vm1 =	vge.f32 v5, v3;
	v5 =	vmul.f32 v8, v4;
	[tilespmem:s15+$0xFFFFFFF0] =	vst v10;
	v7 =	vnsel vm2, $0x0, v7  }
0x237: {  	vm2 =	vge.f32 v8, v3;
	v8 =	vmul.f32 v9, v4;
	[tilespmem:s15+$0x0] =	vst v7;
	v6 =	vnsel vm1, $0x0, v6  }
0x238: {  	vm1 =	vge.f32 v9, v3;
	v5 =	vnsel vm2, $0x0, v5;
	[tilespmem:s15+$0x10] =	vst v6  }
0x239: {  	[tilespmem:s15+$0x20] =	vst v5;
	v5 =	vnsel vm1, $0x0, v8  }
0x23a: {  	[tilespmem:s15+$0xFFFFFFC0] =	vst v5  }
0x23b: {  	v5 =	vld [tilespmem:$0x18680]  }
0x23c: {  	v6 =	vld [tilespmem:$0x18690];
	_ =	sdelay $0x3  }
0x23d: {  	v7 =	vmul.f32 v5, v4  }
0x23e: {  	vm1 =	vge.f32 v5, v3;
	v4 =	vmul.f32 v6, v4  }
0x23f: {  	v5 =	vnsel vm1, $0x0, v7;
	vm1 =	vge.f32 v6, v3  }
0x240: {  	[tilespmem:$0x18680] =	vst v5;
	v3 =	vnsel vm1, $0x0, v4  }
0x241: {  	s16 =	simm.s32 $0x80;
	[tilespmem:$0x18690] =	vst v3  }
0x242: {  	[hbm4b:s4+s16] =	stream.strided.scatter [tilespmem:s2], [sflag:$0x1], $0x18700, s8, s16, $0x38;
	[tilespmem:$0x19B00] =	vst v63  }
0x243: {  	_ =	swait.ge [sflag:s9], $0x18700  }
0x244: {  	[sflag:s9] =	ssyncset.done $0x0  }
0x245: {  	[sflag:s9] =	ssyncadd.s32 $0xFFFE7900  }
0x246: {  	[tilespmem:s2], [sflag:$0x1] =	stream.strided.gather [hbm4b:s5+s16], $0x18700, s8, s16, $0x38;
	[tilespmem:$0x19B00] =	vst v63  }
0x247: {  	_ =	swait.ge [sflag:s9], $0x18700  }
0x248: {  	[sflag:s9] =	ssyncset.done $0x0  }
0x249: {  	[sflag:s9] =	ssyncadd.s32 $0xFFFE7900  }
0x24a: {  	v5 =	vld [tilespmem:s16+$0x40]  }
0x24b: {  	v3 =	vld [tilespmem:s16+$0x50]  }
0x24c: {  	v4 =	vld [tilespmem:s16+$0x60]  }
0x24d: {  	v11 =	vld [tilespmem:s16+$0x0]  }
0x24e: {  	v6 =	vld [tilespmem:s16+$0x10]  }
0x24f: {  	v7 =	vld [tilespmem:s16+$0x20]  }
0x250: {  	v12 =	vld [tilespmem:s16+$0xFFFFFFC0]  }
0x251: {  	v8 =	vld [tilespmem:s16+$0xFFFFFFD0]  }
0x252: {  	v13 =	vld [tilespmem:s16+$0xFFFFFF80]  }
0x253: {  	v10 =	vld [tilespmem:s16+$0xFFFFFFE0]  }
0x254: {  	v15 =	vld [tilespmem:s16+$0xFFFFFF90]  }
0x255: {  	v16 =	vld [tilespmem:s16+$0xFFFFFFA0]  }
0x256: {  	v9 =	vimm.f32 $-Inf;
	v18 =	vld [tilespmem:s16+$0xFFFFFFB0]  }
0x257: {  	v17 =	vld [tilespmem:s16+$0xFFFFFFF0];
	v13 =	vmax.f32 v9, v13  }
0x258: {  	v14 =	vld [tilespmem:s16+$0x30];
	v12 =	vmax.f32 v13, v12  }
0x259: {  	s15 =	simm.s32 $0x0;
	v13 =	vld [tilespmem:s16+$0x70];
	s16 =	simm.s32 $0x180;
	v19 =	vmax.f32 v12, v11;
	v11 =	vimm.f32 $-Inf;
	v12 =	vimm.f32 $-Inf  }
.LBB2_28:
0x25a: {  	v19 =	vmax.f32 v19, v5;
	v5 =	vld [tilespmem:s16+$0x40]  }
0x25b: {  	v9 =	vmax.f32 v9, v15;
	v11 =	vmax.f32 v11, v16;
	v20 =	vld [tilespmem:s16+$0x50];
	v12 =	vmax.f32 v12, v18  }
0x25c: {  	v8 =	vmax.f32 v9, v8;
	v9 =	vmax.f32 v11, v10;
	v15 =	vld [tilespmem:s16+$0x60];
	v10 =	vmax.f32 v12, v17  }
0x25d: {  	v8 =	vmax.f32 v8, v6;
	v7 =	vmax.f32 v9, v7;
	v21 =	vld [tilespmem:s16+$0x0];
	v10 =	vmax.f32 v10, v14  }
0x25e: {  	v9 =	vmax.f32 v8, v3;
	v11 =	vmax.f32 v7, v4;
	v6 =	vld [tilespmem:s16+$0x10];
	v12 =	vmax.f32 v10, v13  }
0x25f: {  	v7 =	vld [tilespmem:s16+$0x20]  }
0x260: {  	v13 =	vld [tilespmem:s16+$0xFFFFFFC0];
	v3 =	vmov v20  }
0x261: {  	v8 =	vld [tilespmem:s16+$0xFFFFFFD0];
	v4 =	vmov v15  }
0x262: {  	v14 =	vld [tilespmem:s16+$0xFFFFFF80]  }
0x263: {  	s15 =	sadd.s32 $0x10, s15;
	v10 =	vld [tilespmem:s16+$0xFFFFFFE0]  }
0x264: {  	p0 =	slt.u32 s15, $0x1850;
	v15 =	vld [tilespmem:s16+$0xFFFFFF90]  }
.Ltmp13:
0x265: {  	v16 =	vld [tilespmem:s16+$0xFFFFFFA0];
	(pc) =	sbr.rel @p0 .LBB2_28-.Ltmp13, $4  }
0x266: {  	v18 =	vld [tilespmem:s16+$0xFFFFFFB0]  }
0x267: {  	v14 =	vmax.f32 v19, v14;
	v17 =	vld [tilespmem:s16+$0xFFFFFFF0]  }
0x268: {  	v13 =	vmax.f32 v14, v13;
	v14 =	vld [tilespmem:s16+$0x30]  }
0x269: {  	v19 =	vmax.f32 v13, v21;
	v13 =	vld [tilespmem:s16+$0x70];
	s16 =	sadd.s32 $0x100, s16  }
0x26a: {  	v5 =	vmax.f32 v19, v5  }
0x26b: {  	v9 =	vmax.f32 v9, v15;
	v11 =	vmax.f32 v11, v16;
	v12 =	vmax.f32 v12, v18  }
0x26c: {  	v8 =	vmax.f32 v9, v8;
	v62 =	vmax.f32 v11, v10;
	v63 =	vmax.f32 v12, v17  }
0x26d: {  	v6 =	vmax.f32 v8, v6;
	v7 =	vmax.f32 v62, v7;
	v8 =	vmax.f32 v63, v14  }
0x26e: {  	s15 =	simm.s32 $0x185C;
	s16 =	simm.s32 $0x18630;
	v3 =	vmax.f32 v6, v3;
	v4 =	vmax.f32 v7, v4;
	v6 =	vmax.f32 v8, v13  }
.LBB2_30:
0x26f: {  	v7 =	vld [tilespmem:s16+$0xFFFFFFD0]  }
0x270: {  	v8 =	vld [tilespmem:s16+$0xFFFFFFE0]  }
0x271: {  	v9 =	vld [tilespmem:s16+$0xFFFFFFF0];
	s15 =	sadd.s32 $0x4, s15  }
0x272: {  	v10 =	vld [tilespmem:s16+$0x0];
	p0 =	slt.u32 s15, $0x1864  }
.Ltmp14:
0x273: {  	_ = 	snop;
	(pc) =	sbr.rel @p0 .LBB2_30-.Ltmp14, $3  }
0x274: {  	_ =	sdelay $0x1  }
0x275: {  	v5 =	vmax.f32 v5, v7  }
0x276: {  	s16 =	sadd.s32 $0x40, s16;
	v3 =	vmax.f32 v3, v8;
	v4 =	vmax.f32 v4, v9;
	v6 =	vmax.f32 v6, v10  }
0x277: {  	v7 =	vld [tilespmem:$0x18680];
	s15 =	simm.s32 $0x18720  }
0x278: {  	v8 =	vld [tilespmem:$0x18690];
	[tilespmem:s15+$0xFFFFFFE0] =	vst v1  }
0x279: {  	[tilespmem:s15+$0x10] =	vst v1  }
0x27a: {  	s16 =	simm.s32 $0x0;
	[tilespmem:s15+$0x0] =	vst v1  }
.LBB2_32:
0x27b: {  	s16 =	sadd.s32 $0x4, s16  }
0x27c: {  	[tilespmem:s15+$0xFFFFFFF0] =	vst v1;
	s15 =	sadd.s32 $0x40, s15;
	p0 =	slt.u32 s16, $0xFC  }
.Ltmp15:
0x27d: {  	[tilespmem:s15+$0xFFFFFFE0] =	vst v1;
	(pc) =	sbr.rel @p0 .LBB2_32-.Ltmp15, $3  }
0x27e: {  	_ =	sdelay $0x1  }
0x27f: {  	[tilespmem:s15+$0x10] =	vst v1  }
0x280: {  	[tilespmem:s15+$0x0] =	vst v1  }
0x281: {  	v7 =	vmax.f32 v7, v8;
	v4 =	vmax.f32 v4, v6  }
0x282: {  	v3 =	vmax.f32 v5, v3;
	v4 =	vmax.f32 v4, v7  }
0x283: {  	v3 =	vmax.f32 v3, v4  }
0x284: {  	(xrf0) =	vmax.scan.msk.f32 $0xffff, v3;
	_ =	sdelay $0x2  }
0x285: {  	[tilespmem:s15+$0xFFFFFFF0] =	vst v1;
	s17 =	simm.s32 $0x40  }
0x286: {  	v4 =	vld [tilespmem:s17+$0xFFFFFFC0];
	_ =	sdelay $0x1  }
0x287: {  	v3, _, _ =	vpop (xrf0)  }
0x288: {  	v3 =	vbroadcast v3, $0xF;
	_ =	sdelay $0x1  }
0x289: {  	v4 =	vsub.f32 v4, v3;
	_ =	sdelay $0x1  }
0x28a: {  	v4 =	vmul.f32 $1.250000000e+00, v4;
	_ =	sdelay $0x1  }
0x28b: {  	v4 =	vmul.f32 $1.442695020e+00, v4;
	_ =	sdelay $0x1  }
0x28c: {  	(erf) = vpow2.f32 v4;
	v4 =	vld [tilespmem:s17+$0x20]  }
0x28d: {  	v5 =	vld [tilespmem:s17+$0x0]  }
0x28e: {  	s15 =	simm.s32 $0xC0;
	v6 =	vld [tilespmem:s17+$0xFFFFFFE0]  }
0x28f: {  	v7 =	vld [tilespmem:s15+$0xFFFFFFC0];
	_ =	sdelay $0x1  }
0x290: {  	v4 =	vsub.f32 v4, v3  }
0x291: {  	v5 =	vsub.f32 v5, v3  }
0x292: {  	v6 =	vsub.f32 v6, v3;
	v4 =	vmul.f32 $1.250000000e+00, v4  }
0x293: {  	v7 =	vsub.f32 v7, v3;
	v5 =	vmul.f32 $1.250000000e+00, v5  }
0x294: {  	v6 =	vmul.f32 $1.250000000e+00, v6;
	v4 =	vmul.f32 $1.442695020e+00, v4  }
0x295: {  	v7 =	vmul.f32 $1.250000000e+00, v7;
	v5 =	vmul.f32 $1.442695020e+00, v5;
	v8 =	vpop (erf)  }
0x296: {  	v9 =	vshrl.u32 v8, $0x12;
	(erf) = vpow2.f32 v4;
	v4 =	vmul.f32 $1.442695020e+00, v6  }
0x297: {  	v6 =	vmul.f32 $1.442695020e+00, v7;
	(erf) = vpow2.f32 v5  }
0x298: {  	v5 =	vld [tilespmem:s15+$0x20];
	(erf) = vpow2.f32 v4  }
0x299: {  	v10 =	vld [tilespmem:s15+$0x0];
	(erf) = vpow2.f32 v6  }
0x29a: {  	[tilespmem:s17+$0xFFFFFFC0] =	vst v8;
	v7 =	vld [tilespmem:s15+$0xFFFFFFE0]  }
0x29b: {  	[tilespmem:v9+s10+$0x0] =	vst.idx.add.f32.msk $0xffff, v8  }
0x29c: {  	s16 =	simm.s32 $0x140;
	v4 =	vld [tilespmem:s17+$0xFFFFFFD0]  }
0x29d: {  	v8 =	vld [tilespmem:s16+$0xFFFFFFC0];
	v5 =	vsub.f32 v5, v3  }
0x29e: {  	v6 =	vsub.f32 v10, v3  }
0x29f: {  	v5 =	vmul.f32 $1.250000000e+00, v5;
	v9 =	vpop (erf)  }
0x2a0: {  	v7 =	vsub.f32 v7, v3;
	v6 =	vmul.f32 $1.250000000e+00, v6;
	v11 =	vpop (erf)  }
0x2a1: {  	v4 =	vsub.f32 v4, v3;
	v10 =	vshrl.u32 v9, $0x12;
	v5 =	vmul.f32 $1.442695020e+00, v5;
	v12 =	vpop (erf)  }
0x2a2: {  	v7 =	vmul.f32 $1.250000000e+00, v7;
	v6 =	vmul.f32 $1.442695020e+00, v6;
	v8 =	vsub.f32 v8, v3;
	v13 =	vpop (erf)  }
0x2a3: {  	v4 =	vmul.f32 $1.250000000e+00, v4;
	(erf) = vpow2.f32 v5;
	v14 =	vshrl.u32 v13, $0x12  }
0x2a4: {  	v8 =	vmul.f32 $1.250000000e+00, v8;
	v5 =	vld [tilespmem:s16+$0x0];
	(erf) = vpow2.f32 v6  }
0x2a5: {  	[tilespmem:s17+$0x20] =	vst v9;
	v6 =	vmul.f32 $1.442695020e+00, v7;
	v7 =	vld [tilespmem:s16+$0x20];
	v4 =	vmul.f32 $1.442695020e+00, v4  }
0x2a6: {  	v15 =	vshrl.u32 v12, $0x12;
	[tilespmem:v10+s10+$0x0] =	vst.idx.add.f32.msk $0xffff, v9  }
0x2a7: {  	[tilespmem:s15+$0xFFFFFFC0] =	vst v13;
	v9 =	vld [tilespmem:s16+$0xFFFFFFE0];
	(erf) = vpow2.f32 v4;
	v4 =	vmul.f32 $1.442695020e+00, v8  }
0x2a8: {  	(erf) = vpow2.f32 v6;
	[tilespmem:v14+s10+$0x0] =	vst.idx.add.f32.msk $0xffff, v13  }
0x2a9: {  	(erf) = vpow2.f32 v4;
	v8 =	vld [tilespmem:s15+$0xFFFFFFD0]  }
0x2aa: {  	[tilespmem:s17+$0xFFFFFFE0] =	vst v12;
	v6 =	vld [tilespmem:s17+$0x30];
	v4 =	vsub.f32 v7, v3  }
0x2ab: {  	s19 =	simm.s32 $0x1C0;
	[tilespmem:v15+s10+$0x0] =	vst.idx.add.f32.msk $0xffff, v12;
	v5 =	vsub.f32 v5, v3;
	v7 =	vshrl.u32 v11, $0x12  }
0x2ac: {  	v14 =	vld [tilespmem:s19+$0xFFFFFFC0];
	v10 =	vmul.f32 $1.250000000e+00, v4;
	v13 =	vpop (erf)  }
0x2ad: {  	v12 =	vld [tilespmem:s17+$0xFFFFFFF0];
	v5 =	vmul.f32 $1.250000000e+00, v5;
	v15 =	vshrl.u32 v13, $0x12  }
0x2ae: {  	v10 =	vmul.f32 $1.442695020e+00, v10;
	v8 =	vsub.f32 v8, v3  }
0x2af: {  	[tilespmem:s17+$0x0] =	vst v11;
	v9 =	vsub.f32 v9, v3;
	v5 =	vmul.f32 $1.442695020e+00, v5;
	v4 =	vpop (erf)  }
0x2b0: {  	v6 =	vsub.f32 v6, v3;
	[tilespmem:v7+s10+$0x0] =	vst.idx.add.f32.msk $0xffff, v11;
	v16 =	vpop (erf);
	(erf) = vpow2.f32 v10;
	v7 =	vmul.f32 $1.250000000e+00, v8  }
0x2b1: {  	v9 =	vmul.f32 $1.250000000e+00, v9;
	[tilespmem:s15+$0x20] =	vst v13;
	v11 =	vsub.f32 v14, v3;
	v10 =	vld [tilespmem:s17+$0x10];
	v17 =	vpop (erf);
	(erf) = vpow2.f32 v5  }
0x2b2: {  	v5 =	vmul.f32 $1.250000000e+00, v6;
	v6 =	vsub.f32 v12, v3;
	v12 =	vpop (erf);
	[tilespmem:v15+s10+$0x0] =	vst.idx.add.f32.msk $0xffff, v13;
	v13 =	vmul.f32 $1.442695020e+00, v7  }
0x2b3: {  	v9 =	vmul.f32 $1.442695020e+00, v9;
	v11 =	vmul.f32 $1.250000000e+00, v11;
	v14 =	vshrl.u32 v12, $0x12  }
0x2b4: {  	v19 =	vld [tilespmem:s19+$0x0];
	v6 =	vmul.f32 $1.250000000e+00, v6;
	(erf) = vpow2.f32 v13  }
0x2b5: {  	[tilespmem:s15+$0x0] =	vst v4;
	v8 =	vshrl.u32 v17, $0x12;
	v15 =	vld [tilespmem:s19+$0x20];
	v5 =	vmul.f32 $1.442695020e+00, v5;
	(erf) = vpow2.f32 v9  }
0x2b6: {  	v18 =	vshrl.u32 v16, $0x12;
	[tilespmem:s17+$0xFFFFFFD0] =	vst v16;
	v7 =	vld [tilespmem:s19+$0xFFFFFFE0];
	v9 =	vsub.f32 v10, v3;
	v10 =	vmul.f32 $1.442695020e+00, v11  }
0x2b7: {  	[tilespmem:s16+$0xFFFFFFC0] =	vst v12;
	v6 =	vmul.f32 $1.442695020e+00, v6;
	(erf) = vpow2.f32 v5;
	v5 =	vld [tilespmem:s15+$0x30]  }
0x2b8: {  	(erf) = vpow2.f32 v10;
	v9 =	vmul.f32 $1.250000000e+00, v9;
	[tilespmem:v14+s10+$0x0] =	vst.idx.add.f32.msk $0xffff, v12  }
0x2b9: {  	[tilespmem:s15+$0xFFFFFFE0] =	vst v17;
	(erf) = vpow2.f32 v6;
	v11 =	vld [tilespmem:s16+$0xFFFFFFD0]  }
0x2ba: {  	[tilespmem:v8+s10+$0x0] =	vst.idx.add.f32.msk $0xffff, v17;
	v12 =	vsub.f32 v15, v3;
	v10 =	vshrl.u32 v4, $0x12;
	v8 =	vpop (erf);
	v13 =	vmul.f32 $1.442695020e+00, v9  }
0x2bb: {  	s20 =	simm.s32 $0x18;
	s18 =	simm.s32 $0x1C0;
	[tilespmem:v18+s10+$0x0] =	vst.idx.add.f32.msk $0xffff, v16;
	v14 =	vsub.f32 v19, v3;
	v9 =	vshrl.u32 v8, $0x12;
	v6 =	vpop (erf)  }
.LBB2_34:
0x2bc: {  	s20 =	sadd.s32 $0x8, s20;
	v7 =	vsub.f32 v7, v3;
	v12 =	vmul.f32 $1.250000000e+00, v12;
	s19 =	sadd.s32 $0x80, s19;
	[tilespmem:s16+$0x0] =	vst v6;
	v15 =	vld [tilespmem:s15+$0xFFFFFFF0];
	(erf) = vpow2.f32 v13  }
0x2bd: {  	v5 =	vsub.f32 v5, v3;
	v13 =	vld [tilespmem:s19+$0xFFFFFFC0];
	p0 =	slt.u32 s20, $0x1860;
	v14 =	vmul.f32 $1.250000000e+00, v14;
	[tilespmem:s16+$0x20] =	vst v8;
	v16 =	vpop (erf)  }
0x2be: {  	v17 =	vld [tilespmem:s19+$0x0];
	v12 =	vmul.f32 $1.442695020e+00, v12;
	v11 =	vsub.f32 v11, v3;
	v18 =	vpop (erf);
	[tilespmem:s15+$0xFFFFFFD0] =	vst v16;
	v19 =	vshrl.u32 v16, $0x12  }
0x2bf: {  	v20 =	vmul.f32 $1.250000000e+00, v7;
	v23 =	vmul.f32 $1.442695020e+00, v14;
	[tilespmem:v10+s10+$0x0] =	vst.idx.add.f32.msk $0xffff, v4;
	v4 =	vmov v6  }
0x2c0: {  	v5 =	vmul.f32 $1.250000000e+00, v5;
	v10 =	vshrl.u32 v18, $0x12;
	v6 =	vmul.f32 $1.250000000e+00, v11;
	[tilespmem:s16+$0xFFFFFFE0] =	vst v18;
	v11 =	vld [tilespmem:s15+$0x10];
	v21 =	vpop (erf)  }
0x2c1: {  	v22 =	vpop (erf);
	(erf) = vpow2.f32 v12;
	[tilespmem:v9+s10+$0x0] =	vst.idx.add.f32.msk $0xffff, v8;
	v8 =	vsub.f32 v15, v3;
	v9 =	vshrl.u32 v21, $0x12  }
0x2c2: {  	v12 =	vsub.f32 v13, v3;
	v7 =	vld [tilespmem:s19+$0xFFFFFFE0];
	[tilespmem:s18+$0xFFFFFFC0] =	vst v22;
	(erf) = vpow2.f32 v23;
	v6 =	vmul.f32 $1.442695020e+00, v6;
	v14 =	vpop (erf)  }
0x2c3: {  	v20 =	vmul.f32 $1.442695020e+00, v20;
	v13 =	vshrl.u32 v22, $0x12;
	[tilespmem:v19+s10+$0x0] =	vst.idx.add.f32.msk $0xffff, v16;
	v8 =	vmul.f32 $1.250000000e+00, v8  }
0x2c4: {  	v12 =	vmul.f32 $1.250000000e+00, v12;
	v16 =	vld [tilespmem:s19+$0x20];
	(erf) = vpow2.f32 v6;
	[tilespmem:s17+$0xFFFFFFF0] =	vst v14;
	v6 =	vshrl.u32 v14, $0x12  }
0x2c5: {  	(erf) = vpow2.f32 v20;
	[tilespmem:v10+s10+$0x0] =	vst.idx.add.f32.msk $0xffff, v18;
	v10 =	vsub.f32 v11, v3;
	v11 =	vmul.f32 $1.442695020e+00, v5;
	v15 =	vpop (erf)  }
0x2c6: {  	v12 =	vmul.f32 $1.442695020e+00, v12;
	v5 =	vld [tilespmem:s16+$0x30];
	v18 =	vshrl.u32 v15, $0x12;
	[tilespmem:s17+$0x30] =	vst v21  }
.Ltmp16:
0x2c7: {  	v19 =	vmul.f32 $1.442695020e+00, v8;
	(erf) = vpow2.f32 v11;
	[tilespmem:v9+s10+$0x0] =	vst.idx.add.f32.msk $0xffff, v21;
	(pc) =	sbr.rel @p0 .LBB2_34-.Ltmp16, $4  }
0x2c8: {  	v9 =	vmul.f32 $1.250000000e+00, v10;
	(erf) = vpow2.f32 v12;
	[tilespmem:v13+s10+$0x0] =	vst.idx.add.f32.msk $0xffff, v22  }
0x2c9: {  	v11 =	vld [tilespmem:s18+$0xFFFFFFD0];
	(erf) = vpow2.f32 v19;
	[tilespmem:s17+$0x10] =	vst v15;
	s17 =	smov.u32 s15;
	s15 =	smov.u32 s16;
	s16 =	smov.u32 s18  }
0x2ca: {  	v10 =	vshrl.u32 v4, $0x12;
	v12 =	vsub.f32 v16, v3;
	v13 =	vmul.f32 $1.442695020e+00, v9;
	s18 =	smov.u32 s19;
	v8 =	vpop (erf);
	[tilespmem:v6+s10+$0x0] =	vst.idx.add.f32.msk $0xffff, v14  }
0x2cb: {  	v14 =	vsub.f32 v17, v3;
	v9 =	vshrl.u32 v8, $0x12;
	v6 =	vpop (erf);
	[tilespmem:v18+s10+$0x0] =	vst.idx.add.f32.msk $0xffff, v15  }
0x2cc: {  	_ =	sdelay $0x1  }
0x2cd: {  	v11 =	vsub.f32 v11, v3;
	_ =	sdelay $0x1  }
0x2ce: {  	v12 =	vmul.f32 $1.250000000e+00, v12;
	v11 =	vmul.f32 $1.250000000e+00, v11  }
0x2cf: {  	v7 =	vsub.f32 v7, v3;
	(erf) = vpow2.f32 v13;
	v50 =	vmul.f32 $1.250000000e+00, v14  }
0x2d0: {  	v12 =	vmul.f32 $1.442695020e+00, v12;
	v11 =	vmul.f32 $1.442695020e+00, v11  }
0x2d1: {  	v51 =	vpop (erf);
	v7 =	vmul.f32 $1.250000000e+00, v7;
	v13 =	vmul.f32 $1.442695020e+00, v50  }
0x2d2: {  	v52 =	vpop (erf);
	(erf) = vpow2.f32 v12  }
0x2d3: {  	v7 =	vmul.f32 $1.442695020e+00, v7;
	v53 =	vpop (erf);
	(erf) = vpow2.f32 v13  }
0x2d4: {  	(erf) = vpow2.f32 v11;
	v11 =	vpop (erf)  }
0x2d5: {  	[tilespmem:s16+$0x20] =	vst v8;
	(erf) = vpow2.f32 v7;
	v7 =	vshrl.u32 v11, $0x12  }
0x2d6: {  	[tilespmem:v10+s10+$0x0] =	vst.idx.add.f32.msk $0xffff, v4  }
0x2d7: {  	v15 =	vld [tilespmem:s15+$0xFFFFFFF0];
	[tilespmem:s16+$0x0] =	vst v6  }
0x2d8: {  	[tilespmem:v9+s10+$0x0] =	vst.idx.add.f32.msk $0xffff, v8;
	v4 =	vshrl.u32 v52, $0x12  }
0x2d9: {  	v5 =	vsub.f32 v5, v3;
	v17 =	vshrl.u32 v6, $0x12;
	v9 =	vld [tilespmem:s15+$0x10];
	[tilespmem:s18+$0xFFFFFFC0] =	vst v11  }
0x2da: {  	v16 =	vshrl.u32 v51, $0x12;
	v8 =	vpop (erf);
	[tilespmem:v7+s10+$0x0] =	vst.idx.add.f32.msk $0xffff, v11  }
0x2db: {  	[tilespmem:s15+$0xFFFFFFD0] =	vst v51;
	v5 =	vmul.f32 $1.250000000e+00, v5;
	v10 =	vpop (erf);
	v11 =	vld [tilespmem:s18+$0xFFFFFFD0]  }
0x2dc: {  	v56 =	vld [tilespmem:s16+$0x30];
	[tilespmem:s16+$0xFFFFFFE0] =	vst v52;
	v7 =	vpop (erf)  }
0x2dd: {  	v5 =	vmul.f32 $1.442695020e+00, v5;
	v15 =	vsub.f32 v15, v3;
	[tilespmem:v4+s10+$0x0] =	vst.idx.add.f32.msk $0xffff, v52;
	v18 =	vpop (erf);
	v4 =	vshrl.u32 v7, $0x12  }
0x2de: {  	[tilespmem:v17+s10+$0x0] =	vst.idx.add.f32.msk $0xffff, v6;
	v9 =	vsub.f32 v9, v3;
	v54 =	vpop (erf)  }
0x2df: {  	[tilespmem:v16+s10+$0x0] =	vst.idx.add.f32.msk $0xffff, v51;
	v15 =	vmul.f32 $1.250000000e+00, v15;
	v57 =	vshrl.u32 v18, $0x12;
	v55 =	vpop (erf);
	(erf) = vpow2.f32 v5  }
0x2e0: {  	v20 =	vld [tilespmem:s16+$0xFFFFFFF0];
	[tilespmem:s18+$0x20] =	vst v7;
	v5 =	vmul.f32 $1.250000000e+00, v9;
	v19 =	vshrl.u32 v55, $0x12;
	v9 =	vsub.f32 v11, v3  }
0x2e1: {  	v6 =	vmul.f32 $1.442695020e+00, v15;
	[tilespmem:s18+$0x0] =	vst v18;
	v11 =	vld [tilespmem:s16+$0x10]  }
0x2e2: {  	v5 =	vmul.f32 $1.442695020e+00, v5;
	[tilespmem:v4+s10+$0x0] =	vst.idx.add.f32.msk $0xffff, v7;
	v9 =	vmul.f32 $1.250000000e+00, v9  }
0x2e3: {  	[tilespmem:s18+$0xFFFFFFE0] =	vst v55;
	(erf) = vpow2.f32 v6;
	v6 =	vsub.f32 v56, v3;
	v4 =	vshrl.u32 v53, $0x12;
	v7 =	vld [tilespmem:s18+$0x30]  }
0x2e4: {  	(erf) = vpow2.f32 v5;
	[tilespmem:v57+s10+$0x0] =	vst.idx.add.f32.msk $0xffff, v18;
	v5 =	vmul.f32 $1.442695020e+00, v9  }
0x2e5: {  	v60 =	vshrl.u32 v10, $0x12;
	v58 =	vsub.f32 v20, v3;
	v6 =	vmul.f32 $1.250000000e+00, v6;
	[tilespmem:v19+s10+$0x0] =	vst.idx.add.f32.msk $0xffff, v55  }
0x2e6: {  	[tilespmem:s17+$0x30] =	vst v53;
	v9 =	vshrl.u32 v8, $0x12;
	v59 =	vld [tilespmem:s18+$0xFFFFFFF0];
	(erf) = vpow2.f32 v5;
	v5 =	vsub.f32 v11, v3  }
0x2e7: {  	[tilespmem:s17+$0xFFFFFFF0] =	vst v8;
	v6 =	vmul.f32 $1.442695020e+00, v6;
	v61 =	vld [tilespmem:s18+$0x10];
	v11 =	vmul.f32 $1.250000000e+00, v58  }
0x2e8: {  	[tilespmem:v4+s10+$0x0] =	vst.idx.add.f32.msk $0xffff, v53;
	v4 =	vshrl.u32 v54, $0x12;
	v5 =	vmul.f32 $1.250000000e+00, v5  }
0x2e9: {  	[tilespmem:s17+$0x10] =	vst v10;
	(erf) = vpow2.f32 v6;
	v11 =	vmul.f32 $1.442695020e+00, v11  }
0x2ea: {  	[tilespmem:v60+s10+$0x0] =	vst.idx.add.f32.msk $0xffff, v10;
	v62 =	vpop (erf);
	v6 =	vsub.f32 v7, v3;
	v5 =	vmul.f32 $1.442695020e+00, v5  }
0x2eb: {  	v7 =	vshrl.u32 v62, $0x12;
	[tilespmem:v9+s10+$0x0] =	vst.idx.add.f32.msk $0xffff, v8;
	v8 =	vsub.f32 v59, v3;
	(erf) = vpow2.f32 v11  }
0x2ec: {  	[tilespmem:s16+$0xFFFFFFD0] =	vst v54;
	v6 =	vmul.f32 $1.250000000e+00, v6;
	v9 =	vpop (erf);
	(erf) = vpow2.f32 v5;
	v5 =	vsub.f32 v61, v3  }
0x2ed: {  	[tilespmem:v4+s10+$0x0] =	vst.idx.add.f32.msk $0xffff, v54;
	v4 =	vshrl.u32 v9, $0x12;
	v10 =	vpop (erf);
	v8 =	vmul.f32 $1.250000000e+00, v8  }
0x2ee: {  	[tilespmem:s15+$0x30] =	vst v62;
	v6 =	vmul.f32 $1.442695020e+00, v6;
	v11 =	vshrl.u32 v10, $0x12;
	v5 =	vmul.f32 $1.250000000e+00, v5  }
0x2ef: {  	[tilespmem:s15+$0xFFFFFFF0] =	vst v9;
	v8 =	vmul.f32 $1.442695020e+00, v8;
	v63 =	vpop (erf)  }
0x2f0: {  	[tilespmem:s15+$0x10] =	vst v10;
	(erf) = vpow2.f32 v6;
	v6 =	vshrl.u32 v63, $0x12;
	v5 =	vmul.f32 $1.442695020e+00, v5  }
0x2f1: {  	[tilespmem:v7+s10+$0x0] =	vst.idx.add.f32.msk $0xffff, v62;
	(erf) = vpow2.f32 v8  }
0x2f2: {  	[tilespmem:v4+s10+$0x0] =	vst.idx.add.f32.msk $0xffff, v9;
	v4 =	vpop (erf);
	(erf) = vpow2.f32 v5  }
0x2f3: {  	[tilespmem:v11+s10+$0x0] =	vst.idx.add.f32.msk $0xffff, v10  }
0x2f4: {  	[tilespmem:s18+$0xFFFFFFD0] =	vst v63;
	v5 =	vshrl.u32 v4, $0x12;
	v7 =	vpop (erf)  }
0x2f5: {  	[tilespmem:v6+s10+$0x0] =	vst.idx.add.f32.msk $0xffff, v63;
	v6 =	vshrl.u32 v7, $0x12;
	v8 =	vpop (erf)  }
0x2f6: {  	[tilespmem:s16+$0x30] =	vst v4;
	v9 =	vshrl.u32 v8, $0x12  }
0x2f7: {  	[tilespmem:s16+$0xFFFFFFF0] =	vst v7  }
0x2f8: {  	[tilespmem:s16+$0x10] =	vst v8  }
0x2f9: {  	[tilespmem:v5+s10+$0x0] =	vst.idx.add.f32.msk $0xffff, v4;
	v4 =	vpop (erf)  }
0x2fa: {  	v5 =	vshrl.u32 v4, $0x12;
	[tilespmem:v6+s10+$0x0] =	vst.idx.add.f32.msk $0xffff, v7;
	v6 =	vpop (erf)  }
0x2fb: {  	[tilespmem:v9+s10+$0x0] =	vst.idx.add.f32.msk $0xffff, v8;
	v7 =	vshrl.u32 v6, $0x12;
	v8 =	vpop (erf)  }
0x2fc: {  	[tilespmem:s18+$0x30] =	vst v4;
	v9 =	vshrl.u32 v8, $0x12  }
0x2fd: {  	[tilespmem:s18+$0xFFFFFFF0] =	vst v6  }
0x2fe: {  	[tilespmem:s18+$0x10] =	vst v8  }
0x2ff: {  	[tilespmem:v5+s10+$0x0] =	vst.idx.add.f32.msk $0xffff, v4  }
0x300: {  	[tilespmem:v7+s10+$0x0] =	vst.idx.add.f32.msk $0xffff, v6  }
0x301: {  	[tilespmem:v9+s10+$0x0] =	vst.idx.add.f32.msk $0xffff, v8  }
0x302: {  	v4 =	vld [tilespmem:$0x18680];
	_ =	sdelay $0x4  }
0x303: {  	v4 =	vsub.f32 v4, v3;
	_ =	sdelay $0x1  }
0x304: {  	v4 =	vmul.f32 $1.250000000e+00, v4;
	_ =	sdelay $0x1  }
0x305: {  	v4 =	vmul.f32 $1.442695020e+00, v4;
	_ =	sdelay $0x1  }
0x306: {  	(erf) = vpow2.f32 v4;
	_ =	sdelay $0x8  }
0x307: {  	v4 =	vpop (erf)  }
0x308: {  	v5 =	vshrl.u32 v4, $0x12;
	_ =	sdelay $0x3  }
0x309: {  	[tilespmem:$0x18680] =	vst v4  }
0x30a: {  	[tilespmem:v5+s10+$0x0] =	vst.idx.add.f32.msk $0xffff, v4  }
0x30b: {  	v4 =	vld [tilespmem:$0x18690];
	_ =	sdelay $0x4  }
0x30c: {  	v3 =	vsub.f32 v4, v3;
	_ =	sdelay $0x1  }
0x30d: {  	v3 =	vmul.f32 $1.250000000e+00, v3;
	_ =	sdelay $0x1  }
0x30e: {  	v3 =	vmul.f32 $1.442695020e+00, v3;
	_ =	sdelay $0x1  }
0x30f: {  	(erf) = vpow2.f32 v3;
	_ =	sdelay $0x8  }
0x310: {  	v3 =	vpop (erf)  }
0x311: {  	v4 =	vshrl.u32 v3, $0x12;
	_ =	sdelay $0x3  }
0x312: {  	[tilespmem:$0x18690] =	vst v3  }
0x313: {  	s31 =	simm.s32 $0x18740;
	[tilespmem:v4+s10+$0x0] =	vst.idx.add.f32.msk $0xffff, v3  }
0x314: {  	v8 =	vld [tilespmem:s31+$0xFFFFFFC0]  }
0x315: {  	v10 =	vld [tilespmem:s31+$0xFFFFFFD0]  }
0x316: {  	v4 =	vld [tilespmem:s31+$0xFFFFFFE0]  }
0x317: {  	v7 =	vld [tilespmem:s31+$0xFFFFFFF0]  }
0x318: {  	v3 =	vld [tilespmem:s31+$0x0]  }
0x319: {  	v11 =	vimm.f32 $0.0e+00;
	v5 =	vld [tilespmem:s31+$0x10]  }
0x31a: {  	v6 =	vld [tilespmem:s31+$0x20];
	v9 =	vadd.f32 v8, v11;
	v10 =	vadd.f32 v10, v11  }
0x31b: {  	s15 =	simm.s32 $0x0;
	s16 =	simm.s32 $0x187C0;
	v8 =	vld [tilespmem:s31+$0x30]  }
.LBB2_36:
0x31c: {  	v11 =	vld [tilespmem:s16+$0xFFFFFFC0];
	v9 =	vadd.f32 v4, v9;
	v7 =	vadd.f32 v7, v10  }
0x31d: {  	s15 =	sadd.s32 $0x8, s15;
	v10 =	vld [tilespmem:s16+$0xFFFFFFD0]  }
0x31e: {  	p0 =	slt.u32 s15, $0xF8;
	v4 =	vld [tilespmem:s16+$0xFFFFFFE0];
	v9 =	vadd.f32 v3, v9;
	v5 =	vadd.f32 v5, v7  }
.Ltmp17:
0x31f: {  	v7 =	vld [tilespmem:s16+$0xFFFFFFF0];
	(pc) =	sbr.rel @p0 .LBB2_36-.Ltmp17, $4  }
0x320: {  	v3 =	vld [tilespmem:s16+$0x0];
	v6 =	vadd.f32 v6, v9;
	v8 =	vadd.f32 v8, v5  }
0x321: {  	v5 =	vld [tilespmem:s16+$0x10]  }
0x322: {  	v9 =	vadd.f32 v11, v6;
	v10 =	vadd.f32 v10, v8;
	v6 =	vld [tilespmem:s16+$0x20]  }
0x323: {  	v8 =	vld [tilespmem:s16+$0x30];
	s16 =	sadd.s32 $0x80, s16  }
0x324: {  	v4 =	vadd.f32 v4, v9;
	v7 =	vadd.f32 v7, v10;
	_ =	sdelay $0x1  }
0x325: {  	v3 =	vadd.f32 v3, v4;
	v63 =	vadd.f32 v5, v7;
	_ =	sdelay $0x1  }
0x326: {  	v3 =	vadd.f32 v6, v3;
	v4 =	vadd.f32 v8, v63;
	_ =	sdelay $0x1  }
0x327: {  	v3 =	vadd.f32 v4, v3;
	_ =	sdelay $0x1  }
0x328: {  	(xrf2) =	vadd.scan.msk.f32 $0xffff, v3;
	_ =	sdelay $0x9  }
0x329: {  	v3, _, _ =	vpop (xrf2)  }
0x32a: {  	(v2sf) =	vpush v3, $0xF;
	_ =	sdelay $0xe  }
0x32b: {  	s15 =	spop (v2sf)  }
0x32c: {  	s16 =	simm.s32 $0x0;
	s18 =	simm.f32 $0.0e+00;
	s15 =	smul.f32 $9.499999880e-01, s15  }
.LBB2_38:
0x32d: {  	s17 =	sshll.u32 s16, $0x4  }
0x32e: {  	s17 =	ssub.s32 $0x196F0, s17  }
0x32f: {  	v3 =	vld [tilespmem:s17+$0x0];
	_ =	sdelay $0x4  }
0x330: {  	(xrf2) =	vadd.scan.msk.f32 $0xffff, v3;
	_ =	sdelay $0x9  }
0x331: {  	v3, _, _ =	vpop (xrf2)  }
0x332: {  	(v2sf) =	vpush v3, $0xF;
	_ =	sdelay $0xe  }
0x333: {  	s31 =	spop (v2sf)  }
0x334: {  	s17 =	sadd.f32 s31, s18;
	_ =	sdelay $0x1  }
0x335: {  	p0 =	sgt.f32 s17, s15;
	_ =	sdelay $0x1  }
0x336: {  	s19 =	smov.u32 s18;
	s18 =	simm.s32 $0x1;
	p1 =	por !p0, !p0  }
0x337: {  	s18 =	simm.s32 @!p1 $0x0  }
0x338: {  	s16 =	sadd.s32 s18, s16  }
0x339: {  	p1 =	sgt.u32 s16, $0xFF  }
0x33a: {  	p2 =	sgt.f32 @!p1 s17, s15;
	_ =	sdelay $0x1  }
0x33b: {  	p1 =	por p1, p2  }
.Ltmp18:
0x33c: {  	_ = 	snop;
	(pc) =	sbr.rel @!p1 .LBB2_38-.Ltmp18, $3  }
0x33d: {  	_ =	sdelay $0x1  }
0x33e: {  	s18 =	smov.u32 s17  }
0x33f: {  	s18 =	smov.u32 @p0 s19  }
0x340: {  	s16 =	sshll.u32 s16, $0x4  }
0x341: {  	s16 =	ssub.s32 $0xFF0, s16  }
0x342: {  	s16 =	simm.s32 @!p0 $0x0  }
0x343: {  	v3 =	vld [tilespmem:s16+$0x18700];
	_ =	sdelay $0x4  }
0x344: {  	v4 =	vperm.xlane v3, v2;
	_ =	sdelay $0x1  }
0x345: {  	(xrf2) =	vadd.scan.msk.f32 $0xffff, v4;
	_ =	sdelay $0x9  }
0x346: {  	v3, _, _ =	vpop (xrf2)  }
0x347: {  	v6 =	vadd.f32 s18, v3;
	s18 =	simm.s32 $0x19720  }
0x348: {  	v5 =	vld [tilespmem:$0x18700];
	[tilespmem:s18+$0xFFFFFFE0] =	vst v1  }
0x349: {  	[tilespmem:s18+$0x10] =	vst v1;
	vm1 =	vgt.f32 v6, s15  }
0x34a: {  	s19 =	simm.s32 $0x0;
	v3 =	vmov s15;
	[tilespmem:s18+$0x0] =	vst v1;
	v7 =	vmctz.xlane vm1  }
.LBB2_40:
0x34b: {  	s19 =	sadd.s32 $0x4, s19  }
0x34c: {  	[tilespmem:s18+$0xFFFFFFF0] =	vst v1;
	s18 =	sadd.s32 $0x40, s18;
	p1 =	slt.u32 s19, $0x1C  }
.Ltmp19:
0x34d: {  	[tilespmem:s18+$0xFFFFFFE0] =	vst v1;
	(pc) =	sbr.rel @p1 .LBB2_40-.Ltmp19, $3  }
0x34e: {  	_ =	sdelay $0x1  }
0x34f: {  	[tilespmem:s18+$0x10] =	vst v1  }
0x350: {  	[tilespmem:s18+$0x0] =	vst v1  }
0x351: {  	vm1 =	vgt.f32 v6, v3  }
0x352: {  	v8 =	vsel vm1, $0x3F800000, v1  }
0x353: {  	v7 =	vxor.u32 $0x80000000, v7;
	(xrf0) =	vmax.scan.msk.f32 $0xffff, v8  }
0x354: {  	(xrf0) =	vmin.scan.msk.u32 $0xffff, v7;
	_ =	sdelay $0x4  }
0x355: {  	v7, _, _ =	vpop (xrf0)  }
0x356: {  	(v2sf) =	vpush v7, $0xF;
	v7, _, _ =	vpop (xrf0)  }
0x357: {  	(v2sf) =	vpush v7, $0xF;
	_ =	sdelay $0xd  }
0x358: {  	[tilespmem:s18+$0xFFFFFFF0] =	vst v1;
	s20 =	simm.s32 $0x40;
	s30 =	spop (v2sf)  }
0x359: {  	v8 =	vld [tilespmem:s20+$0x20];
	p1 =	sgt.f32 s30, $0.0e+00;
	s31 =	spop (v2sf)  }
0x35a: {  	v9 =	vld [tilespmem:s20+$0xFFFFFFC0];
	s18 =	sxor.u32 $0x80000000, s31  }
0x35b: {  	s16 =	sor.u32 $0xF, s16;
	s18 =	simm.s32 @!p1 $0x0  }
0x35c: {  	s16 =	ssub.s32 s16, s18  }
0x35d: {  	s16 =	simm.s32 @!p0 $0x0  }
0x35e: {  	v10 =	vshrl.u32 v8, $0x12;
	v7 =	vmov s16  }
0x35f: {  	v11 =	vshrl.u32 v9, $0x12;
	vm1 =	veq.s32 v10, v7;
	v10 =	vshrl.u32 v8, $0x9  }
0x360: {  	v13 =	vld [tilespmem:s20+$0xFFFFFFE0];
	v12 =	vshrl.u32 v9, $0x9;
	vm2 =	veq.s32 v11, v7;
	v10 =	vand.u32 $0x1FF, v10  }
0x361: {  	v11 =	vand.u32 $0x1FF, v12  }
0x362: {  	v14 =	vld [tilespmem:s20+$0x0];
	_ =	sdelay $0x2  }
0x363: {  	v12 =	vshrl.u32 v13, $0x12;
	[tilespmem:v10+s11+$0x0] =	vst.idx.add.f32.msk vm1, v8  }
0x364: {  	v8 =	vshrl.u32 v13, $0x9;
	vm1 =	veq.s32 v12, v7;
	[tilespmem:v11+s11+$0x0] =	vst.idx.add.f32.msk vm2, v9  }
0x365: {  	s19 =	simm.s32 $0xC0;
	v9 =	vshrl.u32 v14, $0x12;
	v15 =	vld [tilespmem:s20+$0x30];
	v8 =	vand.u32 $0x1FF, v8  }
0x366: {  	v16 =	vld [tilespmem:s19+$0x20];
	v10 =	vshrl.u32 v14, $0x9;
	vm2 =	veq.s32 v9, v7  }
0x367: {  	v19 =	vld [tilespmem:s19+$0xFFFFFFC0];
	v9 =	vand.u32 $0x1FF, v10  }
0x368: {  	v11 =	vld [tilespmem:s19+$0xFFFFFFE0]  }
0x369: {  	v12 =	vld [tilespmem:s19+$0x0]  }
0x36a: {  	v10 =	vshrl.u32 v15, $0x12;
	[tilespmem:v8+s11+$0x0] =	vst.idx.add.f32.msk vm1, v13  }
0x36b: {  	v17 =	vshrl.u32 v15, $0x9;
	v8 =	vld [tilespmem:s20+$0xFFFFFFD0];
	vm1 =	veq.s32 v10, v7;
	v10 =	vshrl.u32 v16, $0x12  }
0x36c: {  	v18 =	vshrl.u32 v16, $0x9;
	v13 =	vand.u32 $0x1FF, v17;
	[tilespmem:v9+s11+$0x0] =	vst.idx.add.f32.msk vm2, v14;
	vm3 =	veq.s32 v10, v7  }
0x36d: {  	v22 =	vshrl.u32 v19, $0x9;
	v20 =	vand.u32 $0x1FF, v18;
	v10 =	vld [tilespmem:s20+$0xFFFFFFF0]  }
0x36e: {  	v18 =	vshrl.u32 v19, $0x12;
	v22 =	vand.u32 $0x1FF, v22;
	v9 =	vld [tilespmem:s20+$0x10]  }
0x36f: {  	vm6 =	veq.s32 v18, v7;
	v21 =	vshrl.u32 v12, $0x12;
	v23 =	vshrl.u32 v12, $0x9  }
0x370: {  	vm5 =	veq.s32 v21, v7;
	v17 =	vshrl.u32 v11, $0x12;
	v14 =	vshrl.u32 v11, $0x9  }
0x371: {  	vm4 =	veq.s32 v17, v7;
	v18 =	vand.u32 $0x1FF, v14;
	v17 =	vand.u32 $0x1FF, v23;
	[tilespmem:v13+s11+$0x0] =	vst.idx.add.f32.msk vm1, v15  }
0x372: {  	v14 =	vshrl.u32 v8, $0x9;
	v13 =	vshrl.u32 v8, $0x12;
	v15 =	vshrl.u32 v10, $0x12;
	[tilespmem:v20+s11+$0x0] =	vst.idx.add.f32.msk vm3, v16  }
0x373: {  	v63 =	vshrl.u32 v9, $0x9;
	vm2 =	veq.s32 v13, v7;
	v13 =	vshrl.u32 v10, $0x9;
	v16 =	vld [tilespmem:s19+$0x30]  }
0x374: {  	vm3 =	veq.s32 v15, v7;
	v20 =	vshrl.u32 v9, $0x12;
	v15 =	vand.u32 $0x1FF, v14  }
0x375: {  	s21 =	simm.s32 $0x140;
	[tilespmem:v22+s11+$0x0] =	vst.idx.add.f32.msk vm6, v19;
	s20 =	simm.s32 $0x8;
	v14 =	vand.u32 $0x1FF, v13;
	vm1 =	veq.s32 v20, v7;
	v13 =	vand.u32 $0x1FF, v63  }
.LBB2_42:
0x376: {  	v19 =	vld [tilespmem:s21+$0x20];
	s20 =	sadd.s32 $0x8, s20  }
0x377: {  	v20 =	vld [tilespmem:s21+$0xFFFFFFE0];
	p1 =	slt.u32 s20, $0x1860  }
0x378: {  	v21 =	vld [tilespmem:s21+$0x0];
	v22 =	vshrl.u32 v16, $0x12  }
0x379: {  	v23 =	vld [tilespmem:s21+$0xFFFFFFC0];
	vm6 =	veq.s32 v22, v7;
	v22 =	vshrl.u32 v16, $0x9  }
0x37a: {  	[tilespmem:v18+s11+$0x0] =	vst.idx.add.f32.msk vm4, v11;
	v18 =	vand.u32 $0x1FF, v22  }
0x37b: {  	v24 =	vshrl.u32 v19, $0x12;
	[tilespmem:v17+s11+$0x0] =	vst.idx.add.f32.msk vm5, v12  }
0x37c: {  	v27 =	vshrl.u32 v19, $0x9;
	v17 =	vshrl.u32 v20, $0x12;
	vm7 =	veq.s32 v24, v7;
	v22 =	vld [tilespmem:s19+$0xFFFFFFD0];
	v11 =	vmovc v20  }
0x37d: {  	v25 =	vand.u32 $0x1FF, v27;
	v20 =	vshrl.u32 v11, $0x9;
	v24 =	vshrl.u32 v21, $0x12;
	v26 =	vld [tilespmem:s19+$0xFFFFFFF0];
	v12 =	vmovc v21  }
0x37e: {  	v21 =	vshrl.u32 v23, $0x12;
	v27 =	vshrl.u32 v23, $0x9;
	v28 =	vshrl.u32 v12, $0x9;
	v29 =	vld [tilespmem:s19+$0x10];
	s19 =	smov.u32 s21  }
0x37f: {  	vm4 =	veq.s32 v17, v7;
	vm8 =	veq.s32 v21, v7;
	v21 =	vand.u32 $0x1FF, v27;
	[tilespmem:v18+s11+$0x0] =	vst.idx.add.f32.msk vm6, v16  }
0x380: {  	vm5 =	veq.s32 v24, v7;
	v18 =	vand.u32 $0x1FF, v20;
	v17 =	vand.u32 $0x1FF, v28;
	[tilespmem:v15+s11+$0x0] =	vst.idx.add.f32.msk vm2, v8  }
.Ltmp20:
0x381: {  	v15 =	vshrl.u32 v22, $0x12;
	v20 =	vshrl.u32 v22, $0x9;
	[tilespmem:v14+s11+$0x0] =	vst.idx.add.f32.msk vm3, v10;
	v8 =	vmov v22;
	(pc) =	sbr.rel @p1 .LBB2_42-.Ltmp20, $4  }
0x382: {  	[tilespmem:v25+s11+$0x0] =	vst.idx.add.f32.msk vm7, v19;
	vm2 =	veq.s32 v15, v7;
	v14 =	vshrl.u32 v26, $0x12;
	v19 =	vshrl.u32 v26, $0x9;
	v10 =	vmovc v26  }
0x383: {  	v16 =	vld [tilespmem:s21+$0x30];
	vm3 =	veq.s32 v14, v7;
	v22 =	vshrl.u32 v29, $0x12;
	v24 =	vshrl.u32 v29, $0x9  }
0x384: {  	v15 =	vand.u32 $0x1FF, v20;
	v14 =	vand.u32 $0x1FF, v19;
	[tilespmem:v13+s11+$0x0] =	vst.idx.add.f32.msk vm1, v9;
	vm1 =	veq.s32 v22, v7;
	v9 =	vmovc v29  }
0x385: {  	s21 =	sadd.s32 $0x80, s21;
	v13 =	vand.u32 $0x1FF, v24;
	[tilespmem:v21+s11+$0x0] =	vst.idx.add.f32.msk vm8, v23  }
0x386: {  	_ =	sdelay $0x4  }
0x387: {  	[tilespmem:v18+s11+$0x0] =	vst.idx.add.f32.msk vm4, v11  }
0x388: {  	[tilespmem:v17+s11+$0x0] =	vst.idx.add.f32.msk vm5, v12  }
0x389: {  	v51 =	vld [tilespmem:s19+$0xFFFFFFD0]  }
0x38a: {  	v52 =	vld [tilespmem:s19+$0xFFFFFFF0]  }
0x38b: {  	v17 =	vld [tilespmem:s19+$0x10]  }
0x38c: {  	v57 =	vmov s18  }
0x38d: {  	vm8 =	veq.s32 v57, v0;
	v53 =	vshrl.u32 v16, $0x12  }
0x38e: {  	v54 =	vshrl.u32 v16, $0x9;
	v6 =	vnsel vm8, $0x0, v6;
	vm14 =	veq.s32 v53, v7  }
0x38f: {  	v18 =	vand.u32 $0x1FF, v54;
	v19 =	vshrl.u32 v51, $0x12;
	v56 =	vshrl.u32 v51, $0x9  }
0x390: {  	v20 =	vshrl.u32 v52, $0x12;
	vm15 =	veq.s32 v19, v7;
	v55 =	vshrl.u32 v17, $0x12  }
0x391: {  	v58 =	vshrl.u32 v52, $0x9;
	vm6 =	veq.s32 v20, v7;
	v20 =	vand.u32 $0x1FF, v56  }
0x392: {  	[tilespmem:v15+s11+$0x0] =	vst.idx.add.f32.msk vm2, v8;
	v59 =	vshrl.u32 v17, $0x9;
	vm7 =	veq.s32 v55, v7;
	v60 =	vand.u32 $0x1FF, v58  }
0x393: {  	[tilespmem:v14+s11+$0x0] =	vst.idx.add.f32.msk vm3, v10;
	v4 =	vnsel vm8, $0x0, v4;
	(xrf2) =	vadd.scan.msk.f32 $0xffff, v6;
	v61 =	vand.u32 $0x1FF, v59  }
0x394: {  	[tilespmem:v13+s11+$0x0] =	vst.idx.add.f32.msk vm1, v9;
	(xrf2) =	vadd.scan.msk.f32 $0xffff, v4;
	v4 =	vnsel vm0, $0x0, v5  }
0x395: {  	(xrf2) =	vadd.scan.msk.f32 $0xffff, v4;
	[tilespmem:v18+s11+$0x0] =	vst.idx.add.f32.msk vm14, v16  }
0x396: {  	[tilespmem:v20+s11+$0x0] =	vst.idx.add.f32.msk vm15, v51  }
0x397: {  	[tilespmem:v60+s11+$0x0] =	vst.idx.add.f32.msk vm6, v52  }
0x398: {  	[tilespmem:v61+s11+$0x0] =	vst.idx.add.f32.msk vm7, v17  }
0x399: {  	v4 =	vld [tilespmem:$0x18680];
	_ =	sdelay $0x3  }
0x39a: {  	v5, _, _ =	vpop (xrf2)  }
0x39b: {  	v62, _, _ =	vpop (xrf2);
	(v2sf) =	vpush v5, $0xF;
	v5 =	vshrl.u32 v4, $0x12  }
0x39c: {  	(v2sf) =	vpush v62, $0xF;
	v63, _, _ =	vpop (xrf2);
	vm1 =	veq.s32 v5, v7;
	v5 =	vshrl.u32 v4, $0x9  }
0x39d: {  	(v2sf) =	vpush v63, $0xF;
	v5 =	vand.u32 $0x1FF, v5;
	_ =	sdelay $0x4  }
0x39e: {  	[tilespmem:v5+s11+$0x0] =	vst.idx.add.f32.msk vm1, v4  }
0x39f: {  	v4 =	vld [tilespmem:$0x18690];
	_ =	sdelay $0x4  }
0x3a0: {  	v5 =	vshrl.u32 v4, $0x12  }
0x3a1: {  	vm1 =	veq.s32 v5, v7;
	v5 =	vshrl.u32 v4, $0x9  }
0x3a2: {  	s30 =	spop (v2sf);
	v5 =	vand.u32 $0x1FF, v5  }
0x3a3: {  	s31 =	spop (v2sf)  }
0x3a4: {  	s20 =	spop (v2sf);
	s19 =	ssub.f32 s30, s31  }
0x3a5: {  	s18 =	ssub.f32 s17, s20;
	_ =	sdelay $0x1  }
0x3a6: {  	s18 =	smov.u32 @p0 s19;
	s19 =	simm.s32 $0x0;
	[tilespmem:v5+s11+$0x0] =	vst.idx.add.f32.msk vm1, v4  }
.LBB2_44:
0x3a7: {  	s17 =	sshll.u32 s19, $0x4  }
0x3a8: {  	s17 =	ssub.s32 $0x198F0, s17  }
0x3a9: {  	v4 =	vld [tilespmem:s17+$0x0];
	_ =	sdelay $0x4  }
0x3aa: {  	(xrf2) =	vadd.scan.msk.f32 $0xffff, v4;
	_ =	sdelay $0x9  }
0x3ab: {  	v4, _, _ =	vpop (xrf2)  }
0x3ac: {  	(v2sf) =	vpush v4, $0xF;
	_ =	sdelay $0xe  }
0x3ad: {  	s31 =	spop (v2sf)  }
0x3ae: {  	s17 =	sadd.f32 s31, s18;
	_ =	sdelay $0x1  }
0x3af: {  	p0 =	sgt.f32 s17, s15;
	_ =	sdelay $0x1  }
0x3b0: {  	s20 =	smov.u32 s18;
	s18 =	simm.s32 $0x1;
	p1 =	por !p0, !p0  }
0x3b1: {  	s18 =	simm.s32 @!p1 $0x0  }
0x3b2: {  	s19 =	sadd.s32 s18, s19  }
0x3b3: {  	p1 =	sgt.u32 s19, $0x1F  }
0x3b4: {  	p2 =	sgt.f32 @!p1 s17, s15;
	_ =	sdelay $0x1  }
0x3b5: {  	p1 =	por p1, p2  }
.Ltmp21:
0x3b6: {  	_ = 	snop;
	(pc) =	sbr.rel @!p1 .LBB2_44-.Ltmp21, $3  }
0x3b7: {  	_ =	sdelay $0x1  }
0x3b8: {  	s18 =	smov.u32 s17  }
0x3b9: {  	s18 =	smov.u32 @p0 s20  }
0x3ba: {  	s19 =	sshll.u32 s19, $0x4  }
0x3bb: {  	s19 =	ssub.s32 $0x1F0, s19  }
0x3bc: {  	s19 =	simm.s32 @!p0 $0x0  }
0x3bd: {  	v4 =	vld [tilespmem:s19+$0x19700];
	_ =	sdelay $0x4  }
0x3be: {  	v4 =	vperm.xlane v4, v2;
	_ =	sdelay $0x1  }
0x3bf: {  	(xrf2) =	vadd.scan.msk.f32 $0xffff, v4;
	_ =	sdelay $0x9  }
0x3c0: {  	v5, _, _ =	vpop (xrf2)  }
0x3c1: {  	v6 =	vadd.f32 s18, v5;
	s18 =	simm.s32 $0x19920  }
0x3c2: {  	v5 =	vld [tilespmem:$0x19700];
	[tilespmem:s18+$0xFFFFFFE0] =	vst v1  }
0x3c3: {  	[tilespmem:s18+$0x10] =	vst v1;
	vm1 =	vgt.f32 v6, v3  }
0x3c4: {  	s20 =	simm.s32 $0x0;
	[tilespmem:s18+$0x0] =	vst v1;
	v7 =	vmctz.xlane vm1  }
.LBB2_46:
0x3c5: {  	s20 =	sadd.s32 $0x4, s20  }
0x3c6: {  	[tilespmem:s18+$0xFFFFFFF0] =	vst v1;
	s18 =	sadd.s32 $0x40, s18;
	p1 =	slt.u32 s20, $0x1C  }
.Ltmp22:
0x3c7: {  	[tilespmem:s18+$0xFFFFFFE0] =	vst v1;
	(pc) =	sbr.rel @p1 .LBB2_46-.Ltmp22, $3  }
0x3c8: {  	_ =	sdelay $0x1  }
0x3c9: {  	[tilespmem:s18+$0x10] =	vst v1  }
0x3ca: {  	[tilespmem:s18+$0x0] =	vst v1  }
0x3cb: {  	v8 =	vsel vm1, $0x3F800000, v1  }
0x3cc: {  	v7 =	vxor.u32 $0x80000000, v7;
	(xrf0) =	vmax.scan.msk.f32 $0xffff, v8  }
0x3cd: {  	(xrf0) =	vmin.scan.msk.u32 $0xffff, v7;
	_ =	sdelay $0x4  }
0x3ce: {  	v7, _, _ =	vpop (xrf0)  }
0x3cf: {  	(v2sf) =	vpush v7, $0xF;
	v7, _, _ =	vpop (xrf0)  }
0x3d0: {  	(v2sf) =	vpush v7, $0xF;
	_ =	sdelay $0xd  }
0x3d1: {  	s20 =	spop (v2sf)  }
0x3d2: {  	[tilespmem:s18+$0xFFFFFFF0] =	vst v1;
	s31 =	simm.s32 $0x40;
	p1 =	sgt.f32 s20, $0.0e+00;
	s30 =	spop (v2sf)  }
0x3d3: {  	v8 =	vld [tilespmem:s31+$0x20];
	s18 =	sxor.u32 $0x80000000, s30  }
0x3d4: {  	s19 =	sor.u32 $0xF, s19;
	s18 =	simm.s32 @!p1 $0x0  }
0x3d5: {  	s19 =	ssub.s32 s19, s18  }
0x3d6: {  	s16 =	sshll.u32 s16, $0x9;
	s19 =	simm.s32 @!p0 $0x0  }
0x3d7: {  	s16 =	sor.u32 s16, s19  }
0x3d8: {  	v9 =	vld [tilespmem:s31+$0xFFFFFFE0];
	v10 =	vshrl.u32 v8, $0x9;
	v7 =	vmov s16  }
0x3d9: {  	vm1 =	veq.s32 v10, v7  }
0x3da: {  	v11 =	vld [tilespmem:s31+$0xFFFFFFC0];
	v10 =	vand.u32 $0x1FF, v8  }
0x3db: {  	v12 =	vld [tilespmem:s31+$0x0];
	_ =	sdelay $0x1  }
0x3dc: {  	v13 =	vshrl.u32 v9, $0x9  }
0x3dd: {  	vm2 =	veq.s32 v13, v7  }
0x3de: {  	v14 =	vshrl.u32 v11, $0x9;
	v13 =	vand.u32 $0x1FF, v9;
	[tilespmem:v10+s12+$0x0] =	vst.idx.add.f32.msk vm1, v8  }
0x3df: {  	s19 =	simm.s32 $0xC0;
	vm3 =	veq.s32 v14, v7;
	v8 =	vshrl.u32 v12, $0x9;
	v14 =	vld [tilespmem:s31+$0x30]  }
0x3e0: {  	v15 =	vld [tilespmem:s19+$0x20];
	v10 =	vand.u32 $0x1FF, v11;
	vm1 =	veq.s32 v8, v7  }
0x3e1: {  	v17 =	vld [tilespmem:s19+$0xFFFFFFE0];
	v8 =	vand.u32 $0x1FF, v12  }
0x3e2: {  	v18 =	vld [tilespmem:s19+$0xFFFFFFC0]  }
0x3e3: {  	[tilespmem:v13+s12+$0x0] =	vst.idx.add.f32.msk vm2, v9  }
0x3e4: {  	v13 =	vld [tilespmem:s19+$0x0];
	v9 =	vshrl.u32 v14, $0x9  }
0x3e5: {  	[tilespmem:v10+s12+$0x0] =	vst.idx.add.f32.msk vm3, v11;
	vm2 =	veq.s32 v9, v7;
	v9 =	vshrl.u32 v15, $0x9  }
0x3e6: {  	v11 =	vand.u32 $0x1FF, v14;
	[tilespmem:v8+s12+$0x0] =	vst.idx.add.f32.msk vm1, v12;
	vm1 =	veq.s32 v9, v7  }
0x3e7: {  	v16 =	vshrl.u32 v18, $0x9;
	v10 =	vld [tilespmem:s31+$0xFFFFFFD0];
	v12 =	vand.u32 $0x1FF, v15  }
0x3e8: {  	vm6 =	veq.s32 v16, v7;
	v8 =	vld [tilespmem:s31+$0xFFFFFFF0];
	v9 =	vshrl.u32 v17, $0x9  }
0x3e9: {  	v20 =	vand.u32 $0x1FF, v18;
	vm5 =	veq.s32 v9, v7;
	v9 =	vld [tilespmem:s31+$0x10]  }
0x3ea: {  	v19 =	vand.u32 $0x1FF, v17  }
0x3eb: {  	v16 =	vshrl.u32 v13, $0x9;
	[tilespmem:v11+s12+$0x0] =	vst.idx.add.f32.msk vm2, v14  }
0x3ec: {  	vm4 =	veq.s32 v16, v7;
	v11 =	vshrl.u32 v10, $0x9;
	[tilespmem:v12+s12+$0x0] =	vst.idx.add.f32.msk vm1, v15  }
0x3ed: {  	v16 =	vand.u32 $0x1FF, v13;
	v14 =	vand.u32 $0x1FF, v10;
	vm3 =	veq.s32 v11, v7;
	v15 =	vld [tilespmem:s19+$0x30]  }
0x3ee: {  	[tilespmem:v20+s12+$0x0] =	vst.idx.add.f32.msk vm6, v18;
	v12 =	vshrl.u32 v8, $0x9;
	v11 =	vand.u32 $0x1FF, v8;
	v21 =	vshrl.u32 v9, $0x9  }
0x3ef: {  	s21 =	simm.s32 $0x140;
	s20 =	simm.s32 $0x8;
	[tilespmem:v19+s12+$0x0] =	vst.idx.add.f32.msk vm5, v17;
	vm2 =	veq.s32 v12, v7;
	v12 =	vand.u32 $0x1FF, v9;
	vm1 =	veq.s32 v21, v7  }
.LBB2_48:
0x3f0: {  	v17 =	vld [tilespmem:s21+$0x20];
	s20 =	sadd.s32 $0x8, s20  }
0x3f1: {  	v18 =	vld [tilespmem:s21+$0xFFFFFFE0];
	p1 =	slt.u32 s20, $0x1860  }
0x3f2: {  	v19 =	vld [tilespmem:s21+$0x0];
	v20 =	vshrl.u32 v15, $0x9  }
0x3f3: {  	v21 =	vld [tilespmem:s21+$0xFFFFFFC0];
	vm6 =	veq.s32 v20, v7  }
0x3f4: {  	v20 =	vand.u32 $0x1FF, v15;
	[tilespmem:v16+s12+$0x0] =	vst.idx.add.f32.msk vm4, v13  }
0x3f5: {  	v27 =	vshrl.u32 v17, $0x9;
	v22 =	vld [tilespmem:s19+$0xFFFFFFD0]  }
0x3f6: {  	v16 =	vshrl.u32 v18, $0x9;
	v23 =	vand.u32 $0x1FF, v18;
	vm7 =	veq.s32 v27, v7;
	v24 =	vld [tilespmem:s19+$0xFFFFFFF0]  }
0x3f7: {  	v25 =	vand.u32 $0x1FF, v17;
	vm5 =	veq.s32 v16, v7;
	v16 =	vshrl.u32 v19, $0x9;
	v26 =	vld [tilespmem:s19+$0x10];
	v13 =	vmovc v19;
	s19 =	smov.u32 s21  }
0x3f8: {  	v19 =	vshrl.u32 v21, $0x9;
	v27 =	vand.u32 $0x1FF, v21;
	vm4 =	veq.s32 v16, v7;
	[tilespmem:v14+s12+$0x0] =	vst.idx.add.f32.msk vm3, v10  }
0x3f9: {  	v16 =	vand.u32 $0x1FF, v13;
	vm8 =	veq.s32 v19, v7;
	[tilespmem:v20+s12+$0x0] =	vst.idx.add.f32.msk vm6, v15  }
0x3fa: {  	v15 =	vshrl.u32 v22, $0x9;
	v14 =	vand.u32 $0x1FF, v22;
	[tilespmem:v11+s12+$0x0] =	vst.idx.add.f32.msk vm2, v8;
	v10 =	vmov v22  }
.Ltmp23:
0x3fb: {  	vm3 =	veq.s32 v15, v7;
	v15 =	vshrl.u32 v24, $0x9;
	v11 =	vand.u32 $0x1FF, v24;
	[tilespmem:v12+s12+$0x0] =	vst.idx.add.f32.msk vm1, v9;
	v8 =	vmovc v24;
	(pc) =	sbr.rel @p1 .LBB2_48-.Ltmp23, $4  }
0x3fc: {  	[tilespmem:v25+s12+$0x0] =	vst.idx.add.f32.msk vm7, v17;
	vm2 =	veq.s32 v15, v7;
	v17 =	vshrl.u32 v26, $0x9;
	v12 =	vand.u32 $0x1FF, v26;
	v9 =	vmovc v26  }
0x3fd: {  	v15 =	vld [tilespmem:s21+$0x30];
	vm1 =	veq.s32 v17, v7  }
0x3fe: {  	[tilespmem:v23+s12+$0x0] =	vst.idx.add.f32.msk vm5, v18  }
0x3ff: {  	s21 =	sadd.s32 $0x80, s21;
	[tilespmem:v27+s12+$0x0] =	vst.idx.add.f32.msk vm8, v21  }
0x400: {  	_ =	sdelay $0x2  }
0x401: {  	v17 =	vld [tilespmem:s19+$0xFFFFFFD0]  }
0x402: {  	v18 =	vld [tilespmem:s19+$0xFFFFFFF0]  }
0x403: {  	[tilespmem:v16+s12+$0x0] =	vst.idx.add.f32.msk vm4, v13  }
0x404: {  	v16 =	vld [tilespmem:s19+$0x10];
	_ =	sdelay $0x1  }
0x405: {  	v57 =	vmov s18;
	v55 =	vshrl.u32 v15, $0x9  }
0x406: {  	vm7 =	veq.s32 v57, v0;
	vm15 =	veq.s32 v55, v7;
	v19 =	vshrl.u32 v17, $0x9  }
0x407: {  	v56 =	vand.u32 $0x1FF, v15;
	v20 =	vshrl.u32 v18, $0x9;
	vm5 =	veq.s32 v19, v7  }
0x408: {  	v58 =	vand.u32 $0x1FF, v17;
	vm6 =	veq.s32 v20, v7;
	v59 =	vshrl.u32 v16, $0x9  }
0x409: {  	[tilespmem:v14+s12+$0x0] =	vst.idx.add.f32.msk vm3, v10;
	v6 =	vnsel vm7, $0x0, v6;
	v60 =	vand.u32 $0x1FF, v18;
	vm3 =	veq.s32 v59, v7  }
0x40a: {  	[tilespmem:v11+s12+$0x0] =	vst.idx.add.f32.msk vm2, v8;
	v4 =	vnsel vm7, $0x0, v4;
	(xrf2) =	vadd.scan.msk.f32 $0xffff, v6;
	v61 =	vand.u32 $0x1FF, v16  }
0x40b: {  	[tilespmem:v12+s12+$0x0] =	vst.idx.add.f32.msk vm1, v9;
	(xrf2) =	vadd.scan.msk.f32 $0xffff, v4;
	v4 =	vnsel vm0, $0x0, v5  }
0x40c: {  	(xrf2) =	vadd.scan.msk.f32 $0xffff, v4;
	[tilespmem:v56+s12+$0x0] =	vst.idx.add.f32.msk vm15, v15  }
0x40d: {  	[tilespmem:v58+s12+$0x0] =	vst.idx.add.f32.msk vm5, v17  }
0x40e: {  	[tilespmem:v60+s12+$0x0] =	vst.idx.add.f32.msk vm6, v18  }
0x40f: {  	[tilespmem:v61+s12+$0x0] =	vst.idx.add.f32.msk vm3, v16  }
0x410: {  	v4 =	vld [tilespmem:$0x18680];
	_ =	sdelay $0x3  }
0x411: {  	v5, _, _ =	vpop (xrf2)  }
0x412: {  	v62, _, _ =	vpop (xrf2);
	(v2sf) =	vpush v5, $0xF;
	v5 =	vshrl.u32 v4, $0x9  }
0x413: {  	(v2sf) =	vpush v62, $0xF;
	v63, _, _ =	vpop (xrf2);
	vm1 =	veq.s32 v5, v7  }
0x414: {  	(v2sf) =	vpush v63, $0xF;
	v5 =	vand.u32 $0x1FF, v4;
	_ =	sdelay $0x4  }
0x415: {  	[tilespmem:v5+s12+$0x0] =	vst.idx.add.f32.msk vm1, v4  }
0x416: {  	v4 =	vld [tilespmem:$0x18690];
	_ =	sdelay $0x4  }
0x417: {  	v5 =	vshrl.u32 v4, $0x9  }
0x418: {  	vm1 =	veq.s32 v5, v7  }
0x419: {  	s30 =	spop (v2sf);
	v5 =	vand.u32 $0x1FF, v4  }
0x41a: {  	s31 =	spop (v2sf)  }
0x41b: {  	s20 =	spop (v2sf);
	s19 =	ssub.f32 s30, s31  }
0x41c: {  	s18 =	ssub.f32 s17, s20;
	_ =	sdelay $0x1  }
0x41d: {  	s18 =	smov.u32 @p0 s19;
	s19 =	simm.s32 $0x0;
	[tilespmem:v5+s12+$0x0] =	vst.idx.add.f32.msk vm1, v4  }
.LBB2_50:
0x41e: {  	s17 =	sshll.u32 s19, $0x4  }
0x41f: {  	s17 =	ssub.s32 $0x19AF0, s17  }
0x420: {  	v4 =	vld [tilespmem:s17+$0x0];
	_ =	sdelay $0x4  }
0x421: {  	(xrf2) =	vadd.scan.msk.f32 $0xffff, v4;
	_ =	sdelay $0x9  }
0x422: {  	v4, _, _ =	vpop (xrf2)  }
0x423: {  	(v2sf) =	vpush v4, $0xF;
	_ =	sdelay $0xe  }
0x424: {  	s31 =	spop (v2sf)  }
0x425: {  	s17 =	sadd.f32 s31, s18;
	_ =	sdelay $0x1  }
0x426: {  	p0 =	sgt.f32 s17, s15;
	_ =	sdelay $0x1  }
0x427: {  	s20 =	smov.u32 s18;
	s18 =	simm.s32 $0x1;
	p1 =	por !p0, !p0  }
0x428: {  	s18 =	simm.s32 @!p1 $0x0  }
0x429: {  	s19 =	sadd.s32 s18, s19  }
0x42a: {  	p1 =	sgt.u32 s19, $0x1F  }
0x42b: {  	p2 =	sgt.f32 @!p1 s17, s15;
	_ =	sdelay $0x1  }
0x42c: {  	p1 =	por p1, p2  }
.Ltmp24:
0x42d: {  	_ = 	snop;
	(pc) =	sbr.rel @!p1 .LBB2_50-.Ltmp24, $3  }
0x42e: {  	_ =	sdelay $0x1  }
0x42f: {  	s18 =	smov.u32 s17  }
0x430: {  	s18 =	smov.u32 @p0 s20  }
0x431: {  	s15 =	sshll.u32 s19, $0x4  }
0x432: {  	s15 =	ssub.s32 $0x1F0, s15  }
0x433: {  	s15 =	simm.s32 @!p0 $0x0  }
0x434: {  	v4 =	vld [tilespmem:s15+$0x19900];
	_ =	sdelay $0x4  }
0x435: {  	v4 =	vperm.xlane v4, v2;
	_ =	sdelay $0x1  }
0x436: {  	(xrf2) =	vadd.scan.msk.f32 $0xffff, v4;
	_ =	sdelay $0x9  }
0x437: {  	v4, _, _ =	vpop (xrf2)  }
0x438: {  	v4 =	vadd.f32 s18, v4;
	_ =	sdelay $0x1  }
0x439: {  	vm1 =	vgt.f32 v4, v3  }
0x43a: {  	v3 =	vmctz.xlane vm1  }
0x43b: {  	v5 =	vsel vm1, $0x3F800000, v1  }
0x43c: {  	(xrf0) =	vmax.scan.msk.f32 $0xffff, v5;
	v3 =	vxor.u32 $0x80000000, v3  }
0x43d: {  	(xrf0) =	vmin.scan.msk.u32 $0xffff, v3;
	_ =	sdelay $0x4  }
0x43e: {  	v3, _, _ =	vpop (xrf0)  }
0x43f: {  	(v2sf) =	vpush v3, $0xF;
	v3, _, _ =	vpop (xrf0)  }
0x440: {  	(v2sf) =	vpush v3, $0xF;
	_ =	sdelay $0xd  }
0x441: {  	s30 =	spop (v2sf)  }
0x442: {  	p1 =	sgt.f32 s30, $0.0e+00;
	s31 =	spop (v2sf)  }
0x443: {  	s18 =	sxor.u32 $0x80000000, s31  }
0x444: {  	s18 =	simm.s32 @!p1 $0x0  }
0x445: {  	v3 =	vmov s18  }
0x446: {  	vm1 =	veq.s32 v3, v0  }
0x447: {  	v3 =	vnsel vm1, $0x0, v4  }
0x448: {  	(xrf2) =	vadd.scan.msk.f32 $0xffff, v3;
	_ =	sdelay $0x9  }
0x449: {  	v3, _, _ =	vpop (xrf2)  }
0x44a: {  	(v2sf) =	vpush v3, $0xF;
	_ =	sdelay $0xe  }
0x44b: {  	s19 =	spop (v2sf)  }
0x44c: {  	s17 =	smov.u32 @p0 s19  }
0x44d: {  	v3 =	vmov s17  }
0x44e: {  	v3 =	vadd.f32 $0.0e+00, v3;
	_ =	sdelay $0x1  }
0x44f: {  	v3 =	vbroadcast v3, $0x0;
	_ =	sdelay $0x1  }
0x450: {  	(erf) = vrcp.f32 v3;
	_ =	sdelay $0x1  }
0x451: {  	s17 =	simm.s32 $0x40  }
0x452: {  	s15 =	sor.u32 $0xF, s15;
	v5 =	vld [tilespmem:s17+$0x30]  }
0x453: {  	s15 =	ssub.s32 s15, s18;
	v6 =	vld [tilespmem:s17+$0xFFFFFFD0]  }
0x454: {  	s16 =	sshll.u32 s16, $0x9;
	s15 =	simm.s32 @!p0 $0x0;
	v7 =	vld [tilespmem:s17+$0xFFFFFFE0]  }
0x455: {  	s15 =	sor.u32 s16, s15;
	v9 =	vld [tilespmem:s17+$0x0]  }
0x456: {  	v8 =	vld [tilespmem:s17+$0xFFFFFFF0];
	v3 =	vmov s15  }
0x457: {  	v10 =	vld [tilespmem:s17+$0x10];
	s15 =	simm.s32 $0xC0;
	v3 =	vbroadcast v3, $0x0  }
0x458: {  	v13 =	vld [tilespmem:s15+$0x30];
	v4 =	vpop (erf)  }
0x459: {  	v12 =	vld [tilespmem:s17+$0x20];
	vm1 =	vge.f32 v6, v3;
	vm2 =	vge.f32 v5, v3;
	v11 =	vmul.f32 v5, v4  }
0x45a: {  	vm3 =	vge.f32 v7, v3;
	vm4 =	vge.f32 v9, v3;
	v6 =	vmul.f32 v6, v4;
	v5 =	vld [tilespmem:s17+$0xFFFFFFC0]  }
0x45b: {  	v7 =	vmul.f32 v7, v4;
	v9 =	vmul.f32 v9, v4;
	v11 =	vnsel vm2, $0x0, v11  }
0x45c: {  	v14 =	vld [tilespmem:s15+$0xFFFFFFE0];
	vm2 =	vge.f32 v8, v3;
	v8 =	vmul.f32 v8, v4;
	v6 =	vnsel vm1, $0x0, v6;
	[tilespmem:s17+$0x30] =	vst v11  }
0x45d: {  	v15 =	vmul.f32 v10, v4;
	v16 =	vmul.f32 v13, v4;
	v11 =	vld [tilespmem:s15+$0xFFFFFFD0];
	[tilespmem:s17+$0xFFFFFFD0] =	vst v6;
	v6 =	vnsel vm3, $0x0, v7  }
0x45e: {  	vm3 =	vge.f32 v10, v3;
	v7 =	vld [tilespmem:s15+$0xFFFFFFF0];
	[tilespmem:s17+$0xFFFFFFE0] =	vst v6;
	v8 =	vnsel vm2, $0x0, v8;
	vm2 =	vge.f32 v12, v3  }
0x45f: {  	v12 =	vmul.f32 v12, v4;
	v6 =	vld [tilespmem:s15+$0x0];
	vm1 =	vge.f32 v5, v3;
	[tilespmem:s17+$0xFFFFFFF0] =	vst v8;
	v8 =	vnsel vm4, $0x0, v9  }
0x460: {  	v10 =	vmul.f32 v5, v4;
	v5 =	vld [tilespmem:s15+$0x10];
	v9 =	vnsel vm3, $0x0, v15;
	vm4 =	vge.f32 v13, v3;
	[tilespmem:s17+$0x0] =	vst v8  }
0x461: {  	vm3 =	vge.f32 v14, v3;
	v15 =	vnsel vm2, $0x0, v12;
	v8 =	vld [tilespmem:s15+$0x20];
	[tilespmem:s17+$0x10] =	vst v9;
	v12 =	vmul.f32 v14, v4  }
0x462: {  	s18 =	simm.s32 $0x140;
	s16 =	simm.s32 $0x8;
	v9 =	vld [tilespmem:s15+$0xFFFFFFC0];
	v13 =	vnsel vm4, $0x0, v16;
	[tilespmem:s17+$0x20] =	vst v15;
	vm2 =	vge.f32 v11, v3;
	v11 =	vmul.f32 v11, v4  }
.LBB2_52:
0x463: {  	v14 =	vld [tilespmem:s18+$0x30];
	s16 =	sadd.s32 $0x8, s16;
	vm4 =	vge.f32 v7, v3;
	v15 =	vmul.f32 v7, v4;
	[tilespmem:s15+$0x30] =	vst v13;
	v7 =	vnsel vm1, $0x0, v10  }
0x464: {  	v10 =	vnsel vm2, $0x0, v11;
	v13 =	vld [tilespmem:s18+$0xFFFFFFD0];
	p0 =	slt.u32 s16, $0x1860;
	vm2 =	vge.f32 v6, v3;
	v11 =	vmul.f32 v6, v4;
	[tilespmem:s17+$0xFFFFFFC0] =	vst v7;
	s17 =	smov.u32 s15;
	s15 =	smov.u32 s18  }
0x465: {  	v6 =	vnsel vm3, $0x0, v12;
	v16 =	vld [tilespmem:s18+$0xFFFFFFE0];
	[tilespmem:s17+$0xFFFFFFD0] =	vst v10;
	vm3 =	vge.f32 v5, v3;
	v12 =	vmul.f32 v5, v4  }
.Ltmp25:
0x466: {  	v5 =	vnsel vm4, $0x0, v15;
	v7 =	vld [tilespmem:s18+$0xFFFFFFF0];
	[tilespmem:s17+$0xFFFFFFE0] =	vst v6;
	vm4 =	vge.f32 v8, v3;
	v8 =	vmul.f32 v8, v4;
	(pc) =	sbr.rel @p0 .LBB2_52-.Ltmp25, $4  }
0x467: {  	v6 =	vld [tilespmem:s18+$0x0];
	vm1 =	vge.f32 v9, v3;
	v10 =	vmul.f32 v9, v4;
	[tilespmem:s17+$0xFFFFFFF0] =	vst v5;
	v9 =	vnsel vm2, $0x0, v11  }
0x468: {  	v5 =	vld [tilespmem:s18+$0x10];
	v15 =	vmul.f32 v14, v4;
	[tilespmem:s17+$0x0] =	vst v9;
	v9 =	vnsel vm3, $0x0, v12;
	v17 =	vnsel vm4, $0x0, v8  }
0x469: {  	vm4 =	vge.f32 v14, v3;
	vm2 =	vge.f32 v13, v3;
	v11 =	vmul.f32 v13, v4;
	v8 =	vld [tilespmem:s18+$0x20];
	[tilespmem:s17+$0x10] =	vst v9  }
0x46a: {  	s18 =	sadd.s32 $0x80, s18;
	v9 =	vld [tilespmem:s15+$0xFFFFFFC0];
	vm3 =	vge.f32 v16, v3;
	v12 =	vmul.f32 v16, v4;
	v13 =	vnsel vm4, $0x0, v15;
	[tilespmem:s17+$0x20] =	vst v17  }
0x46b: {  	[tilespmem:s15+$0x30] =	vst v13;
	v10 =	vnsel vm1, $0x0, v10  }
0x46c: {  	v54 =	vmul.f32 v7, v4;
	v11 =	vnsel vm2, $0x0, v11;
	[tilespmem:s17+$0xFFFFFFC0] =	vst v10  }
0x46d: {  	vm1 =	vge.f32 v7, v3;
	v55 =	vmul.f32 v6, v4;
	[tilespmem:s15+$0xFFFFFFD0] =	vst v11;
	v56 =	vnsel vm3, $0x0, v12  }
0x46e: {  	vm2 =	vge.f32 v6, v3;
	v57 =	vmul.f32 v5, v4;
	[tilespmem:s15+$0xFFFFFFE0] =	vst v56;
	v58 =	vnsel vm1, $0x0, v54  }
0x46f: {  	vm1 =	vge.f32 v5, v3;
	v59 =	vmul.f32 v8, v4;
	[tilespmem:s15+$0xFFFFFFF0] =	vst v58;
	v7 =	vnsel vm2, $0x0, v55  }
0x470: {  	vm2 =	vge.f32 v8, v3;
	v60 =	vmul.f32 v9, v4;
	[tilespmem:s15+$0x0] =	vst v7;
	v6 =	vnsel vm1, $0x0, v57  }
0x471: {  	vm1 =	vge.f32 v9, v3;
	v5 =	vnsel vm2, $0x0, v59;
	[tilespmem:s15+$0x10] =	vst v6  }
0x472: {  	[tilespmem:s15+$0x20] =	vst v5;
	v61 =	vnsel vm1, $0x0, v60  }
0x473: {  	[tilespmem:s15+$0xFFFFFFC0] =	vst v61  }
0x474: {  	v5 =	vld [tilespmem:$0x18680]  }
0x475: {  	v6 =	vld [tilespmem:$0x18690];
	_ =	sdelay $0x3  }
0x476: {  	v62 =	vmul.f32 v5, v4  }
0x477: {  	vm1 =	vge.f32 v5, v3;
	v63 =	vmul.f32 v6, v4  }
0x478: {  	s14 =	sadd.s32 $0x1, s14;
	v5 =	vnsel vm1, $0x0, v62;
	vm1 =	vge.f32 v6, v3  }
0x479: {  	p0 =	sne.s32 s14, s7;
	[tilespmem:$0x18680] =	vst v5;
	v3 =	vnsel vm1, $0x0, v63  }
.Ltmp26:
0x47a: {  	[tilespmem:$0x18690] =	vst v3;
	(pc) =	sbr.rel @p0 .LBB2_1-.Ltmp26, $4  }
0x47b: {  	[hbm4b:s6+s13] =	stream.strided.scatter [tilespmem:s2], [sflag:$0x1], $0x18700, s8, s13, $0x38;
	[tilespmem:$0x19B00] =	vst v63  }
0x47c: {  	_ =	swait.ge [sflag:s9], $0x18700  }
0x47d: {  	[sflag:s9] =	ssyncset.done $0x0  }
0x47e: {  	[sflag:s9] =	ssyncadd.s32 $0xFFFE7900  }
0x47f: {  	_ =	sfence.sel $0x180000  }
0x480: {  	[bflag:$0x0] =	sbarrier.arrive $0xFFFF  }
0x481: {  	p0 =	sne.s32 s0, $0x0;
	_ =	strace $0x90000047  }
0x482: {  	s0 =	sadd.s32 @!p0 $0x100000, s1;
	[bflag:$0x2] =	sbarrier.arrive $0xFFFF  }
0x483: {  	[sflag:s0] =	ssyncadd.tile.s32 @!p0 $0x1;
	_ =	shalt  }
.Lfunc_end2:
_tile_overlayer_lowered:
.L_overlay_start_2:
0x484: {  	(tag) =	ssettag $0x2  }
0x485: {  	s0 =	rddreg [dreg:$0x0];
	s2 =	stileid.u32  }
0x486: {  	s1 =	rddreg [dreg:$0x1];
	p0 =	sne.s32 s2, $0x0  }
0x487: {  	s3 =	rddreg [dreg:$0x2];
	[bflag:$0x3] =	sbarrier.arrive $0xFFFF;
	s2 =	simm.s32 @!p0 $0x1C01  }
0x488: {  	[timem:s3], [sflag:s2] =	dma.local @!p0 [hbm:s0], s1  }
0x489: {  	s0 =	simm.s32 @!p0 $0x1  }
0x48a: {  	_ =	swait.ge @!p0 [sflag:s0], s1  }
0x48b: {  	s1 =	ssub.s32 @!p0 $0x0, s1;
	[sflag:s0] =	ssyncset.done @!p0 $0x0  }
0x48c: {  	[sflag:s0] =	ssyncadd.s32 @!p0 s1  }
0x48d: {  	[bflag:$0x3] =	sbarrier.arrive $0xFFFF  }
0x48e: {  	_ =	shalt  }

</sc_bundles>
